<compile_context>
chip_gen: v7x
topology: tpu7x:2x2x1
jax: 0.10.2.dev20260603
libtpu: 0.0.44.dev20260713+nightly
codegen_flags: <defaults>
</compile_context>

<pallas_src>
import functools

import jax
import jax.numpy as jnp
from jax import lax
from jax.experimental import pallas as pl
from jax.experimental.pallas import tpu as pltpu
from jax.experimental.pallas import tpu_sc as plsc

NC = 2
NS = 16
LANES = 16
DEGW = 8
K = 40

f32 = jnp.float32


def _deg_body(n, nch, edges_hbm, ones_hbm, zeros_hbm, out_hbm,
              idx_s, idx_d, ones_v, deg_out_sh, deg_in_sh, sem_a, sem_b):
    c = lax.axis_index("c")
    s = lax.axis_index("s")
    rpt = n // NS
    base = s * rpt
    lag = 4
    pt = nch * K
    eoff = (c * NS + s) * pt
    pltpu.sync_copy(edges_hbm.at[0, pl.ds(eoff, pt)], idx_s)
    pltpu.sync_copy(edges_hbm.at[1, pl.ds(eoff, pt)], idx_d)
    pltpu.sync_copy(ones_hbm, ones_v)
    pltpu.sync_copy(zeros_hbm, deg_out_sh.at[pl.ds(base, rpt)])
    pltpu.sync_copy(zeros_hbm, deg_in_sh.at[pl.ds(base, rpt)])
    plsc.subcore_barrier()

    @pl.loop(0, nch)
    def _chunk(j):
        @pl.when(j >= lag)
        def _():
            pltpu.make_async_copy(ones_v, deg_out_sh.at[idx_s.at[pl.ds(j * K, K)]], sem_a).wait()
            pltpu.make_async_copy(ones_v, deg_in_sh.at[idx_d.at[pl.ds(j * K, K)]], sem_b).wait()
        pltpu.async_copy(ones_v, deg_out_sh.at[idx_s.at[pl.ds(j * K, K)]], sem_a, add=True)
        pltpu.async_copy(ones_v, deg_in_sh.at[idx_d.at[pl.ds(j * K, K)]], sem_b, add=True)

    for _ in range(lag):
        pltpu.make_async_copy(ones_v, deg_out_sh.at[idx_s.at[pl.ds(0, K)]], sem_a).wait()
        pltpu.make_async_copy(ones_v, deg_in_sh.at[idx_d.at[pl.ds(0, K)]], sem_b).wait()
    plsc.subcore_barrier()
    pltpu.sync_copy(deg_out_sh.at[pl.ds(base, rpt)],
                    out_hbm.at[c, 0, pl.ds(base, rpt)])
    pltpu.sync_copy(deg_in_sh.at[pl.ds(base, rpt)],
                    out_hbm.at[c, 1, pl.ds(base, rpt)])


def _deg_call(edges, n, nch):
    mesh = plsc.VectorSubcoreMesh(core_axis_name="c", subcore_axis_name="s")
    body = functools.partial(_deg_body, n, nch)
    ones = jnp.ones((K, DEGW), f32)
    zeros = jnp.zeros((n // NS, DEGW), f32)
    return pl.kernel(
        body,
        out_type=jax.ShapeDtypeStruct((NC, 2, n, DEGW), f32),
        mesh=mesh,
        compiler_params=pltpu.CompilerParams(use_tc_tiling_on_sc=False),
        scratch_types=[
            pltpu.VMEM((nch * K,), jnp.int32),
            pltpu.VMEM((nch * K,), jnp.int32),
            pltpu.VMEM((K, DEGW), f32),
            pltpu.VMEM_SHARED((n, DEGW), f32),
            pltpu.VMEM_SHARED((n, DEGW), f32),
            pltpu.SemaphoreType.DMA,
            pltpu.SemaphoreType.DMA,
        ],
    )(edges, ones, zeros)


def _agg_body(n, nch, nbuf, h_hbm, edges_hbm, zeros_hbm, out_hbm,
              idx_s, idx_d, agg_sh, *bufs):
    msg = bufs[:nbuf]
    gsem = bufs[nbuf:2 * nbuf]
    ssem = bufs[2 * nbuf:]
    c = lax.axis_index("c")
    s = lax.axis_index("s")
    rpt = n // NS
    base = s * rpt
    pt = nch * K
    eoff = (c * NS + s) * pt
    pltpu.sync_copy(edges_hbm.at[0, pl.ds(eoff, pt)], idx_s)
    pltpu.sync_copy(edges_hbm.at[1, pl.ds(eoff, pt)], idx_d)
    pltpu.sync_copy(zeros_hbm, agg_sh.at[pl.ds(base, rpt)])
    plsc.subcore_barrier()

    for b in range(nbuf):
        pltpu.async_copy(h_hbm.at[idx_s.at[pl.ds(b * K, K)]], msg[b], gsem[b])

    @pl.loop(0, nch, step=nbuf)
    def _outer(i):
        for b in range(nbuf):
            j = i + b

            @pl.when(j < nch)
            def _():
                pltpu.make_async_copy(h_hbm.at[idx_s.at[pl.ds(j * K, K)]], msg[b], gsem[b]).wait()
                pltpu.async_copy(msg[b], agg_sh.at[idx_d.at[pl.ds(j * K, K)]], ssem[b], add=True)
        for b in range(nbuf):
            j2 = i + b + nbuf

            @pl.when(j2 < nch)
            def _():
                pltpu.make_async_copy(msg[b], agg_sh.at[idx_d.at[pl.ds(j2 * K, K)]], ssem[b]).wait()
                pltpu.async_copy(h_hbm.at[idx_s.at[pl.ds(j2 * K, K)]], msg[b], gsem[b])

    for b in range(min(nbuf, nch)):
        pltpu.make_async_copy(msg[b], agg_sh.at[idx_d.at[pl.ds(0, K)]], ssem[b]).wait()
    plsc.subcore_barrier()
    pltpu.sync_copy(agg_sh.at[pl.ds(base, rpt)], out_hbm.at[c, pl.ds(base, rpt)])


def _agg_call(h, edges, nch):
    n, d = h.shape
    mesh = plsc.VectorSubcoreMesh(core_axis_name="c", subcore_axis_name="s")
    nbuf = 6
    body = functools.partial(_agg_body, n, nch, nbuf)
    zeros = jnp.zeros((n // NS, d), f32)
    return pl.kernel(
        body,
        out_type=jax.ShapeDtypeStruct((NC, n, d), f32),
        mesh=mesh,
        compiler_params=pltpu.CompilerParams(use_tc_tiling_on_sc=False),
        scratch_types=[
            pltpu.VMEM((nch * K,), jnp.int32),
            pltpu.VMEM((nch * K,), jnp.int32),
            pltpu.VMEM_SHARED((n, d), f32),
        ] + [pltpu.VMEM((K, d), f32)] * nbuf
          + [pltpu.SemaphoreType.DMA] * (2 * nbuf),
    )(h, edges, zeros)


def _tc1_body(deg_ref, x_ref, w_ref, h_ref, sc_ref):
    dp = deg_ref[...]
    do = jnp.maximum(dp[0, 0, :, 0:1] + dp[1, 0, :, 0:1], 1.0)
    di = jnp.maximum(dp[0, 1, :, 0:1] + dp[1, 1, :, 0:1], 1.0)
    so = lax.rsqrt(do)
    si = lax.rsqrt(di)
    h = jnp.dot(x_ref[...], w_ref[...], preferred_element_type=f32)
    h_ref[...] = h * so
    sc_ref[...] = jnp.concatenate([so, si], axis=1)


def _tc1_call(deg, x, w1):
    n, d_in = x.shape
    hid = w1.shape[1]
    br = 2000
    return pl.pallas_call(
        _tc1_body,
        grid=(n // br,),
        in_specs=[
            pl.BlockSpec((NC, 2, br, DEGW), lambda i: (0, 0, i, 0)),
            pl.BlockSpec((br, d_in), lambda i: (i, 0)),
            pl.BlockSpec((d_in, hid), lambda i: (0, 0)),
        ],
        out_specs=[
            pl.BlockSpec((br, hid), lambda i: (i, 0)),
            pl.BlockSpec((br, 2), lambda i: (i, 0)),
        ],
        out_shape=[
            jax.ShapeDtypeStruct((n, hid), f32),
            jax.ShapeDtypeStruct((n, 2), f32),
        ],
    )(deg, x, w1)


def _tc2_body(agg_ref, sc_ref, b_ref, w_ref, h_ref):
    a = agg_ref[0] + agg_ref[1]
    sc = sc_ref[...]
    z = jnp.maximum(a * sc[:, 1:2] + b_ref[...], 0.0)
    h = jnp.dot(z, w_ref[...], preferred_element_type=f32)
    h_ref[...] = h * sc[:, 0:1]


def _tc2_call(agg, scales, b1, w2):
    _, n, hid = agg.shape
    out = w2.shape[1]
    br = 2000
    grid = n // br
    return pl.pallas_call(
        _tc2_body,
        grid=(grid,),
        in_specs=[
            pl.BlockSpec((NC, br, hid), lambda i: (0, i, 0)),
            pl.BlockSpec((br, 2), lambda i: (i, 0)),
            pl.BlockSpec((1, hid), lambda i: (0, 0)),
            pl.BlockSpec((hid, out), lambda i: (0, 0)),
        ],
        out_specs=pl.BlockSpec((br, out), lambda i: (i, 0)),
        out_shape=jax.ShapeDtypeStruct((n, out), f32),
    )(agg, scales, b1, w2)


def _tc3_body(agg_ref, sc_ref, b_ref, o_ref):
    a = (agg_ref[0] + agg_ref[1]) * sc_ref[:, 1:2] + b_ref[...]
    m = jnp.max(a, axis=1, keepdims=True)
    e = jnp.exp(a - m)
    lse = jnp.log(jnp.sum(e, axis=1, keepdims=True))
    o_ref[...] = a - m - lse


def _tc3_call(agg, scales, b2):
    _, n, out = agg.shape
    br = 2000
    grid = n // br
    return pl.pallas_call(
        _tc3_body,
        grid=(grid,),
        in_specs=[
            pl.BlockSpec((NC, br, out), lambda i: (0, i, 0)),
            pl.BlockSpec((br, 2), lambda i: (i, 0)),
            pl.BlockSpec((1, out), lambda i: (0, 0)),
        ],
        out_specs=pl.BlockSpec((br, out), lambda i: (i, 0)),
        out_shape=jax.ShapeDtypeStruct((n, out), f32),
    )(agg, scales, b2)


def kernel(features, edge_index, W1, b1, W2, b2):
    n, _ = features.shape
    e = edge_index.shape[1]
    per_tile = e // (NC * NS)
    nch = per_tile // K

    deg = _deg_call(edge_index, n, nch)
    h1, scales = _tc1_call(deg, features, W1)
    agg1 = _agg_call(h1, edge_index, nch)
    h2 = _tc2_call(agg1, scales, b1.reshape(1, -1), W2)
    agg2 = _agg_call(h2, edge_index, nch)
    return _tc3_call(agg2, scales, b2.reshape(1, -1))

# --- scband reference (transcript-rebuilt; emitter-appended) ---
"""Pipeline reference for scband-gcn-16896401342481 (READ-ONLY COPY).

The authoritative reference and input builder live on the scoring server;
editing this copy changes nothing except your own understanding.
"""

import jax, jax.numpy as jnp
import numpy as np

N = 10000
E = 320000
IN = 128
HID = 128
OUT = 40


def setup_inputs(seed: int = 0) -> dict:
    key = jax.random.key(seed)
    ks = jax.random.split(key, 4)
    features = jax.random.normal(ks[0], (N, IN), dtype=jnp.float32)
    edge_index = jax.random.randint(ks[1], (2, E), 0, N, dtype=jnp.int32)
    W1 = jax.random.normal(ks[2], (IN, HID), dtype=jnp.float32) / np.sqrt(IN)
    b1 = jnp.zeros((HID,), dtype=jnp.float32)
    W2 = jax.random.normal(ks[3], (HID, OUT), dtype=jnp.float32) / np.sqrt(HID)
    b2 = jnp.zeros((OUT,), dtype=jnp.float32)
    return {"features": features, "edge_index": edge_index, "W1": W1, "b1": b1, "W2": W2, "b2": b2}


def _graph_conv(x, edge_index, W, b):
    # DGL GraphConv with norm='both': h = D_in^{-1/2} A D_out^{-1/2} (x W) + b
    src = edge_index[0]
    dst = edge_index[1]
    n = x.shape[0]
    deg_out = jnp.clip(jnp.bincount(src, length=n).astype(jnp.float32), 1.0, None)
    deg_in = jnp.clip(jnp.bincount(dst, length=n).astype(jnp.float32), 1.0, None)
    h = x @ W
    h = h * jax.lax.rsqrt(deg_out)[:, None]
    msg = jnp.take(h, src, axis=0)
    agg = jnp.zeros((n, h.shape[1]), dtype=h.dtype).at[dst].add(msg)
    agg = agg * jax.lax.rsqrt(deg_in)[:, None]
    return agg + b


def reference(features, edge_index, W1, b1, W2, b2):
    h = _graph_conv(features, edge_index, W1, b1)
    h = jax.nn.relu(h)  # activation inside layer0 + explicit relu (idempotent)
    # dropout is identity in eval mode
    h = _graph_conv(h, edge_index, W2, b2)
    return jax.nn.log_softmax(h, axis=1)

if __name__ == "__main__":
    import jax
    _d = setup_inputs()
    print(jax.jit(kernel)(*tuple(_d.values())))

</pallas_src>

<mosaic_0001>
#map = affine_map<(d0, d1) -> (0, 0)>
#map1 = affine_map<(d0, d1) -> (0, 0, 0, 0)>
module attributes {stable_mosaic.version = 14 : i64} {
  func.func @_deg_body(%arg0: i32, %arg1: i32, %arg2: memref<2x320000xi32, #tpu.memory_space<hbm>>, %arg3: memref<40x8xf32, #tpu.memory_space<hbm>>, %arg4: memref<625x8xf32, #tpu.memory_space<hbm>>, %arg5: memref<2x2x10000x8xf32, #tpu.memory_space<hbm>>, %arg6: memref<10000xi32, #tpu.memory_space<vmem>>, %arg7: memref<10000xi32, #tpu.memory_space<vmem>>, %arg8: memref<40x8xf32, #tpu.memory_space<vmem>>, %arg9: memref<10000x8xf32, #tpu.memory_space<vmem_shared>>, %arg10: memref<10000x8xf32, #tpu.memory_space<vmem_shared>>, %arg11: memref<!tpu.dma_semaphore, #tpu.memory_space<semaphore_mem>>, %arg12: memref<!tpu.dma_semaphore, #tpu.memory_space<semaphore_mem>>) attributes {dimension_semantics = [#tpu.dimension_semantics<core_parallel>, #tpu.dimension_semantics<subcore_parallel>], iteration_bounds = array<i64: 2, 16>, scalar_prefetch = 0 : i64, scratch_operands = 7 : i64, tpu.core_type = #tpu.core_type<sc_vector_subcore>, window_params = [{transform_indices = #map}, {transform_indices = #map}, {transform_indices = #map}, {transform_indices = #map1}]} {
    %mul3A = arith.constant 625 : i32
    %mul3A_0 = arith.muli %arg1, %mul3A : i32
    %mul3A_1 = arith.constant 16 : i32
    %mul3A_2 = arith.muli %arg0, %mul3A_1 : i32
    %add3A = arith.addi %mul3A_2, %arg1 : i32
    %mul3A_3 = arith.constant 10000 : i32
    %mul3A_4 = arith.muli %add3A, %mul3A_3 : i32
    %run_scoped3A = arith.constant 0 : i32
    "tpu.region"() ({
      %run_scoped3A_52 = tpu.sem_alloc : memref<!tpu.dma_semaphore, #tpu.memory_space<semaphore_mem>>
      %dma_start3A = tpu.memref_slice %arg2[%run_scoped3A, %mul3A_4] : memref<2x320000xi32, #tpu.memory_space<hbm>> -> memref<1x10000xi32, #tpu.memory_space<hbm>>
      %dma_start3A_53 = tpu.memref_squeeze %dma_start3A : memref<1x10000xi32, #tpu.memory_space<hbm>> -> memref<10000xi32, #tpu.memory_space<hbm>>
      %dma_start3A_54 = tpu.memref_slice %arg2[%run_scoped3A, %mul3A_4] : memref<2x320000xi32, #tpu.memory_space<hbm>> -> memref<1x10000xi32, #tpu.memory_space<hbm>>
      %dma_start3A_55 = tpu.memref_squeeze %dma_start3A_54 : memref<1x10000xi32, #tpu.memory_space<hbm>> -> memref<10000xi32, #tpu.memory_space<hbm>>
      tpu.enqueue_dma source(%dma_start3A_55 : memref<10000xi32, #tpu.memory_space<hbm>>) target(%arg6 : memref<10000xi32, #tpu.memory_space<vmem>>) target_semaphore(%run_scoped3A_52 : memref<!tpu.dma_semaphore, #tpu.memory_space<semaphore_mem>>)
      %dma_wait3A_56 = tpu.memref_slice %arg2[%run_scoped3A, %mul3A_4] : memref<2x320000xi32, #tpu.memory_space<hbm>> -> memref<1x10000xi32, #tpu.memory_space<hbm>>
      %dma_wait3A_57 = tpu.memref_squeeze %dma_wait3A_56 : memref<1x10000xi32, #tpu.memory_space<hbm>> -> memref<10000xi32, #tpu.memory_space<hbm>>
      %dma_wait3A_58 = tpu.memref_slice %arg2[%run_scoped3A, %mul3A_4] : memref<2x320000xi32, #tpu.memory_space<hbm>> -> memref<1x10000xi32, #tpu.memory_space<hbm>>
      %dma_wait3A_59 = tpu.memref_squeeze %dma_wait3A_58 : memref<1x10000xi32, #tpu.memory_space<hbm>> -> memref<10000xi32, #tpu.memory_space<hbm>>
      tpu.wait_dma2 semaphore(%run_scoped3A_52 : memref<!tpu.dma_semaphore, #tpu.memory_space<semaphore_mem>>) src(%dma_wait3A_59 : memref<10000xi32, #tpu.memory_space<hbm>>) dst(%arg6 : memref<10000xi32, #tpu.memory_space<vmem>>)
      tpu.yield
    }) : () -> ()
    %run_scoped3A_5 = arith.constant 1 : i32
    "tpu.region"() ({
      %run_scoped3A_52 = tpu.sem_alloc : memref<!tpu.dma_semaphore, #tpu.memory_space<semaphore_mem>>
      %dma_start3A = tpu.memref_slice %arg2[%run_scoped3A_5, %mul3A_4] : memref<2x320000xi32, #tpu.memory_space<hbm>> -> memref<1x10000xi32, #tpu.memory_space<hbm>>
      %dma_start3A_53 = tpu.memref_squeeze %dma_start3A : memref<1x10000xi32, #tpu.memory_space<hbm>> -> memref<10000xi32, #tpu.memory_space<hbm>>
      %dma_start3A_54 = tpu.memref_slice %arg2[%run_scoped3A_5, %mul3A_4] : memref<2x320000xi32, #tpu.memory_space<hbm>> -> memref<1x10000xi32, #tpu.memory_space<hbm>>
      %dma_start3A_55 = tpu.memref_squeeze %dma_start3A_54 : memref<1x10000xi32, #tpu.memory_space<hbm>> -> memref<10000xi32, #tpu.memory_space<hbm>>
      tpu.enqueue_dma source(%dma_start3A_55 : memref<10000xi32, #tpu.memory_space<hbm>>) target(%arg7 : memref<10000xi32, #tpu.memory_space<vmem>>) target_semaphore(%run_scoped3A_52 : memref<!tpu.dma_semaphore, #tpu.memory_space<semaphore_mem>>)
      %dma_wait3A_56 = tpu.memref_slice %arg2[%run_scoped3A_5, %mul3A_4] : memref<2x320000xi32, #tpu.memory_space<hbm>> -> memref<1x10000xi32, #tpu.memory_space<hbm>>
      %dma_wait3A_57 = tpu.memref_squeeze %dma_wait3A_56 : memref<1x10000xi32, #tpu.memory_space<hbm>> -> memref<10000xi32, #tpu.memory_space<hbm>>
      %dma_wait3A_58 = tpu.memref_slice %arg2[%run_scoped3A_5, %mul3A_4] : memref<2x320000xi32, #tpu.memory_space<hbm>> -> memref<1x10000xi32, #tpu.memory_space<hbm>>
      %dma_wait3A_59 = tpu.memref_squeeze %dma_wait3A_58 : memref<1x10000xi32, #tpu.memory_space<hbm>> -> memref<10000xi32, #tpu.memory_space<hbm>>
      tpu.wait_dma2 semaphore(%run_scoped3A_52 : memref<!tpu.dma_semaphore, #tpu.memory_space<semaphore_mem>>) src(%dma_wait3A_59 : memref<10000xi32, #tpu.memory_space<hbm>>) dst(%arg7 : memref<10000xi32, #tpu.memory_space<vmem>>)
      tpu.yield
    }) : () -> ()
    "tpu.region"() ({
      %run_scoped3A_52 = tpu.sem_alloc : memref<!tpu.dma_semaphore, #tpu.memory_space<semaphore_mem>>
      tpu.enqueue_dma source(%arg3 : memref<40x8xf32, #tpu.memory_space<hbm>>) target(%arg8 : memref<40x8xf32, #tpu.memory_space<vmem>>) target_semaphore(%run_scoped3A_52 : memref<!tpu.dma_semaphore, #tpu.memory_space<semaphore_mem>>)
      tpu.wait_dma2 semaphore(%run_scoped3A_52 : memref<!tpu.dma_semaphore, #tpu.memory_space<semaphore_mem>>) src(%arg3 : memref<40x8xf32, #tpu.memory_space<hbm>>) dst(%arg8 : memref<40x8xf32, #tpu.memory_space<vmem>>)
      tpu.yield
    }) : () -> ()
    "tpu.region"() ({
      %run_scoped3A_52 = tpu.sem_alloc : memref<!tpu.dma_semaphore, #tpu.memory_space<semaphore_mem>>
      %dma_start3A = arith.constant 0 : i32
      %dma_start3A_53 = tpu.memref_slice %arg9[%mul3A_0, %dma_start3A] : memref<10000x8xf32, #tpu.memory_space<vmem_shared>> -> memref<625x8xf32, #tpu.memory_space<vmem_shared>>
      tpu.enqueue_dma source(%arg4 : memref<625x8xf32, #tpu.memory_space<hbm>>) target(%dma_start3A_53 : memref<625x8xf32, #tpu.memory_space<vmem_shared>>) target_semaphore(%run_scoped3A_52 : memref<!tpu.dma_semaphore, #tpu.memory_space<semaphore_mem>>)
      %dma_wait3A_54 = arith.constant 0 : i32
      %dma_wait3A_55 = tpu.memref_slice %arg9[%mul3A_0, %dma_wait3A_54] : memref<10000x8xf32, #tpu.memory_space<vmem_shared>> -> memref<625x8xf32, #tpu.memory_space<vmem_shared>>
      tpu.wait_dma2 semaphore(%run_scoped3A_52 : memref<!tpu.dma_semaphore, #tpu.memory_space<semaphore_mem>>) src(%arg4 : memref<625x8xf32, #tpu.memory_space<hbm>>) dst(%dma_wait3A_55 : memref<625x8xf32, #tpu.memory_space<vmem_shared>>)
      tpu.yield
    }) : () -> ()
    "tpu.region"() ({
      %run_scoped3A_52 = tpu.sem_alloc : memref<!tpu.dma_semaphore, #tpu.memory_space<semaphore_mem>>
      %dma_start3A = arith.constant 0 : i32
      %dma_start3A_53 = tpu.memref_slice %arg10[%mul3A_0, %dma_start3A] : memref<10000x8xf32, #tpu.memory_space<vmem_shared>> -> memref<625x8xf32, #tpu.memory_space<vmem_shared>>
      tpu.enqueue_dma source(%arg4 : memref<625x8xf32, #tpu.memory_space<hbm>>) target(%dma_start3A_53 : memref<625x8xf32, #tpu.memory_space<vmem_shared>>) target_semaphore(%run_scoped3A_52 : memref<!tpu.dma_semaphore, #tpu.memory_space<semaphore_mem>>)
      %dma_wait3A_54 = arith.constant 0 : i32
      %dma_wait3A_55 = tpu.memref_slice %arg10[%mul3A_0, %dma_wait3A_54] : memref<10000x8xf32, #tpu.memory_space<vmem_shared>> -> memref<625x8xf32, #tpu.memory_space<vmem_shared>>
      tpu.wait_dma2 semaphore(%run_scoped3A_52 : memref<!tpu.dma_semaphore, #tpu.memory_space<semaphore_mem>>) src(%arg4 : memref<625x8xf32, #tpu.memory_space<hbm>>) dst(%dma_wait3A_55 : memref<625x8xf32, #tpu.memory_space<vmem_shared>>)
      tpu.yield
    }) : () -> ()
    %barrier3A = arith.constant 0 : index
    tpu.barrier barrier_id(%barrier3A)
    %scan3A = arith.constant 0 : i32
    %scan3A_6 = arith.constant 250 : i32
    %scan3A_7 = arith.addi %scan3A, %scan3A_6 : i32
    %scan3A_8 = arith.constant 1 : i32
    scf.for %scan3A_52 = %scan3A to %scan3A_7 step %scan3A_8  : i32 {
      %mul3A_53 = arith.constant 1 : i32
      %mul3A_54 = arith.muli %scan3A_52, %mul3A_53 : i32
      %add3A_55 = arith.constant 0 : i32
      %add3A_56 = arith.addi %add3A_55, %mul3A_54 : i32
      %ge3A = arith.constant 4 : i32
      %ge3A_57 = arith.cmpi sge, %add3A_56, %ge3A : i32
      %convert_element_type3A = arith.extui %ge3A_57 : i1 to i32
      %cond3A = arith.constant 0 : i32
      %cond3A_58 = arith.cmpi ne, %convert_element_type3A, %cond3A : i32
      scf.if %cond3A_58 {
        %mul3A_70 = arith.constant 40 : i32
        %mul3A_71 = arith.muli %add3A_56, %mul3A_70 : i32
        %dma_wait3A_72 = tpu.memref_slice %arg6[%mul3A_71] : memref<10000xi32, #tpu.memory_space<vmem>> -> memref<40xi32, #tpu.memory_space<vmem>>
        %dma_wait3A_73 = arith.constant 0 : i32
        %dma_wait3A_74 = arith.constant 0 : i32
        %dma_wait3A_75 = tpu.memref_slice %arg9[%dma_wait3A_73, %dma_wait3A_74] : memref<10000x8xf32, #tpu.memory_space<vmem_shared>> -> memref<10000x8xf32, #tpu.memory_space<vmem_shared>>
        tpu.wait_indirect_dma semaphore(%arg11 : memref<!tpu.dma_semaphore, #tpu.memory_space<semaphore_mem>>) src(%arg8 : memref<40x8xf32, #tpu.memory_space<vmem>>) dst(%dma_wait3A_75 : memref<10000x8xf32, #tpu.memory_space<vmem_shared>>)
        %mul3A_76 = arith.constant 40 : i32
        %mul3A_77 = arith.muli %add3A_56, %mul3A_76 : i32
        %dma_wait3A_78 = tpu.memref_slice %arg7[%mul3A_77] : memref<10000xi32, #tpu.memory_space<vmem>> -> memref<40xi32, #tpu.memory_space<vmem>>
        %dma_wait3A_79 = arith.constant 0 : i32
        %dma_wait3A_80 = arith.constant 0 : i32
        %dma_wait3A_81 = tpu.memref_slice %arg10[%dma_wait3A_79, %dma_wait3A_80] : memref<10000x8xf32, #tpu.memory_space<vmem_shared>> -> memref<10000x8xf32, #tpu.memory_space<vmem_shared>>
        tpu.wait_indirect_dma semaphore(%arg12 : memref<!tpu.dma_semaphore, #tpu.memory_space<semaphore_mem>>) src(%arg8 : memref<40x8xf32, #tpu.memory_space<vmem>>) dst(%dma_wait3A_81 : memref<10000x8xf32, #tpu.memory_space<vmem_shared>>)
      } else {
      }
      %mul3A_59 = arith.constant 40 : i32
      %mul3A_60 = arith.muli %add3A_56, %mul3A_59 : i32
      %dma_start3A = tpu.memref_slice %arg6[%mul3A_60] : memref<10000xi32, #tpu.memory_space<vmem>> -> memref<40xi32, #tpu.memory_space<vmem>>
      %dma_start3A_61 = arith.constant 0 : i32
      %dma_start3A_62 = arith.constant 0 : i32
      %dma_start3A_63 = tpu.memref_slice %arg9[%dma_start3A_61, %dma_start3A_62] : memref<10000x8xf32, #tpu.memory_space<vmem_shared>> -> memref<10000x8xf32, #tpu.memory_space<vmem_shared>>
      tpu.enqueue_indirect_dma source(%arg8 : memref<40x8xf32, #tpu.memory_space<vmem>>) target(%dma_start3A_63 : memref<10000x8xf32, #tpu.memory_space<vmem_shared>>) offsets(%dma_start3A : memref<40xi32, #tpu.memory_space<vmem>>) semaphore(%arg11 : memref<!tpu.dma_semaphore, #tpu.memory_space<semaphore_mem>>) {add = true}
      %mul3A_64 = arith.constant 40 : i32
      %mul3A_65 = arith.muli %add3A_56, %mul3A_64 : i32
      %dma_start3A_66 = tpu.memref_slice %arg7[%mul3A_65] : memref<10000xi32, #tpu.memory_space<vmem>> -> memref<40xi32, #tpu.memory_space<vmem>>
      %dma_start3A_67 = arith.constant 0 : i32
      %dma_start3A_68 = arith.constant 0 : i32
      %dma_start3A_69 = tpu.memref_slice %arg10[%dma_start3A_67, %dma_start3A_68] : memref<10000x8xf32, #tpu.memory_space<vmem_shared>> -> memref<10000x8xf32, #tpu.memory_space<vmem_shared>>
      tpu.enqueue_indirect_dma source(%arg8 : memref<40x8xf32, #tpu.memory_space<vmem>>) target(%dma_start3A_69 : memref<10000x8xf32, #tpu.memory_space<vmem_shared>>) offsets(%dma_start3A_66 : memref<40xi32, #tpu.memory_space<vmem>>) semaphore(%arg12 : memref<!tpu.dma_semaphore, #tpu.memory_space<semaphore_mem>>) {add = true}
    }
    %scan3A_9 = arith.constant 250 : i32
    %dma_wait3A = arith.constant 0 : i32
    %dma_wait3A_10 = tpu.memref_slice %arg6[%dma_wait3A] : memref<10000xi32, #tpu.memory_space<vmem>> -> memref<40xi32, #tpu.memory_space<vmem>>
    %dma_wait3A_11 = arith.constant 0 : i32
    %dma_wait3A_12 = arith.constant 0 : i32
    %dma_wait3A_13 = tpu.memref_slice %arg9[%dma_wait3A_11, %dma_wait3A_12] : memref<10000x8xf32, #tpu.memory_space<vmem_shared>> -> memref<10000x8xf32, #tpu.memory_space<vmem_shared>>
    tpu.wait_indirect_dma semaphore(%arg11 : memref<!tpu.dma_semaphore, #tpu.memory_space<semaphore_mem>>) src(%arg8 : memref<40x8xf32, #tpu.memory_space<vmem>>) dst(%dma_wait3A_13 : memref<10000x8xf32, #tpu.memory_space<vmem_shared>>)
    %dma_wait3A_14 = arith.constant 0 : i32
    %dma_wait3A_15 = tpu.memref_slice %arg7[%dma_wait3A_14] : memref<10000xi32, #tpu.memory_space<vmem>> -> memref<40xi32, #tpu.memory_space<vmem>>
    %dma_wait3A_16 = arith.constant 0 : i32
    %dma_wait3A_17 = arith.constant 0 : i32
    %dma_wait3A_18 = tpu.memref_slice %arg10[%dma_wait3A_16, %dma_wait3A_17] : memref<10000x8xf32, #tpu.memory_space<vmem_shared>> -> memref<10000x8xf32, #tpu.memory_space<vmem_shared>>
    tpu.wait_indirect_dma semaphore(%arg12 : memref<!tpu.dma_semaphore, #tpu.memory_space<semaphore_mem>>) src(%arg8 : memref<40x8xf32, #tpu.memory_space<vmem>>) dst(%dma_wait3A_18 : memref<10000x8xf32, #tpu.memory_space<vmem_shared>>)
    %dma_wait3A_19 = arith.constant 0 : i32
    %dma_wait3A_20 = tpu.memref_slice %arg6[%dma_wait3A_19] : memref<10000xi32, #tpu.memory_space<vmem>> -> memref<40xi32, #tpu.memory_space<vmem>>
    %dma_wait3A_21 = arith.constant 0 : i32
    %dma_wait3A_22 = arith.constant 0 : i32
    %dma_wait3A_23 = tpu.memref_slice %arg9[%dma_wait3A_21, %dma_wait3A_22] : memref<10000x8xf32, #tpu.memory_space<vmem_shared>> -> memref<10000x8xf32, #tpu.memory_space<vmem_shared>>
    tpu.wait_indirect_dma semaphore(%arg11 : memref<!tpu.dma_semaphore, #tpu.memory_space<semaphore_mem>>) src(%arg8 : memref<40x8xf32, #tpu.memory_space<vmem>>) dst(%dma_wait3A_23 : memref<10000x8xf32, #tpu.memory_space<vmem_shared>>)
    %dma_wait3A_24 = arith.constant 0 : i32
    %dma_wait3A_25 = tpu.memref_slice %arg7[%dma_wait3A_24] : memref<10000xi32, #tpu.memory_space<vmem>> -> memref<40xi32, #tpu.memory_space<vmem>>
    %dma_wait3A_26 = arith.constant 0 : i32
    %dma_wait3A_27 = arith.constant 0 : i32
    %dma_wait3A_28 = tpu.memref_slice %arg10[%dma_wait3A_26, %dma_wait3A_27] : memref<10000x8xf32, #tpu.memory_space<vmem_shared>> -> memref<10000x8xf32, #tpu.memory_space<vmem_shared>>
    tpu.wait_indirect_dma semaphore(%arg12 : memref<!tpu.dma_semaphore, #tpu.memory_space<semaphore_mem>>) src(%arg8 : memref<40x8xf32, #tpu.memory_space<vmem>>) dst(%dma_wait3A_28 : memref<10000x8xf32, #tpu.memory_space<vmem_shared>>)
    %dma_wait3A_29 = arith.constant 0 : i32
    %dma_wait3A_30 = tpu.memref_slice %arg6[%dma_wait3A_29] : memref<10000xi32, #tpu.memory_space<vmem>> -> memref<40xi32, #tpu.memory_space<vmem>>
    %dma_wait3A_31 = arith.constant 0 : i32
    %dma_wait3A_32 = arith.constant 0 : i32
    %dma_wait3A_33 = tpu.memref_slice %arg9[%dma_wait3A_31, %dma_wait3A_32] : memref<10000x8xf32, #tpu.memory_space<vmem_shared>> -> memref<10000x8xf32, #tpu.memory_space<vmem_shared>>
    tpu.wait_indirect_dma semaphore(%arg11 : memref<!tpu.dma_semaphore, #tpu.memory_space<semaphore_mem>>) src(%arg8 : memref<40x8xf32, #tpu.memory_space<vmem>>) dst(%dma_wait3A_33 : memref<10000x8xf32, #tpu.memory_space<vmem_shared>>)
    %dma_wait3A_34 = arith.constant 0 : i32
    %dma_wait3A_35 = tpu.memref_slice %arg7[%dma_wait3A_34] : memref<10000xi32, #tpu.memory_space<vmem>> -> memref<40xi32, #tpu.memory_space<vmem>>
    %dma_wait3A_36 = arith.constant 0 : i32
    %dma_wait3A_37 = arith.constant 0 : i32
    %dma_wait3A_38 = tpu.memref_slice %arg10[%dma_wait3A_36, %dma_wait3A_37] : memref<10000x8xf32, #tpu.memory_space<vmem_shared>> -> memref<10000x8xf32, #tpu.memory_space<vmem_shared>>
    tpu.wait_indirect_dma semaphore(%arg12 : memref<!tpu.dma_semaphore, #tpu.memory_space<semaphore_mem>>) src(%arg8 : memref<40x8xf32, #tpu.memory_space<vmem>>) dst(%dma_wait3A_38 : memref<10000x8xf32, #tpu.memory_space<vmem_shared>>)
    %dma_wait3A_39 = arith.constant 0 : i32
    %dma_wait3A_40 = tpu.memref_slice %arg6[%dma_wait3A_39] : memref<10000xi32, #tpu.memory_space<vmem>> -> memref<40xi32, #tpu.memory_space<vmem>>
    %dma_wait3A_41 = arith.constant 0 : i32
    %dma_wait3A_42 = arith.constant 0 : i32
    %dma_wait3A_43 = tpu.memref_slice %arg9[%dma_wait3A_41, %dma_wait3A_42] : memref<10000x8xf32, #tpu.memory_space<vmem_shared>> -> memref<10000x8xf32, #tpu.memory_space<vmem_shared>>
    tpu.wait_indirect_dma semaphore(%arg11 : memref<!tpu.dma_semaphore, #tpu.memory_space<semaphore_mem>>) src(%arg8 : memref<40x8xf32, #tpu.memory_space<vmem>>) dst(%dma_wait3A_43 : memref<10000x8xf32, #tpu.memory_space<vmem_shared>>)
    %dma_wait3A_44 = arith.constant 0 : i32
    %dma_wait3A_45 = tpu.memref_slice %arg7[%dma_wait3A_44] : memref<10000xi32, #tpu.memory_space<vmem>> -> memref<40xi32, #tpu.memory_space<vmem>>
    %dma_wait3A_46 = arith.constant 0 : i32
    %dma_wait3A_47 = arith.constant 0 : i32
    %dma_wait3A_48 = tpu.memref_slice %arg10[%dma_wait3A_46, %dma_wait3A_47] : memref<10000x8xf32, #tpu.memory_space<vmem_shared>> -> memref<10000x8xf32, #tpu.memory_space<vmem_shared>>
    tpu.wait_indirect_dma semaphore(%arg12 : memref<!tpu.dma_semaphore, #tpu.memory_space<semaphore_mem>>) src(%arg8 : memref<40x8xf32, #tpu.memory_space<vmem>>) dst(%dma_wait3A_48 : memref<10000x8xf32, #tpu.memory_space<vmem_shared>>)
    %barrier3A_49 = arith.constant 0 : index
    tpu.barrier barrier_id(%barrier3A_49)
    %run_scoped3A_50 = arith.constant 0 : i32
    "tpu.region"() ({
      %run_scoped3A_52 = tpu.sem_alloc : memref<!tpu.dma_semaphore, #tpu.memory_space<semaphore_mem>>
      %dma_start3A = arith.constant 0 : i32
      %dma_start3A_53 = tpu.memref_slice %arg5[%arg0, %run_scoped3A_50, %mul3A_0, %dma_start3A] : memref<2x2x10000x8xf32, #tpu.memory_space<hbm>> -> memref<1x1x625x8xf32, #tpu.memory_space<hbm>>
      %dma_start3A_54 = tpu.memref_squeeze %dma_start3A_53 : memref<1x1x625x8xf32, #tpu.memory_space<hbm>> -> memref<625x8xf32, #tpu.memory_space<hbm>>
      %dma_start3A_55 = arith.constant 0 : i32
      %dma_start3A_56 = tpu.memref_slice %arg9[%mul3A_0, %dma_start3A_55] : memref<10000x8xf32, #tpu.memory_space<vmem_shared>> -> memref<625x8xf32, #tpu.memory_space<vmem_shared>>
      tpu.enqueue_dma source(%dma_start3A_56 : memref<625x8xf32, #tpu.memory_space<vmem_shared>>) target(%dma_start3A_54 : memref<625x8xf32, #tpu.memory_space<hbm>>) target_semaphore(%run_scoped3A_52 : memref<!tpu.dma_semaphore, #tpu.memory_space<semaphore_mem>>)
      %dma_wait3A_57 = arith.constant 0 : i32
      %dma_wait3A_58 = tpu.memref_slice %arg5[%arg0, %run_scoped3A_50, %mul3A_0, %dma_wait3A_57] : memref<2x2x10000x8xf32, #tpu.memory_space<hbm>> -> memref<1x1x625x8xf32, #tpu.memory_space<hbm>>
      %dma_wait3A_59 = tpu.memref_squeeze %dma_wait3A_58 : memref<1x1x625x8xf32, #tpu.memory_space<hbm>> -> memref<625x8xf32, #tpu.memory_space<hbm>>
      %dma_wait3A_60 = arith.constant 0 : i32
      %dma_wait3A_61 = tpu.memref_slice %arg9[%mul3A_0, %dma_wait3A_60] : memref<10000x8xf32, #tpu.memory_space<vmem_shared>> -> memref<625x8xf32, #tpu.memory_space<vmem_shared>>
      tpu.wait_dma2 semaphore(%run_scoped3A_52 : memref<!tpu.dma_semaphore, #tpu.memory_space<semaphore_mem>>) src(%dma_wait3A_61 : memref<625x8xf32, #tpu.memory_space<vmem_shared>>) dst(%dma_wait3A_59 : memref<625x8xf32, #tpu.memory_space<hbm>>)
      tpu.yield
    }) : () -> ()
    %run_scoped3A_51 = arith.constant 1 : i32
    "tpu.region"() ({
      %run_scoped3A_52 = tpu.sem_alloc : memref<!tpu.dma_semaphore, #tpu.memory_space<semaphore_mem>>
      %dma_start3A = arith.constant 0 : i32
      %dma_start3A_53 = tpu.memref_slice %arg5[%arg0, %run_scoped3A_51, %mul3A_0, %dma_start3A] : memref<2x2x10000x8xf32, #tpu.memory_space<hbm>> -> memref<1x1x625x8xf32, #tpu.memory_space<hbm>>
      %dma_start3A_54 = tpu.memref_squeeze %dma_start3A_53 : memref<1x1x625x8xf32, #tpu.memory_space<hbm>> -> memref<625x8xf32, #tpu.memory_space<hbm>>
      %dma_start3A_55 = arith.constant 0 : i32
      %dma_start3A_56 = tpu.memref_slice %arg10[%mul3A_0, %dma_start3A_55] : memref<10000x8xf32, #tpu.memory_space<vmem_shared>> -> memref<625x8xf32, #tpu.memory_space<vmem_shared>>
      tpu.enqueue_dma source(%dma_start3A_56 : memref<625x8xf32, #tpu.memory_space<vmem_shared>>) target(%dma_start3A_54 : memref<625x8xf32, #tpu.memory_space<hbm>>) target_semaphore(%run_scoped3A_52 : memref<!tpu.dma_semaphore, #tpu.memory_space<semaphore_mem>>)
      %dma_wait3A_57 = arith.constant 0 : i32
      %dma_wait3A_58 = tpu.memref_slice %arg5[%arg0, %run_scoped3A_51, %mul3A_0, %dma_wait3A_57] : memref<2x2x10000x8xf32, #tpu.memory_space<hbm>> -> memref<1x1x625x8xf32, #tpu.memory_space<hbm>>
      %dma_wait3A_59 = tpu.memref_squeeze %dma_wait3A_58 : memref<1x1x625x8xf32, #tpu.memory_space<hbm>> -> memref<625x8xf32, #tpu.memory_space<hbm>>
      %dma_wait3A_60 = arith.constant 0 : i32
      %dma_wait3A_61 = tpu.memref_slice %arg10[%mul3A_0, %dma_wait3A_60] : memref<10000x8xf32, #tpu.memory_space<vmem_shared>> -> memref<625x8xf32, #tpu.memory_space<vmem_shared>>
      tpu.wait_dma2 semaphore(%run_scoped3A_52 : memref<!tpu.dma_semaphore, #tpu.memory_space<semaphore_mem>>) src(%dma_wait3A_61 : memref<625x8xf32, #tpu.memory_space<vmem_shared>>) dst(%dma_wait3A_59 : memref<625x8xf32, #tpu.memory_space<hbm>>)
      tpu.yield
    }) : () -> ()
    return
  }
}

#map = affine_map<(d0, d1) -> (0, 0)>
#map1 = affine_map<(d0, d1) -> (0, 0, 0)>
module attributes {stable_mosaic.version = 14 : i64} {
  func.func @_agg_body(%arg0: i32, %arg1: i32, %arg2: memref<10000x128xf32, #tpu.memory_space<hbm>>, %arg3: memref<2x320000xi32, #tpu.memory_space<hbm>>, %arg4: memref<625x128xf32, #tpu.memory_space<hbm>>, %arg5: memref<2x10000x128xf32, #tpu.memory_space<hbm>>, %arg6: memref<10000xi32, #tpu.memory_space<vmem>>, %arg7: memref<10000xi32, #tpu.memory_space<vmem>>, %arg8: memref<10000x128xf32, #tpu.memory_space<vmem_shared>>, %arg9: memref<40x128xf32, #tpu.memory_space<vmem>>, %arg10: memref<40x128xf32, #tpu.memory_space<vmem>>, %arg11: memref<40x128xf32, #tpu.memory_space<vmem>>, %arg12: memref<40x128xf32, #tpu.memory_space<vmem>>, %arg13: memref<40x128xf32, #tpu.memory_space<vmem>>, %arg14: memref<40x128xf32, #tpu.memory_space<vmem>>, %arg15: memref<!tpu.dma_semaphore, #tpu.memory_space<semaphore_mem>>, %arg16: memref<!tpu.dma_semaphore, #tpu.memory_space<semaphore_mem>>, %arg17: memref<!tpu.dma_semaphore, #tpu.memory_space<semaphore_mem>>, %arg18: memref<!tpu.dma_semaphore, #tpu.memory_space<semaphore_mem>>, %arg19: memref<!tpu.dma_semaphore, #tpu.memory_space<semaphore_mem>>, %arg20: memref<!tpu.dma_semaphore, #tpu.memory_space<semaphore_mem>>, %arg21: memref<!tpu.dma_semaphore, #tpu.memory_space<semaphore_mem>>, %arg22: memref<!tpu.dma_semaphore, #tpu.memory_space<semaphore_mem>>, %arg23: memref<!tpu.dma_semaphore, #tpu.memory_space<semaphore_mem>>, %arg24: memref<!tpu.dma_semaphore, #tpu.memory_space<semaphore_mem>>, %arg25: memref<!tpu.dma_semaphore, #tpu.memory_space<semaphore_mem>>, %arg26: memref<!tpu.dma_semaphore, #tpu.memory_space<semaphore_mem>>) attributes {dimension_semantics = [#tpu.dimension_semantics<core_parallel>, #tpu.dimension_semantics<subcore_parallel>], iteration_bounds = array<i64: 2, 16>, scalar_prefetch = 0 : i64, scratch_operands = 21 : i64, tpu.core_type = #tpu.core_type<sc_vector_subcore>, window_params = [{transform_indices = #map}, {transform_indices = #map}, {transform_indices = #map}, {transform_indices = #map1}]} {
    %mul3A = arith.constant 625 : i32
    %mul3A_0 = arith.muli %arg1, %mul3A : i32
    %mul3A_1 = arith.constant 16 : i32
    %mul3A_2 = arith.muli %arg0, %mul3A_1 : i32
    %add3A = arith.addi %mul3A_2, %arg1 : i32
    %mul3A_3 = arith.constant 10000 : i32
    %mul3A_4 = arith.muli %add3A, %mul3A_3 : i32
    %run_scoped3A = arith.constant 0 : i32
    "tpu.region"() ({
      %run_scoped3A_69 = tpu.sem_alloc : memref<!tpu.dma_semaphore, #tpu.memory_space<semaphore_mem>>
      %dma_start3A_70 = tpu.memref_slice %arg3[%run_scoped3A, %mul3A_4] : memref<2x320000xi32, #tpu.memory_space<hbm>> -> memref<1x10000xi32, #tpu.memory_space<hbm>>
      %dma_start3A_71 = tpu.memref_squeeze %dma_start3A_70 : memref<1x10000xi32, #tpu.memory_space<hbm>> -> memref<10000xi32, #tpu.memory_space<hbm>>
      %dma_start3A_72 = tpu.memref_slice %arg3[%run_scoped3A, %mul3A_4] : memref<2x320000xi32, #tpu.memory_space<hbm>> -> memref<1x10000xi32, #tpu.memory_space<hbm>>
      %dma_start3A_73 = tpu.memref_squeeze %dma_start3A_72 : memref<1x10000xi32, #tpu.memory_space<hbm>> -> memref<10000xi32, #tpu.memory_space<hbm>>
      tpu.enqueue_dma source(%dma_start3A_73 : memref<10000xi32, #tpu.memory_space<hbm>>) target(%arg6 : memref<10000xi32, #tpu.memory_space<vmem>>) target_semaphore(%run_scoped3A_69 : memref<!tpu.dma_semaphore, #tpu.memory_space<semaphore_mem>>)
      %dma_wait3A_74 = tpu.memref_slice %arg3[%run_scoped3A, %mul3A_4] : memref<2x320000xi32, #tpu.memory_space<hbm>> -> memref<1x10000xi32, #tpu.memory_space<hbm>>
      %dma_wait3A_75 = tpu.memref_squeeze %dma_wait3A_74 : memref<1x10000xi32, #tpu.memory_space<hbm>> -> memref<10000xi32, #tpu.memory_space<hbm>>
      %dma_wait3A_76 = tpu.memref_slice %arg3[%run_scoped3A, %mul3A_4] : memref<2x320000xi32, #tpu.memory_space<hbm>> -> memref<1x10000xi32, #tpu.memory_space<hbm>>
      %dma_wait3A_77 = tpu.memref_squeeze %dma_wait3A_76 : memref<1x10000xi32, #tpu.memory_space<hbm>> -> memref<10000xi32, #tpu.memory_space<hbm>>
      tpu.wait_dma2 semaphore(%run_scoped3A_69 : memref<!tpu.dma_semaphore, #tpu.memory_space<semaphore_mem>>) src(%dma_wait3A_77 : memref<10000xi32, #tpu.memory_space<hbm>>) dst(%arg6 : memref<10000xi32, #tpu.memory_space<vmem>>)
      tpu.yield
    }) : () -> ()
    %run_scoped3A_5 = arith.constant 1 : i32
    "tpu.region"() ({
      %run_scoped3A_69 = tpu.sem_alloc : memref<!tpu.dma_semaphore, #tpu.memory_space<semaphore_mem>>
      %dma_start3A_70 = tpu.memref_slice %arg3[%run_scoped3A_5, %mul3A_4] : memref<2x320000xi32, #tpu.memory_space<hbm>> -> memref<1x10000xi32, #tpu.memory_space<hbm>>
      %dma_start3A_71 = tpu.memref_squeeze %dma_start3A_70 : memref<1x10000xi32, #tpu.memory_space<hbm>> -> memref<10000xi32, #tpu.memory_space<hbm>>
      %dma_start3A_72 = tpu.memref_slice %arg3[%run_scoped3A_5, %mul3A_4] : memref<2x320000xi32, #tpu.memory_space<hbm>> -> memref<1x10000xi32, #tpu.memory_space<hbm>>
      %dma_start3A_73 = tpu.memref_squeeze %dma_start3A_72 : memref<1x10000xi32, #tpu.memory_space<hbm>> -> memref<10000xi32, #tpu.memory_space<hbm>>
      tpu.enqueue_dma source(%dma_start3A_73 : memref<10000xi32, #tpu.memory_space<hbm>>) target(%arg7 : memref<10000xi32, #tpu.memory_space<vmem>>) target_semaphore(%run_scoped3A_69 : memref<!tpu.dma_semaphore, #tpu.memory_space<semaphore_mem>>)
      %dma_wait3A_74 = tpu.memref_slice %arg3[%run_scoped3A_5, %mul3A_4] : memref<2x320000xi32, #tpu.memory_space<hbm>> -> memref<1x10000xi32, #tpu.memory_space<hbm>>
      %dma_wait3A_75 = tpu.memref_squeeze %dma_wait3A_74 : memref<1x10000xi32, #tpu.memory_space<hbm>> -> memref<10000xi32, #tpu.memory_space<hbm>>
      %dma_wait3A_76 = tpu.memref_slice %arg3[%run_scoped3A_5, %mul3A_4] : memref<2x320000xi32, #tpu.memory_space<hbm>> -> memref<1x10000xi32, #tpu.memory_space<hbm>>
      %dma_wait3A_77 = tpu.memref_squeeze %dma_wait3A_76 : memref<1x10000xi32, #tpu.memory_space<hbm>> -> memref<10000xi32, #tpu.memory_space<hbm>>
      tpu.wait_dma2 semaphore(%run_scoped3A_69 : memref<!tpu.dma_semaphore, #tpu.memory_space<semaphore_mem>>) src(%dma_wait3A_77 : memref<10000xi32, #tpu.memory_space<hbm>>) dst(%arg7 : memref<10000xi32, #tpu.memory_space<vmem>>)
      tpu.yield
    }) : () -> ()
    "tpu.region"() ({
      %run_scoped3A_69 = tpu.sem_alloc : memref<!tpu.dma_semaphore, #tpu.memory_space<semaphore_mem>>
      %dma_start3A_70 = arith.constant 0 : i32
      %dma_start3A_71 = tpu.memref_slice %arg8[%mul3A_0, %dma_start3A_70] : memref<10000x128xf32, #tpu.memory_space<vmem_shared>> -> memref<625x128xf32, #tpu.memory_space<vmem_shared>>
      tpu.enqueue_dma source(%arg4 : memref<625x128xf32, #tpu.memory_space<hbm>>) target(%dma_start3A_71 : memref<625x128xf32, #tpu.memory_space<vmem_shared>>) target_semaphore(%run_scoped3A_69 : memref<!tpu.dma_semaphore, #tpu.memory_space<semaphore_mem>>)
      %dma_wait3A_72 = arith.constant 0 : i32
      %dma_wait3A_73 = tpu.memref_slice %arg8[%mul3A_0, %dma_wait3A_72] : memref<10000x128xf32, #tpu.memory_space<vmem_shared>> -> memref<625x128xf32, #tpu.memory_space<vmem_shared>>
      tpu.wait_dma2 semaphore(%run_scoped3A_69 : memref<!tpu.dma_semaphore, #tpu.memory_space<semaphore_mem>>) src(%arg4 : memref<625x128xf32, #tpu.memory_space<hbm>>) dst(%dma_wait3A_73 : memref<625x128xf32, #tpu.memory_space<vmem_shared>>)
      tpu.yield
    }) : () -> ()
    %barrier3A = arith.constant 0 : index
    tpu.barrier barrier_id(%barrier3A)
    %dma_start3A = arith.constant 0 : i32
    %dma_start3A_6 = tpu.memref_slice %arg6[%dma_start3A] : memref<10000xi32, #tpu.memory_space<vmem>> -> memref<40xi32, #tpu.memory_space<vmem>>
    %dma_start3A_7 = arith.constant 0 : i32
    %dma_start3A_8 = arith.constant 0 : i32
    %dma_start3A_9 = tpu.memref_slice %arg2[%dma_start3A_7, %dma_start3A_8] : memref<10000x128xf32, #tpu.memory_space<hbm>> -> memref<10000x128xf32, #tpu.memory_space<hbm>>
    tpu.enqueue_indirect_dma source(%dma_start3A_9 : memref<10000x128xf32, #tpu.memory_space<hbm>>) target(%arg9 : memref<40x128xf32, #tpu.memory_space<vmem>>) offsets(%dma_start3A_6 : memref<40xi32, #tpu.memory_space<vmem>>) semaphore(%arg15 : memref<!tpu.dma_semaphore, #tpu.memory_space<semaphore_mem>>)
    %dma_start3A_10 = arith.constant 40 : i32
    %dma_start3A_11 = tpu.memref_slice %arg6[%dma_start3A_10] : memref<10000xi32, #tpu.memory_space<vmem>> -> memref<40xi32, #tpu.memory_space<vmem>>
    %dma_start3A_12 = arith.constant 0 : i32
    %dma_start3A_13 = arith.constant 0 : i32
    %dma_start3A_14 = tpu.memref_slice %arg2[%dma_start3A_12, %dma_start3A_13] : memref<10000x128xf32, #tpu.memory_space<hbm>> -> memref<10000x128xf32, #tpu.memory_space<hbm>>
    tpu.enqueue_indirect_dma source(%dma_start3A_14 : memref<10000x128xf32, #tpu.memory_space<hbm>>) target(%arg10 : memref<40x128xf32, #tpu.memory_space<vmem>>) offsets(%dma_start3A_11 : memref<40xi32, #tpu.memory_space<vmem>>) semaphore(%arg16 : memref<!tpu.dma_semaphore, #tpu.memory_space<semaphore_mem>>)
    %dma_start3A_15 = arith.constant 80 : i32
    %dma_start3A_16 = tpu.memref_slice %arg6[%dma_start3A_15] : memref<10000xi32, #tpu.memory_space<vmem>> -> memref<40xi32, #tpu.memory_space<vmem>>
    %dma_start3A_17 = arith.constant 0 : i32
    %dma_start3A_18 = arith.constant 0 : i32
    %dma_start3A_19 = tpu.memref_slice %arg2[%dma_start3A_17, %dma_start3A_18] : memref<10000x128xf32, #tpu.memory_space<hbm>> -> memref<10000x128xf32, #tpu.memory_space<hbm>>
    tpu.enqueue_indirect_dma source(%dma_start3A_19 : memref<10000x128xf32, #tpu.memory_space<hbm>>) target(%arg11 : memref<40x128xf32, #tpu.memory_space<vmem>>) offsets(%dma_start3A_16 : memref<40xi32, #tpu.memory_space<vmem>>) semaphore(%arg17 : memref<!tpu.dma_semaphore, #tpu.memory_space<semaphore_mem>>)
    %dma_start3A_20 = arith.constant 120 : i32
    %dma_start3A_21 = tpu.memref_slice %arg6[%dma_start3A_20] : memref<10000xi32, #tpu.memory_space<vmem>> -> memref<40xi32, #tpu.memory_space<vmem>>
    %dma_start3A_22 = arith.constant 0 : i32
    %dma_start3A_23 = arith.constant 0 : i32
    %dma_start3A_24 = tpu.memref_slice %arg2[%dma_start3A_22, %dma_start3A_23] : memref<10000x128xf32, #tpu.memory_space<hbm>> -> memref<10000x128xf32, #tpu.memory_space<hbm>>
    tpu.enqueue_indirect_dma source(%dma_start3A_24 : memref<10000x128xf32, #tpu.memory_space<hbm>>) target(%arg12 : memref<40x128xf32, #tpu.memory_space<vmem>>) offsets(%dma_start3A_21 : memref<40xi32, #tpu.memory_space<vmem>>) semaphore(%arg18 : memref<!tpu.dma_semaphore, #tpu.memory_space<semaphore_mem>>)
    %dma_start3A_25 = arith.constant 160 : i32
    %dma_start3A_26 = tpu.memref_slice %arg6[%dma_start3A_25] : memref<10000xi32, #tpu.memory_space<vmem>> -> memref<40xi32, #tpu.memory_space<vmem>>
    %dma_start3A_27 = arith.constant 0 : i32
    %dma_start3A_28 = arith.constant 0 : i32
    %dma_start3A_29 = tpu.memref_slice %arg2[%dma_start3A_27, %dma_start3A_28] : memref<10000x128xf32, #tpu.memory_space<hbm>> -> memref<10000x128xf32, #tpu.memory_space<hbm>>
    tpu.enqueue_indirect_dma source(%dma_start3A_29 : memref<10000x128xf32, #tpu.memory_space<hbm>>) target(%arg13 : memref<40x128xf32, #tpu.memory_space<vmem>>) offsets(%dma_start3A_26 : memref<40xi32, #tpu.memory_space<vmem>>) semaphore(%arg19 : memref<!tpu.dma_semaphore, #tpu.memory_space<semaphore_mem>>)
    %dma_start3A_30 = arith.constant 200 : i32
    %dma_start3A_31 = tpu.memref_slice %arg6[%dma_start3A_30] : memref<10000xi32, #tpu.memory_space<vmem>> -> memref<40xi32, #tpu.memory_space<vmem>>
    %dma_start3A_32 = arith.constant 0 : i32
    %dma_start3A_33 = arith.constant 0 : i32
    %dma_start3A_34 = tpu.memref_slice %arg2[%dma_start3A_32, %dma_start3A_33] : memref<10000x128xf32, #tpu.memory_space<hbm>> -> memref<10000x128xf32, #tpu.memory_space<hbm>>
    tpu.enqueue_indirect_dma source(%dma_start3A_34 : memref<10000x128xf32, #tpu.memory_space<hbm>>) target(%arg14 : memref<40x128xf32, #tpu.memory_space<vmem>>) offsets(%dma_start3A_31 : memref<40xi32, #tpu.memory_space<vmem>>) semaphore(%arg20 : memref<!tpu.dma_semaphore, #tpu.memory_space<semaphore_mem>>)
    %scan3A = arith.constant 0 : i32
    %scan3A_35 = arith.constant 42 : i32
    %scan3A_36 = arith.addi %scan3A, %scan3A_35 : i32
    %scan3A_37 = arith.constant 1 : i32
    scf.for %scan3A_69 = %scan3A to %scan3A_36 step %scan3A_37  : i32 {
      %mul3A_70 = arith.constant 6 : i32
      %mul3A_71 = arith.muli %scan3A_69, %mul3A_70 : i32
      %add3A_72 = arith.constant 0 : i32
      %add3A_73 = arith.addi %add3A_72, %mul3A_71 : i32
      %add3A_74 = arith.constant 0 : i32
      %add3A_75 = arith.addi %add3A_73, %add3A_74 : i32
      %lt3A = arith.constant 250 : i32
      %lt3A_76 = arith.cmpi slt, %add3A_75, %lt3A : i32
      %convert_element_type3A = arith.extui %lt3A_76 : i1 to i32
      %cond3A = arith.constant 0 : i32
      %cond3A_77 = arith.cmpi ne, %convert_element_type3A, %cond3A : i32
      scf.if %cond3A_77 {
        %mul3A_167 = arith.constant 40 : i32
        %mul3A_168 = arith.muli %add3A_75, %mul3A_167 : i32
        %dma_wait3A_169 = tpu.memref_slice %arg6[%mul3A_168] : memref<10000xi32, #tpu.memory_space<vmem>> -> memref<40xi32, #tpu.memory_space<vmem>>
        %dma_wait3A_170 = arith.constant 0 : i32
        %dma_wait3A_171 = arith.constant 0 : i32
        %dma_wait3A_172 = tpu.memref_slice %arg2[%dma_wait3A_170, %dma_wait3A_171] : memref<10000x128xf32, #tpu.memory_space<hbm>> -> memref<10000x128xf32, #tpu.memory_space<hbm>>
        tpu.wait_indirect_dma semaphore(%arg15 : memref<!tpu.dma_semaphore, #tpu.memory_space<semaphore_mem>>) src(%dma_wait3A_172 : memref<10000x128xf32, #tpu.memory_space<hbm>>) dst(%arg9 : memref<40x128xf32, #tpu.memory_space<vmem>>)
        %mul3A_173 = arith.constant 40 : i32
        %mul3A_174 = arith.muli %add3A_75, %mul3A_173 : i32
        %dma_start3A_175 = tpu.memref_slice %arg7[%mul3A_174] : memref<10000xi32, #tpu.memory_space<vmem>> -> memref<40xi32, #tpu.memory_space<vmem>>
        %dma_start3A_176 = arith.constant 0 : i32
        %dma_start3A_177 = arith.constant 0 : i32
        %dma_start3A_178 = tpu.memref_slice %arg8[%dma_start3A_176, %dma_start3A_177] : memref<10000x128xf32, #tpu.memory_space<vmem_shared>> -> memref<10000x128xf32, #tpu.memory_space<vmem_shared>>
        tpu.enqueue_indirect_dma source(%arg9 : memref<40x128xf32, #tpu.memory_space<vmem>>) target(%dma_start3A_178 : memref<10000x128xf32, #tpu.memory_space<vmem_shared>>) offsets(%dma_start3A_175 : memref<40xi32, #tpu.memory_space<vmem>>) semaphore(%arg21 : memref<!tpu.dma_semaphore, #tpu.memory_space<semaphore_mem>>) {add = true}
      } else {
      }
      %add3A_78 = arith.constant 1 : i32
      %add3A_79 = arith.addi %add3A_73, %add3A_78 : i32
      %lt3A_80 = arith.constant 250 : i32
      %lt3A_81 = arith.cmpi slt, %add3A_79, %lt3A_80 : i32
      %convert_element_type3A_82 = arith.extui %lt3A_81 : i1 to i32
      %cond3A_83 = arith.constant 0 : i32
      %cond3A_84 = arith.cmpi ne, %convert_element_type3A_82, %cond3A_83 : i32
      scf.if %cond3A_84 {
        %mul3A_167 = arith.constant 40 : i32
        %mul3A_168 = arith.muli %add3A_79, %mul3A_167 : i32
        %dma_wait3A_169 = tpu.memref_slice %arg6[%mul3A_168] : memref<10000xi32, #tpu.memory_space<vmem>> -> memref<40xi32, #tpu.memory_space<vmem>>
        %dma_wait3A_170 = arith.constant 0 : i32
        %dma_wait3A_171 = arith.constant 0 : i32
        %dma_wait3A_172 = tpu.memref_slice %arg2[%dma_wait3A_170, %dma_wait3A_171] : memref<10000x128xf32, #tpu.memory_space<hbm>> -> memref<10000x128xf32, #tpu.memory_space<hbm>>
        tpu.wait_indirect_dma semaphore(%arg16 : memref<!tpu.dma_semaphore, #tpu.memory_space<semaphore_mem>>) src(%dma_wait3A_172 : memref<10000x128xf32, #tpu.memory_space<hbm>>) dst(%arg10 : memref<40x128xf32, #tpu.memory_space<vmem>>)
        %mul3A_173 = arith.constant 40 : i32
        %mul3A_174 = arith.muli %add3A_79, %mul3A_173 : i32
        %dma_start3A_175 = tpu.memref_slice %arg7[%mul3A_174] : memref<10000xi32, #tpu.memory_space<vmem>> -> memref<40xi32, #tpu.memory_space<vmem>>
        %dma_start3A_176 = arith.constant 0 : i32
        %dma_start3A_177 = arith.constant 0 : i32
        %dma_start3A_178 = tpu.memref_slice %arg8[%dma_start3A_176, %dma_start3A_177] : memref<10000x128xf32, #tpu.memory_space<vmem_shared>> -> memref<10000x128xf32, #tpu.memory_space<vmem_shared>>
        tpu.enqueue_indirect_dma source(%arg10 : memref<40x128xf32, #tpu.memory_space<vmem>>) target(%dma_start3A_178 : memref<10000x128xf32, #tpu.memory_space<vmem_shared>>) offsets(%dma_start3A_175 : memref<40xi32, #tpu.memory_space<vmem>>) semaphore(%arg22 : memref<!tpu.dma_semaphore, #tpu.memory_space<semaphore_mem>>) {add = true}
      } else {
      }
      %add3A_85 = arith.constant 2 : i32
      %add3A_86 = arith.addi %add3A_73, %add3A_85 : i32
      %lt3A_87 = arith.constant 250 : i32
      %lt3A_88 = arith.cmpi slt, %add3A_86, %lt3A_87 : i32
      %convert_element_type3A_89 = arith.extui %lt3A_88 : i1 to i32
      %cond3A_90 = arith.constant 0 : i32
      %cond3A_91 = arith.cmpi ne, %convert_element_type3A_89, %cond3A_90 : i32
      scf.if %cond3A_91 {
        %mul3A_167 = arith.constant 40 : i32
        %mul3A_168 = arith.muli %add3A_86, %mul3A_167 : i32
        %dma_wait3A_169 = tpu.memref_slice %arg6[%mul3A_168] : memref<10000xi32, #tpu.memory_space<vmem>> -> memref<40xi32, #tpu.memory_space<vmem>>
        %dma_wait3A_170 = arith.constant 0 : i32
        %dma_wait3A_171 = arith.constant 0 : i32
        %dma_wait3A_172 = tpu.memref_slice %arg2[%dma_wait3A_170, %dma_wait3A_171] : memref<10000x128xf32, #tpu.memory_space<hbm>> -> memref<10000x128xf32, #tpu.memory_space<hbm>>
        tpu.wait_indirect_dma semaphore(%arg17 : memref<!tpu.dma_semaphore, #tpu.memory_space<semaphore_mem>>) src(%dma_wait3A_172 : memref<10000x128xf32, #tpu.memory_space<hbm>>) dst(%arg11 : memref<40x128xf32, #tpu.memory_space<vmem>>)
        %mul3A_173 = arith.constant 40 : i32
        %mul3A_174 = arith.muli %add3A_86, %mul3A_173 : i32
        %dma_start3A_175 = tpu.memref_slice %arg7[%mul3A_174] : memref<10000xi32, #tpu.memory_space<vmem>> -> memref<40xi32, #tpu.memory_space<vmem>>
        %dma_start3A_176 = arith.constant 0 : i32
        %dma_start3A_177 = arith.constant 0 : i32
        %dma_start3A_178 = tpu.memref_slice %arg8[%dma_start3A_176, %dma_start3A_177] : memref<10000x128xf32, #tpu.memory_space<vmem_shared>> -> memref<10000x128xf32, #tpu.memory_space<vmem_shared>>
        tpu.enqueue_indirect_dma source(%arg11 : memref<40x128xf32, #tpu.memory_space<vmem>>) target(%dma_start3A_178 : memref<10000x128xf32, #tpu.memory_space<vmem_shared>>) offsets(%dma_start3A_175 : memref<40xi32, #tpu.memory_space<vmem>>) semaphore(%arg23 : memref<!tpu.dma_semaphore, #tpu.memory_space<semaphore_mem>>) {add = true}
      } else {
      }
      %add3A_92 = arith.constant 3 : i32
      %add3A_93 = arith.addi %add3A_73, %add3A_92 : i32
      %lt3A_94 = arith.constant 250 : i32
      %lt3A_95 = arith.cmpi slt, %add3A_93, %lt3A_94 : i32
      %convert_element_type3A_96 = arith.extui %lt3A_95 : i1 to i32
      %cond3A_97 = arith.constant 0 : i32
      %cond3A_98 = arith.cmpi ne, %convert_element_type3A_96, %cond3A_97 : i32
      scf.if %cond3A_98 {
        %mul3A_167 = arith.constant 40 : i32
        %mul3A_168 = arith.muli %add3A_93, %mul3A_167 : i32
        %dma_wait3A_169 = tpu.memref_slice %arg6[%mul3A_168] : memref<10000xi32, #tpu.memory_space<vmem>> -> memref<40xi32, #tpu.memory_space<vmem>>
        %dma_wait3A_170 = arith.constant 0 : i32
        %dma_wait3A_171 = arith.constant 0 : i32
        %dma_wait3A_172 = tpu.memref_slice %arg2[%dma_wait3A_170, %dma_wait3A_171] : memref<10000x128xf32, #tpu.memory_space<hbm>> -> memref<10000x128xf32, #tpu.memory_space<hbm>>
        tpu.wait_indirect_dma semaphore(%arg18 : memref<!tpu.dma_semaphore, #tpu.memory_space<semaphore_mem>>) src(%dma_wait3A_172 : memref<10000x128xf32, #tpu.memory_space<hbm>>) dst(%arg12 : memref<40x128xf32, #tpu.memory_space<vmem>>)
        %mul3A_173 = arith.constant 40 : i32
        %mul3A_174 = arith.muli %add3A_93, %mul3A_173 : i32
        %dma_start3A_175 = tpu.memref_slice %arg7[%mul3A_174] : memref<10000xi32, #tpu.memory_space<vmem>> -> memref<40xi32, #tpu.memory_space<vmem>>
        %dma_start3A_176 = arith.constant 0 : i32
        %dma_start3A_177 = arith.constant 0 : i32
        %dma_start3A_178 = tpu.memref_slice %arg8[%dma_start3A_176, %dma_start3A_177] : memref<10000x128xf32, #tpu.memory_space<vmem_shared>> -> memref<10000x128xf32, #tpu.memory_space<vmem_shared>>
        tpu.enqueue_indirect_dma source(%arg12 : memref<40x128xf32, #tpu.memory_space<vmem>>) target(%dma_start3A_178 : memref<10000x128xf32, #tpu.memory_space<vmem_shared>>) offsets(%dma_start3A_175 : memref<40xi32, #tpu.memory_space<vmem>>) semaphore(%arg24 : memref<!tpu.dma_semaphore, #tpu.memory_space<semaphore_mem>>) {add = true}
      } else {
      }
      %add3A_99 = arith.constant 4 : i32
      %add3A_100 = arith.addi %add3A_73, %add3A_99 : i32
      %lt3A_101 = arith.constant 250 : i32
      %lt3A_102 = arith.cmpi slt, %add3A_100, %lt3A_101 : i32
      %convert_element_type3A_103 = arith.extui %lt3A_102 : i1 to i32
      %cond3A_104 = arith.constant 0 : i32
      %cond3A_105 = arith.cmpi ne, %convert_element_type3A_103, %cond3A_104 : i32
      scf.if %cond3A_105 {
        %mul3A_167 = arith.constant 40 : i32
        %mul3A_168 = arith.muli %add3A_100, %mul3A_167 : i32
        %dma_wait3A_169 = tpu.memref_slice %arg6[%mul3A_168] : memref<10000xi32, #tpu.memory_space<vmem>> -> memref<40xi32, #tpu.memory_space<vmem>>
        %dma_wait3A_170 = arith.constant 0 : i32
        %dma_wait3A_171 = arith.constant 0 : i32
        %dma_wait3A_172 = tpu.memref_slice %arg2[%dma_wait3A_170, %dma_wait3A_171] : memref<10000x128xf32, #tpu.memory_space<hbm>> -> memref<10000x128xf32, #tpu.memory_space<hbm>>
        tpu.wait_indirect_dma semaphore(%arg19 : memref<!tpu.dma_semaphore, #tpu.memory_space<semaphore_mem>>) src(%dma_wait3A_172 : memref<10000x128xf32, #tpu.memory_space<hbm>>) dst(%arg13 : memref<40x128xf32, #tpu.memory_space<vmem>>)
        %mul3A_173 = arith.constant 40 : i32
        %mul3A_174 = arith.muli %add3A_100, %mul3A_173 : i32
        %dma_start3A_175 = tpu.memref_slice %arg7[%mul3A_174] : memref<10000xi32, #tpu.memory_space<vmem>> -> memref<40xi32, #tpu.memory_space<vmem>>
        %dma_start3A_176 = arith.constant 0 : i32
        %dma_start3A_177 = arith.constant 0 : i32
        %dma_start3A_178 = tpu.memref_slice %arg8[%dma_start3A_176, %dma_start3A_177] : memref<10000x128xf32, #tpu.memory_space<vmem_shared>> -> memref<10000x128xf32, #tpu.memory_space<vmem_shared>>
        tpu.enqueue_indirect_dma source(%arg13 : memref<40x128xf32, #tpu.memory_space<vmem>>) target(%dma_start3A_178 : memref<10000x128xf32, #tpu.memory_space<vmem_shared>>) offsets(%dma_start3A_175 : memref<40xi32, #tpu.memory_space<vmem>>) semaphore(%arg25 : memref<!tpu.dma_semaphore, #tpu.memory_space<semaphore_mem>>) {add = true}
      } else {
      }
      %add3A_106 = arith.constant 5 : i32
      %add3A_107 = arith.addi %add3A_73, %add3A_106 : i32
      %lt3A_108 = arith.constant 250 : i32
      %lt3A_109 = arith.cmpi slt, %add3A_107, %lt3A_108 : i32
      %convert_element_type3A_110 = arith.extui %lt3A_109 : i1 to i32
      %cond3A_111 = arith.constant 0 : i32
      %cond3A_112 = arith.cmpi ne, %convert_element_type3A_110, %cond3A_111 : i32
      scf.if %cond3A_112 {
        %mul3A_167 = arith.constant 40 : i32
        %mul3A_168 = arith.muli %add3A_107, %mul3A_167 : i32
        %dma_wait3A_169 = tpu.memref_slice %arg6[%mul3A_168] : memref<10000xi32, #tpu.memory_space<vmem>> -> memref<40xi32, #tpu.memory_space<vmem>>
        %dma_wait3A_170 = arith.constant 0 : i32
        %dma_wait3A_171 = arith.constant 0 : i32
        %dma_wait3A_172 = tpu.memref_slice %arg2[%dma_wait3A_170, %dma_wait3A_171] : memref<10000x128xf32, #tpu.memory_space<hbm>> -> memref<10000x128xf32, #tpu.memory_space<hbm>>
        tpu.wait_indirect_dma semaphore(%arg20 : memref<!tpu.dma_semaphore, #tpu.memory_space<semaphore_mem>>) src(%dma_wait3A_172 : memref<10000x128xf32, #tpu.memory_space<hbm>>) dst(%arg14 : memref<40x128xf32, #tpu.memory_space<vmem>>)
        %mul3A_173 = arith.constant 40 : i32
        %mul3A_174 = arith.muli %add3A_107, %mul3A_173 : i32
        %dma_start3A_175 = tpu.memref_slice %arg7[%mul3A_174] : memref<10000xi32, #tpu.memory_space<vmem>> -> memref<40xi32, #tpu.memory_space<vmem>>
        %dma_start3A_176 = arith.constant 0 : i32
        %dma_start3A_177 = arith.constant 0 : i32
        %dma_start3A_178 = tpu.memref_slice %arg8[%dma_start3A_176, %dma_start3A_177] : memref<10000x128xf32, #tpu.memory_space<vmem_shared>> -> memref<10000x128xf32, #tpu.memory_space<vmem_shared>>
        tpu.enqueue_indirect_dma source(%arg14 : memref<40x128xf32, #tpu.memory_space<vmem>>) target(%dma_start3A_178 : memref<10000x128xf32, #tpu.memory_space<vmem_shared>>) offsets(%dma_start3A_175 : memref<40xi32, #tpu.memory_space<vmem>>) semaphore(%arg26 : memref<!tpu.dma_semaphore, #tpu.memory_space<semaphore_mem>>) {add = true}
      } else {
      }
      %add3A_113 = arith.constant 0 : i32
      %add3A_114 = arith.addi %add3A_73, %add3A_113 : i32
      %add3A_115 = arith.constant 6 : i32
      %add3A_116 = arith.addi %add3A_114, %add3A_115 : i32
      %lt3A_117 = arith.constant 250 : i32
      %lt3A_118 = arith.cmpi slt, %add3A_116, %lt3A_117 : i32
      %convert_element_type3A_119 = arith.extui %lt3A_118 : i1 to i32
      %cond3A_120 = arith.constant 0 : i32
      %cond3A_121 = arith.cmpi ne, %convert_element_type3A_119, %cond3A_120 : i32
      scf.if %cond3A_121 {
        %mul3A_167 = arith.constant 40 : i32
        %mul3A_168 = arith.muli %add3A_116, %mul3A_167 : i32
        %dma_wait3A_169 = tpu.memref_slice %arg7[%mul3A_168] : memref<10000xi32, #tpu.memory_space<vmem>> -> memref<40xi32, #tpu.memory_space<vmem>>
        %dma_wait3A_170 = arith.constant 0 : i32
        %dma_wait3A_171 = arith.constant 0 : i32
        %dma_wait3A_172 = tpu.memref_slice %arg8[%dma_wait3A_170, %dma_wait3A_171] : memref<10000x128xf32, #tpu.memory_space<vmem_shared>> -> memref<10000x128xf32, #tpu.memory_space<vmem_shared>>
        tpu.wait_indirect_dma semaphore(%arg21 : memref<!tpu.dma_semaphore, #tpu.memory_space<semaphore_mem>>) src(%arg9 : memref<40x128xf32, #tpu.memory_space<vmem>>) dst(%dma_wait3A_172 : memref<10000x128xf32, #tpu.memory_space<vmem_shared>>)
        %mul3A_173 = arith.constant 40 : i32
        %mul3A_174 = arith.muli %add3A_116, %mul3A_173 : i32
        %dma_start3A_175 = tpu.memref_slice %arg6[%mul3A_174] : memref<10000xi32, #tpu.memory_space<vmem>> -> memref<40xi32, #tpu.memory_space<vmem>>
        %dma_start3A_176 = arith.constant 0 : i32
        %dma_start3A_177 = arith.constant 0 : i32
        %dma_start3A_178 = tpu.memref_slice %arg2[%dma_start3A_176, %dma_start3A_177] : memref<10000x128xf32, #tpu.memory_space<hbm>> -> memref<10000x128xf32, #tpu.memory_space<hbm>>
        tpu.enqueue_indirect_dma source(%dma_start3A_178 : memref<10000x128xf32, #tpu.memory_space<hbm>>) target(%arg9 : memref<40x128xf32, #tpu.memory_space<vmem>>) offsets(%dma_start3A_175 : memref<40xi32, #tpu.memory_space<vmem>>) semaphore(%arg15 : memref<!tpu.dma_semaphore, #tpu.memory_space<semaphore_mem>>)
      } else {
      }
      %add3A_122 = arith.constant 1 : i32
      %add3A_123 = arith.addi %add3A_73, %add3A_122 : i32
      %add3A_124 = arith.constant 6 : i32
      %add3A_125 = arith.addi %add3A_123, %add3A_124 : i32
      %lt3A_126 = arith.constant 250 : i32
      %lt3A_127 = arith.cmpi slt, %add3A_125, %lt3A_126 : i32
      %convert_element_type3A_128 = arith.extui %lt3A_127 : i1 to i32
      %cond3A_129 = arith.constant 0 : i32
      %cond3A_130 = arith.cmpi ne, %convert_element_type3A_128, %cond3A_129 : i32
      scf.if %cond3A_130 {
        %mul3A_167 = arith.constant 40 : i32
        %mul3A_168 = arith.muli %add3A_125, %mul3A_167 : i32
        %dma_wait3A_169 = tpu.memref_slice %arg7[%mul3A_168] : memref<10000xi32, #tpu.memory_space<vmem>> -> memref<40xi32, #tpu.memory_space<vmem>>
        %dma_wait3A_170 = arith.constant 0 : i32
        %dma_wait3A_171 = arith.constant 0 : i32
        %dma_wait3A_172 = tpu.memref_slice %arg8[%dma_wait3A_170, %dma_wait3A_171] : memref<10000x128xf32, #tpu.memory_space<vmem_shared>> -> memref<10000x128xf32, #tpu.memory_space<vmem_shared>>
        tpu.wait_indirect_dma semaphore(%arg22 : memref<!tpu.dma_semaphore, #tpu.memory_space<semaphore_mem>>) src(%arg10 : memref<40x128xf32, #tpu.memory_space<vmem>>) dst(%dma_wait3A_172 : memref<10000x128xf32, #tpu.memory_space<vmem_shared>>)
        %mul3A_173 = arith.constant 40 : i32
        %mul3A_174 = arith.muli %add3A_125, %mul3A_173 : i32
        %dma_start3A_175 = tpu.memref_slice %arg6[%mul3A_174] : memref<10000xi32, #tpu.memory_space<vmem>> -> memref<40xi32, #tpu.memory_space<vmem>>
        %dma_start3A_176 = arith.constant 0 : i32
        %dma_start3A_177 = arith.constant 0 : i32
        %dma_start3A_178 = tpu.memref_slice %arg2[%dma_start3A_176, %dma_start3A_177] : memref<10000x128xf32, #tpu.memory_space<hbm>> -> memref<10000x128xf32, #tpu.memory_space<hbm>>
        tpu.enqueue_indirect_dma source(%dma_start3A_178 : memref<10000x128xf32, #tpu.memory_space<hbm>>) target(%arg10 : memref<40x128xf32, #tpu.memory_space<vmem>>) offsets(%dma_start3A_175 : memref<40xi32, #tpu.memory_space<vmem>>) semaphore(%arg16 : memref<!tpu.dma_semaphore, #tpu.memory_space<semaphore_mem>>)
      } else {
      }
      %add3A_131 = arith.constant 2 : i32
      %add3A_132 = arith.addi %add3A_73, %add3A_131 : i32
      %add3A_133 = arith.constant 6 : i32
      %add3A_134 = arith.addi %add3A_132, %add3A_133 : i32
      %lt3A_135 = arith.constant 250 : i32
      %lt3A_136 = arith.cmpi slt, %add3A_134, %lt3A_135 : i32
      %convert_element_type3A_137 = arith.extui %lt3A_136 : i1 to i32
      %cond3A_138 = arith.constant 0 : i32
      %cond3A_139 = arith.cmpi ne, %convert_element_type3A_137, %cond3A_138 : i32
      scf.if %cond3A_139 {
        %mul3A_167 = arith.constant 40 : i32
        %mul3A_168 = arith.muli %add3A_134, %mul3A_167 : i32
        %dma_wait3A_169 = tpu.memref_slice %arg7[%mul3A_168] : memref<10000xi32, #tpu.memory_space<vmem>> -> memref<40xi32, #tpu.memory_space<vmem>>
        %dma_wait3A_170 = arith.constant 0 : i32
        %dma_wait3A_171 = arith.constant 0 : i32
        %dma_wait3A_172 = tpu.memref_slice %arg8[%dma_wait3A_170, %dma_wait3A_171] : memref<10000x128xf32, #tpu.memory_space<vmem_shared>> -> memref<10000x128xf32, #tpu.memory_space<vmem_shared>>
        tpu.wait_indirect_dma semaphore(%arg23 : memref<!tpu.dma_semaphore, #tpu.memory_space<semaphore_mem>>) src(%arg11 : memref<40x128xf32, #tpu.memory_space<vmem>>) dst(%dma_wait3A_172 : memref<10000x128xf32, #tpu.memory_space<vmem_shared>>)
        %mul3A_173 = arith.constant 40 : i32
        %mul3A_174 = arith.muli %add3A_134, %mul3A_173 : i32
        %dma_start3A_175 = tpu.memref_slice %arg6[%mul3A_174] : memref<10000xi32, #tpu.memory_space<vmem>> -> memref<40xi32, #tpu.memory_space<vmem>>
        %dma_start3A_176 = arith.constant 0 : i32
        %dma_start3A_177 = arith.constant 0 : i32
        %dma_start3A_178 = tpu.memref_slice %arg2[%dma_start3A_176, %dma_start3A_177] : memref<10000x128xf32, #tpu.memory_space<hbm>> -> memref<10000x128xf32, #tpu.memory_space<hbm>>
        tpu.enqueue_indirect_dma source(%dma_start3A_178 : memref<10000x128xf32, #tpu.memory_space<hbm>>) target(%arg11 : memref<40x128xf32, #tpu.memory_space<vmem>>) offsets(%dma_start3A_175 : memref<40xi32, #tpu.memory_space<vmem>>) semaphore(%arg17 : memref<!tpu.dma_semaphore, #tpu.memory_space<semaphore_mem>>)
      } else {
      }
      %add3A_140 = arith.constant 3 : i32
      %add3A_141 = arith.addi %add3A_73, %add3A_140 : i32
      %add3A_142 = arith.constant 6 : i32
      %add3A_143 = arith.addi %add3A_141, %add3A_142 : i32
      %lt3A_144 = arith.constant 250 : i32
      %lt3A_145 = arith.cmpi slt, %add3A_143, %lt3A_144 : i32
      %convert_element_type3A_146 = arith.extui %lt3A_145 : i1 to i32
      %cond3A_147 = arith.constant 0 : i32
      %cond3A_148 = arith.cmpi ne, %convert_element_type3A_146, %cond3A_147 : i32
      scf.if %cond3A_148 {
        %mul3A_167 = arith.constant 40 : i32
        %mul3A_168 = arith.muli %add3A_143, %mul3A_167 : i32
        %dma_wait3A_169 = tpu.memref_slice %arg7[%mul3A_168] : memref<10000xi32, #tpu.memory_space<vmem>> -> memref<40xi32, #tpu.memory_space<vmem>>
        %dma_wait3A_170 = arith.constant 0 : i32
        %dma_wait3A_171 = arith.constant 0 : i32
        %dma_wait3A_172 = tpu.memref_slice %arg8[%dma_wait3A_170, %dma_wait3A_171] : memref<10000x128xf32, #tpu.memory_space<vmem_shared>> -> memref<10000x128xf32, #tpu.memory_space<vmem_shared>>
        tpu.wait_indirect_dma semaphore(%arg24 : memref<!tpu.dma_semaphore, #tpu.memory_space<semaphore_mem>>) src(%arg12 : memref<40x128xf32, #tpu.memory_space<vmem>>) dst(%dma_wait3A_172 : memref<10000x128xf32, #tpu.memory_space<vmem_shared>>)
        %mul3A_173 = arith.constant 40 : i32
        %mul3A_174 = arith.muli %add3A_143, %mul3A_173 : i32
        %dma_start3A_175 = tpu.memref_slice %arg6[%mul3A_174] : memref<10000xi32, #tpu.memory_space<vmem>> -> memref<40xi32, #tpu.memory_space<vmem>>
        %dma_start3A_176 = arith.constant 0 : i32
        %dma_start3A_177 = arith.constant 0 : i32
        %dma_start3A_178 = tpu.memref_slice %arg2[%dma_start3A_176, %dma_start3A_177] : memref<10000x128xf32, #tpu.memory_space<hbm>> -> memref<10000x128xf32, #tpu.memory_space<hbm>>
        tpu.enqueue_indirect_dma source(%dma_start3A_178 : memref<10000x128xf32, #tpu.memory_space<hbm>>) target(%arg12 : memref<40x128xf32, #tpu.memory_space<vmem>>) offsets(%dma_start3A_175 : memref<40xi32, #tpu.memory_space<vmem>>) semaphore(%arg18 : memref<!tpu.dma_semaphore, #tpu.memory_space<semaphore_mem>>)
      } else {
      }
      %add3A_149 = arith.constant 4 : i32
      %add3A_150 = arith.addi %add3A_73, %add3A_149 : i32
      %add3A_151 = arith.constant 6 : i32
      %add3A_152 = arith.addi %add3A_150, %add3A_151 : i32
      %lt3A_153 = arith.constant 250 : i32
      %lt3A_154 = arith.cmpi slt, %add3A_152, %lt3A_153 : i32
      %convert_element_type3A_155 = arith.extui %lt3A_154 : i1 to i32
      %cond3A_156 = arith.constant 0 : i32
      %cond3A_157 = arith.cmpi ne, %convert_element_type3A_155, %cond3A_156 : i32
      scf.if %cond3A_157 {
        %mul3A_167 = arith.constant 40 : i32
        %mul3A_168 = arith.muli %add3A_152, %mul3A_167 : i32
        %dma_wait3A_169 = tpu.memref_slice %arg7[%mul3A_168] : memref<10000xi32, #tpu.memory_space<vmem>> -> memref<40xi32, #tpu.memory_space<vmem>>
        %dma_wait3A_170 = arith.constant 0 : i32
        %dma_wait3A_171 = arith.constant 0 : i32
        %dma_wait3A_172 = tpu.memref_slice %arg8[%dma_wait3A_170, %dma_wait3A_171] : memref<10000x128xf32, #tpu.memory_space<vmem_shared>> -> memref<10000x128xf32, #tpu.memory_space<vmem_shared>>
        tpu.wait_indirect_dma semaphore(%arg25 : memref<!tpu.dma_semaphore, #tpu.memory_space<semaphore_mem>>) src(%arg13 : memref<40x128xf32, #tpu.memory_space<vmem>>) dst(%dma_wait3A_172 : memref<10000x128xf32, #tpu.memory_space<vmem_shared>>)
        %mul3A_173 = arith.constant 40 : i32
        %mul3A_174 = arith.muli %add3A_152, %mul3A_173 : i32
        %dma_start3A_175 = tpu.memref_slice %arg6[%mul3A_174] : memref<10000xi32, #tpu.memory_space<vmem>> -> memref<40xi32, #tpu.memory_space<vmem>>
        %dma_start3A_176 = arith.constant 0 : i32
        %dma_start3A_177 = arith.constant 0 : i32
        %dma_start3A_178 = tpu.memref_slice %arg2[%dma_start3A_176, %dma_start3A_177] : memref<10000x128xf32, #tpu.memory_space<hbm>> -> memref<10000x128xf32, #tpu.memory_space<hbm>>
        tpu.enqueue_indirect_dma source(%dma_start3A_178 : memref<10000x128xf32, #tpu.memory_space<hbm>>) target(%arg13 : memref<40x128xf32, #tpu.memory_space<vmem>>) offsets(%dma_start3A_175 : memref<40xi32, #tpu.memory_space<vmem>>) semaphore(%arg19 : memref<!tpu.dma_semaphore, #tpu.memory_space<semaphore_mem>>)
      } else {
      }
      %add3A_158 = arith.constant 5 : i32
      %add3A_159 = arith.addi %add3A_73, %add3A_158 : i32
      %add3A_160 = arith.constant 6 : i32
      %add3A_161 = arith.addi %add3A_159, %add3A_160 : i32
      %lt3A_162 = arith.constant 250 : i32
      %lt3A_163 = arith.cmpi slt, %add3A_161, %lt3A_162 : i32
      %convert_element_type3A_164 = arith.extui %lt3A_163 : i1 to i32
      %cond3A_165 = arith.constant 0 : i32
      %cond3A_166 = arith.cmpi ne, %convert_element_type3A_164, %cond3A_165 : i32
      scf.if %cond3A_166 {
        %mul3A_167 = arith.constant 40 : i32
        %mul3A_168 = arith.muli %add3A_161, %mul3A_167 : i32
        %dma_wait3A_169 = tpu.memref_slice %arg7[%mul3A_168] : memref<10000xi32, #tpu.memory_space<vmem>> -> memref<40xi32, #tpu.memory_space<vmem>>
        %dma_wait3A_170 = arith.constant 0 : i32
        %dma_wait3A_171 = arith.constant 0 : i32
        %dma_wait3A_172 = tpu.memref_slice %arg8[%dma_wait3A_170, %dma_wait3A_171] : memref<10000x128xf32, #tpu.memory_space<vmem_shared>> -> memref<10000x128xf32, #tpu.memory_space<vmem_shared>>
        tpu.wait_indirect_dma semaphore(%arg26 : memref<!tpu.dma_semaphore, #tpu.memory_space<semaphore_mem>>) src(%arg14 : memref<40x128xf32, #tpu.memory_space<vmem>>) dst(%dma_wait3A_172 : memref<10000x128xf32, #tpu.memory_space<vmem_shared>>)
        %mul3A_173 = arith.constant 40 : i32
        %mul3A_174 = arith.muli %add3A_161, %mul3A_173 : i32
        %dma_start3A_175 = tpu.memref_slice %arg6[%mul3A_174] : memref<10000xi32, #tpu.memory_space<vmem>> -> memref<40xi32, #tpu.memory_space<vmem>>
        %dma_start3A_176 = arith.constant 0 : i32
        %dma_start3A_177 = arith.constant 0 : i32
        %dma_start3A_178 = tpu.memref_slice %arg2[%dma_start3A_176, %dma_start3A_177] : memref<10000x128xf32, #tpu.memory_space<hbm>> -> memref<10000x128xf32, #tpu.memory_space<hbm>>
        tpu.enqueue_indirect_dma source(%dma_start3A_178 : memref<10000x128xf32, #tpu.memory_space<hbm>>) target(%arg14 : memref<40x128xf32, #tpu.memory_space<vmem>>) offsets(%dma_start3A_175 : memref<40xi32, #tpu.memory_space<vmem>>) semaphore(%arg20 : memref<!tpu.dma_semaphore, #tpu.memory_space<semaphore_mem>>)
      } else {
      }
    }
    %scan3A_38 = arith.constant 42 : i32
    %dma_wait3A = arith.constant 0 : i32
    %dma_wait3A_39 = tpu.memref_slice %arg7[%dma_wait3A] : memref<10000xi32, #tpu.memory_space<vmem>> -> memref<40xi32, #tpu.memory_space<vmem>>
    %dma_wait3A_40 = arith.constant 0 : i32
    %dma_wait3A_41 = arith.constant 0 : i32
    %dma_wait3A_42 = tpu.memref_slice %arg8[%dma_wait3A_40, %dma_wait3A_41] : memref<10000x128xf32, #tpu.memory_space<vmem_shared>> -> memref<10000x128xf32, #tpu.memory_space<vmem_shared>>
    tpu.wait_indirect_dma semaphore(%arg21 : memref<!tpu.dma_semaphore, #tpu.memory_space<semaphore_mem>>) src(%arg9 : memref<40x128xf32, #tpu.memory_space<vmem>>) dst(%dma_wait3A_42 : memref<10000x128xf32, #tpu.memory_space<vmem_shared>>)
    %dma_wait3A_43 = arith.constant 0 : i32
    %dma_wait3A_44 = tpu.memref_slice %arg7[%dma_wait3A_43] : memref<10000xi32, #tpu.memory_space<vmem>> -> memref<40xi32, #tpu.memory_space<vmem>>
    %dma_wait3A_45 = arith.constant 0 : i32
    %dma_wait3A_46 = arith.constant 0 : i32
    %dma_wait3A_47 = tpu.memref_slice %arg8[%dma_wait3A_45, %dma_wait3A_46] : memref<10000x128xf32, #tpu.memory_space<vmem_shared>> -> memref<10000x128xf32, #tpu.memory_space<vmem_shared>>
    tpu.wait_indirect_dma semaphore(%arg22 : memref<!tpu.dma_semaphore, #tpu.memory_space<semaphore_mem>>) src(%arg10 : memref<40x128xf32, #tpu.memory_space<vmem>>) dst(%dma_wait3A_47 : memref<10000x128xf32, #tpu.memory_space<vmem_shared>>)
    %dma_wait3A_48 = arith.constant 0 : i32
    %dma_wait3A_49 = tpu.memref_slice %arg7[%dma_wait3A_48] : memref<10000xi32, #tpu.memory_space<vmem>> -> memref<40xi32, #tpu.memory_space<vmem>>
    %dma_wait3A_50 = arith.constant 0 : i32
    %dma_wait3A_51 = arith.constant 0 : i32
    %dma_wait3A_52 = tpu.memref_slice %arg8[%dma_wait3A_50, %dma_wait3A_51] : memref<10000x128xf32, #tpu.memory_space<vmem_shared>> -> memref<10000x128xf32, #tpu.memory_space<vmem_shared>>
    tpu.wait_indirect_dma semaphore(%arg23 : memref<!tpu.dma_semaphore, #tpu.memory_space<semaphore_mem>>) src(%arg11 : memref<40x128xf32, #tpu.memory_space<vmem>>) dst(%dma_wait3A_52 : memref<10000x128xf32, #tpu.memory_space<vmem_shared>>)
    %dma_wait3A_53 = arith.constant 0 : i32
    %dma_wait3A_54 = tpu.memref_slice %arg7[%dma_wait3A_53] : memref<10000xi32, #tpu.memory_space<vmem>> -> memref<40xi32, #tpu.memory_space<vmem>>
    %dma_wait3A_55 = arith.constant 0 : i32
    %dma_wait3A_56 = arith.constant 0 : i32
    %dma_wait3A_57 = tpu.memref_slice %arg8[%dma_wait3A_55, %dma_wait3A_56] : memref<10000x128xf32, #tpu.memory_space<vmem_shared>> -> memref<10000x128xf32, #tpu.memory_space<vmem_shared>>
    tpu.wait_indirect_dma semaphore(%arg24 : memref<!tpu.dma_semaphore, #tpu.memory_space<semaphore_mem>>) src(%arg12 : memref<40x128xf32, #tpu.memory_space<vmem>>) dst(%dma_wait3A_57 : memref<10000x128xf32, #tpu.memory_space<vmem_shared>>)
    %dma_wait3A_58 = arith.constant 0 : i32
    %dma_wait3A_59 = tpu.memref_slice %arg7[%dma_wait3A_58] : memref<10000xi32, #tpu.memory_space<vmem>> -> memref<40xi32, #tpu.memory_space<vmem>>
    %dma_wait3A_60 = arith.constant 0 : i32
    %dma_wait3A_61 = arith.constant 0 : i32
    %dma_wait3A_62 = tpu.memref_slice %arg8[%dma_wait3A_60, %dma_wait3A_61] : memref<10000x128xf32, #tpu.memory_space<vmem_shared>> -> memref<10000x128xf32, #tpu.memory_space<vmem_shared>>
    tpu.wait_indirect_dma semaphore(%arg25 : memref<!tpu.dma_semaphore, #tpu.memory_space<semaphore_mem>>) src(%arg13 : memref<40x128xf32, #tpu.memory_space<vmem>>) dst(%dma_wait3A_62 : memref<10000x128xf32, #tpu.memory_space<vmem_shared>>)
    %dma_wait3A_63 = arith.constant 0 : i32
    %dma_wait3A_64 = tpu.memref_slice %arg7[%dma_wait3A_63] : memref<10000xi32, #tpu.memory_space<vmem>> -> memref<40xi32, #tpu.memory_space<vmem>>
    %dma_wait3A_65 = arith.constant 0 : i32
    %dma_wait3A_66 = arith.constant 0 : i32
    %dma_wait3A_67 = tpu.memref_slice %arg8[%dma_wait3A_65, %dma_wait3A_66] : memref<10000x128xf32, #tpu.memory_space<vmem_shared>> -> memref<10000x128xf32, #tpu.memory_space<vmem_shared>>
    tpu.wait_indirect_dma semaphore(%arg26 : memref<!tpu.dma_semaphore, #tpu.memory_space<semaphore_mem>>) src(%arg14 : memref<40x128xf32, #tpu.memory_space<vmem>>) dst(%dma_wait3A_67 : memref<10000x128xf32, #tpu.memory_space<vmem_shared>>)
    %barrier3A_68 = arith.constant 0 : index
    tpu.barrier barrier_id(%barrier3A_68)
    "tpu.region"() ({
      %run_scoped3A_69 = tpu.sem_alloc : memref<!tpu.dma_semaphore, #tpu.memory_space<semaphore_mem>>
      %dma_start3A_70 = arith.constant 0 : i32
      %dma_start3A_71 = tpu.memref_slice %arg5[%arg0, %mul3A_0, %dma_start3A_70] : memref<2x10000x128xf32, #tpu.memory_space<hbm>> -> memref<1x625x128xf32, #tpu.memory_space<hbm>>
      %dma_start3A_72 = tpu.memref_squeeze %dma_start3A_71 : memref<1x625x128xf32, #tpu.memory_space<hbm>> -> memref<625x128xf32, #tpu.memory_space<hbm>>
      %dma_start3A_73 = arith.constant 0 : i32
      %dma_start3A_74 = tpu.memref_slice %arg8[%mul3A_0, %dma_start3A_73] : memref<10000x128xf32, #tpu.memory_space<vmem_shared>> -> memref<625x128xf32, #tpu.memory_space<vmem_shared>>
      tpu.enqueue_dma source(%dma_start3A_74 : memref<625x128xf32, #tpu.memory_space<vmem_shared>>) target(%dma_start3A_72 : memref<625x128xf32, #tpu.memory_space<hbm>>) target_semaphore(%run_scoped3A_69 : memref<!tpu.dma_semaphore, #tpu.memory_space<semaphore_mem>>)
      %dma_wait3A_75 = arith.constant 0 : i32
      %dma_wait3A_76 = tpu.memref_slice %arg5[%arg0, %mul3A_0, %dma_wait3A_75] : memref<2x10000x128xf32, #tpu.memory_space<hbm>> -> memref<1x625x128xf32, #tpu.memory_space<hbm>>
      %dma_wait3A_77 = tpu.memref_squeeze %dma_wait3A_76 : memref<1x625x128xf32, #tpu.memory_space<hbm>> -> memref<625x128xf32, #tpu.memory_space<hbm>>
      %dma_wait3A_78 = arith.constant 0 : i32
      %dma_wait3A_79 = tpu.memref_slice %arg8[%mul3A_0, %dma_wait3A_78] : memref<10000x128xf32, #tpu.memory_space<vmem_shared>> -> memref<625x128xf32, #tpu.memory_space<vmem_shared>>
      tpu.wait_dma2 semaphore(%run_scoped3A_69 : memref<!tpu.dma_semaphore, #tpu.memory_space<semaphore_mem>>) src(%dma_wait3A_79 : memref<625x128xf32, #tpu.memory_space<vmem_shared>>) dst(%dma_wait3A_77 : memref<625x128xf32, #tpu.memory_space<hbm>>)
      tpu.yield
    }) : () -> ()
    return
  }
}

#map = affine_map<(d0, d1) -> (0, 0)>
#map1 = affine_map<(d0, d1) -> (0, 0, 0)>
module attributes {stable_mosaic.version = 14 : i64} {
  func.func @_agg_body(%arg0: i32, %arg1: i32, %arg2: memref<10000x40xf32, #tpu.memory_space<hbm>>, %arg3: memref<2x320000xi32, #tpu.memory_space<hbm>>, %arg4: memref<625x40xf32, #tpu.memory_space<hbm>>, %arg5: memref<2x10000x40xf32, #tpu.memory_space<hbm>>, %arg6: memref<10000xi32, #tpu.memory_space<vmem>>, %arg7: memref<10000xi32, #tpu.memory_space<vmem>>, %arg8: memref<10000x40xf32, #tpu.memory_space<vmem_shared>>, %arg9: memref<40x40xf32, #tpu.memory_space<vmem>>, %arg10: memref<40x40xf32, #tpu.memory_space<vmem>>, %arg11: memref<40x40xf32, #tpu.memory_space<vmem>>, %arg12: memref<40x40xf32, #tpu.memory_space<vmem>>, %arg13: memref<40x40xf32, #tpu.memory_space<vmem>>, %arg14: memref<40x40xf32, #tpu.memory_space<vmem>>, %arg15: memref<!tpu.dma_semaphore, #tpu.memory_space<semaphore_mem>>, %arg16: memref<!tpu.dma_semaphore, #tpu.memory_space<semaphore_mem>>, %arg17: memref<!tpu.dma_semaphore, #tpu.memory_space<semaphore_mem>>, %arg18: memref<!tpu.dma_semaphore, #tpu.memory_space<semaphore_mem>>, %arg19: memref<!tpu.dma_semaphore, #tpu.memory_space<semaphore_mem>>, %arg20: memref<!tpu.dma_semaphore, #tpu.memory_space<semaphore_mem>>, %arg21: memref<!tpu.dma_semaphore, #tpu.memory_space<semaphore_mem>>, %arg22: memref<!tpu.dma_semaphore, #tpu.memory_space<semaphore_mem>>, %arg23: memref<!tpu.dma_semaphore, #tpu.memory_space<semaphore_mem>>, %arg24: memref<!tpu.dma_semaphore, #tpu.memory_space<semaphore_mem>>, %arg25: memref<!tpu.dma_semaphore, #tpu.memory_space<semaphore_mem>>, %arg26: memref<!tpu.dma_semaphore, #tpu.memory_space<semaphore_mem>>) attributes {dimension_semantics = [#tpu.dimension_semantics<core_parallel>, #tpu.dimension_semantics<subcore_parallel>], iteration_bounds = array<i64: 2, 16>, scalar_prefetch = 0 : i64, scratch_operands = 21 : i64, tpu.core_type = #tpu.core_type<sc_vector_subcore>, window_params = [{transform_indices = #map}, {transform_indices = #map}, {transform_indices = #map}, {transform_indices = #map1}]} {
    %mul3A = arith.constant 625 : i32
    %mul3A_0 = arith.muli %arg1, %mul3A : i32
    %mul3A_1 = arith.constant 16 : i32
    %mul3A_2 = arith.muli %arg0, %mul3A_1 : i32
    %add3A = arith.addi %mul3A_2, %arg1 : i32
    %mul3A_3 = arith.constant 10000 : i32
    %mul3A_4 = arith.muli %add3A, %mul3A_3 : i32
    %run_scoped3A = arith.constant 0 : i32
    "tpu.region"() ({
      %run_scoped3A_69 = tpu.sem_alloc : memref<!tpu.dma_semaphore, #tpu.memory_space<semaphore_mem>>
      %dma_start3A_70 = tpu.memref_slice %arg3[%run_scoped3A, %mul3A_4] : memref<2x320000xi32, #tpu.memory_space<hbm>> -> memref<1x10000xi32, #tpu.memory_space<hbm>>
      %dma_start3A_71 = tpu.memref_squeeze %dma_start3A_70 : memref<1x10000xi32, #tpu.memory_space<hbm>> -> memref<10000xi32, #tpu.memory_space<hbm>>
      %dma_start3A_72 = tpu.memref_slice %arg3[%run_scoped3A, %mul3A_4] : memref<2x320000xi32, #tpu.memory_space<hbm>> -> memref<1x10000xi32, #tpu.memory_space<hbm>>
      %dma_start3A_73 = tpu.memref_squeeze %dma_start3A_72 : memref<1x10000xi32, #tpu.memory_space<hbm>> -> memref<10000xi32, #tpu.memory_space<hbm>>
      tpu.enqueue_dma source(%dma_start3A_73 : memref<10000xi32, #tpu.memory_space<hbm>>) target(%arg6 : memref<10000xi32, #tpu.memory_space<vmem>>) target_semaphore(%run_scoped3A_69 : memref<!tpu.dma_semaphore, #tpu.memory_space<semaphore_mem>>)
      %dma_wait3A_74 = tpu.memref_slice %arg3[%run_scoped3A, %mul3A_4] : memref<2x320000xi32, #tpu.memory_space<hbm>> -> memref<1x10000xi32, #tpu.memory_space<hbm>>
      %dma_wait3A_75 = tpu.memref_squeeze %dma_wait3A_74 : memref<1x10000xi32, #tpu.memory_space<hbm>> -> memref<10000xi32, #tpu.memory_space<hbm>>
      %dma_wait3A_76 = tpu.memref_slice %arg3[%run_scoped3A, %mul3A_4] : memref<2x320000xi32, #tpu.memory_space<hbm>> -> memref<1x10000xi32, #tpu.memory_space<hbm>>
      %dma_wait3A_77 = tpu.memref_squeeze %dma_wait3A_76 : memref<1x10000xi32, #tpu.memory_space<hbm>> -> memref<10000xi32, #tpu.memory_space<hbm>>
      tpu.wait_dma2 semaphore(%run_scoped3A_69 : memref<!tpu.dma_semaphore, #tpu.memory_space<semaphore_mem>>) src(%dma_wait3A_77 : memref<10000xi32, #tpu.memory_space<hbm>>) dst(%arg6 : memref<10000xi32, #tpu.memory_space<vmem>>)
      tpu.yield
    }) : () -> ()
    %run_scoped3A_5 = arith.constant 1 : i32
    "tpu.region"() ({
      %run_scoped3A_69 = tpu.sem_alloc : memref<!tpu.dma_semaphore, #tpu.memory_space<semaphore_mem>>
      %dma_start3A_70 = tpu.memref_slice %arg3[%run_scoped3A_5, %mul3A_4] : memref<2x320000xi32, #tpu.memory_space<hbm>> -> memref<1x10000xi32, #tpu.memory_space<hbm>>
      %dma_start3A_71 = tpu.memref_squeeze %dma_start3A_70 : memref<1x10000xi32, #tpu.memory_space<hbm>> -> memref<10000xi32, #tpu.memory_space<hbm>>
      %dma_start3A_72 = tpu.memref_slice %arg3[%run_scoped3A_5, %mul3A_4] : memref<2x320000xi32, #tpu.memory_space<hbm>> -> memref<1x10000xi32, #tpu.memory_space<hbm>>
      %dma_start3A_73 = tpu.memref_squeeze %dma_start3A_72 : memref<1x10000xi32, #tpu.memory_space<hbm>> -> memref<10000xi32, #tpu.memory_space<hbm>>
      tpu.enqueue_dma source(%dma_start3A_73 : memref<10000xi32, #tpu.memory_space<hbm>>) target(%arg7 : memref<10000xi32, #tpu.memory_space<vmem>>) target_semaphore(%run_scoped3A_69 : memref<!tpu.dma_semaphore, #tpu.memory_space<semaphore_mem>>)
      %dma_wait3A_74 = tpu.memref_slice %arg3[%run_scoped3A_5, %mul3A_4] : memref<2x320000xi32, #tpu.memory_space<hbm>> -> memref<1x10000xi32, #tpu.memory_space<hbm>>
      %dma_wait3A_75 = tpu.memref_squeeze %dma_wait3A_74 : memref<1x10000xi32, #tpu.memory_space<hbm>> -> memref<10000xi32, #tpu.memory_space<hbm>>
      %dma_wait3A_76 = tpu.memref_slice %arg3[%run_scoped3A_5, %mul3A_4] : memref<2x320000xi32, #tpu.memory_space<hbm>> -> memref<1x10000xi32, #tpu.memory_space<hbm>>
      %dma_wait3A_77 = tpu.memref_squeeze %dma_wait3A_76 : memref<1x10000xi32, #tpu.memory_space<hbm>> -> memref<10000xi32, #tpu.memory_space<hbm>>
      tpu.wait_dma2 semaphore(%run_scoped3A_69 : memref<!tpu.dma_semaphore, #tpu.memory_space<semaphore_mem>>) src(%dma_wait3A_77 : memref<10000xi32, #tpu.memory_space<hbm>>) dst(%arg7 : memref<10000xi32, #tpu.memory_space<vmem>>)
      tpu.yield
    }) : () -> ()
    "tpu.region"() ({
      %run_scoped3A_69 = tpu.sem_alloc : memref<!tpu.dma_semaphore, #tpu.memory_space<semaphore_mem>>
      %dma_start3A_70 = arith.constant 0 : i32
      %dma_start3A_71 = tpu.memref_slice %arg8[%mul3A_0, %dma_start3A_70] : memref<10000x40xf32, #tpu.memory_space<vmem_shared>> -> memref<625x40xf32, #tpu.memory_space<vmem_shared>>
      tpu.enqueue_dma source(%arg4 : memref<625x40xf32, #tpu.memory_space<hbm>>) target(%dma_start3A_71 : memref<625x40xf32, #tpu.memory_space<vmem_shared>>) target_semaphore(%run_scoped3A_69 : memref<!tpu.dma_semaphore, #tpu.memory_space<semaphore_mem>>)
      %dma_wait3A_72 = arith.constant 0 : i32
      %dma_wait3A_73 = tpu.memref_slice %arg8[%mul3A_0, %dma_wait3A_72] : memref<10000x40xf32, #tpu.memory_space<vmem_shared>> -> memref<625x40xf32, #tpu.memory_space<vmem_shared>>
      tpu.wait_dma2 semaphore(%run_scoped3A_69 : memref<!tpu.dma_semaphore, #tpu.memory_space<semaphore_mem>>) src(%arg4 : memref<625x40xf32, #tpu.memory_space<hbm>>) dst(%dma_wait3A_73 : memref<625x40xf32, #tpu.memory_space<vmem_shared>>)
      tpu.yield
    }) : () -> ()
    %barrier3A = arith.constant 0 : index
    tpu.barrier barrier_id(%barrier3A)
    %dma_start3A = arith.constant 0 : i32
    %dma_start3A_6 = tpu.memref_slice %arg6[%dma_start3A] : memref<10000xi32, #tpu.memory_space<vmem>> -> memref<40xi32, #tpu.memory_space<vmem>>
    %dma_start3A_7 = arith.constant 0 : i32
    %dma_start3A_8 = arith.constant 0 : i32
    %dma_start3A_9 = tpu.memref_slice %arg2[%dma_start3A_7, %dma_start3A_8] : memref<10000x40xf32, #tpu.memory_space<hbm>> -> memref<10000x40xf32, #tpu.memory_space<hbm>>
    tpu.enqueue_indirect_dma source(%dma_start3A_9 : memref<10000x40xf32, #tpu.memory_space<hbm>>) target(%arg9 : memref<40x40xf32, #tpu.memory_space<vmem>>) offsets(%dma_start3A_6 : memref<40xi32, #tpu.memory_space<vmem>>) semaphore(%arg15 : memref<!tpu.dma_semaphore, #tpu.memory_space<semaphore_mem>>)
    %dma_start3A_10 = arith.constant 40 : i32
    %dma_start3A_11 = tpu.memref_slice %arg6[%dma_start3A_10] : memref<10000xi32, #tpu.memory_space<vmem>> -> memref<40xi32, #tpu.memory_space<vmem>>
    %dma_start3A_12 = arith.constant 0 : i32
    %dma_start3A_13 = arith.constant 0 : i32
    %dma_start3A_14 = tpu.memref_slice %arg2[%dma_start3A_12, %dma_start3A_13] : memref<10000x40xf32, #tpu.memory_space<hbm>> -> memref<10000x40xf32, #tpu.memory_space<hbm>>
    tpu.enqueue_indirect_dma source(%dma_start3A_14 : memref<10000x40xf32, #tpu.memory_space<hbm>>) target(%arg10 : memref<40x40xf32, #tpu.memory_space<vmem>>) offsets(%dma_start3A_11 : memref<40xi32, #tpu.memory_space<vmem>>) semaphore(%arg16 : memref<!tpu.dma_semaphore, #tpu.memory_space<semaphore_mem>>)
    %dma_start3A_15 = arith.constant 80 : i32
    %dma_start3A_16 = tpu.memref_slice %arg6[%dma_start3A_15] : memref<10000xi32, #tpu.memory_space<vmem>> -> memref<40xi32, #tpu.memory_space<vmem>>
    %dma_start3A_17 = arith.constant 0 : i32
    %dma_start3A_18 = arith.constant 0 : i32
    %dma_start3A_19 = tpu.memref_slice %arg2[%dma_start3A_17, %dma_start3A_18] : memref<10000x40xf32, #tpu.memory_space<hbm>> -> memref<10000x40xf32, #tpu.memory_space<hbm>>
    tpu.enqueue_indirect_dma source(%dma_start3A_19 : memref<10000x40xf32, #tpu.memory_space<hbm>>) target(%arg11 : memref<40x40xf32, #tpu.memory_space<vmem>>) offsets(%dma_start3A_16 : memref<40xi32, #tpu.memory_space<vmem>>) semaphore(%arg17 : memref<!tpu.dma_semaphore, #tpu.memory_space<semaphore_mem>>)
    %dma_start3A_20 = arith.constant 120 : i32
    %dma_start3A_21 = tpu.memref_slice %arg6[%dma_start3A_20] : memref<10000xi32, #tpu.memory_space<vmem>> -> memref<40xi32, #tpu.memory_space<vmem>>
    %dma_start3A_22 = arith.constant 0 : i32
    %dma_start3A_23 = arith.constant 0 : i32
    %dma_start3A_24 = tpu.memref_slice %arg2[%dma_start3A_22, %dma_start3A_23] : memref<10000x40xf32, #tpu.memory_space<hbm>> -> memref<10000x40xf32, #tpu.memory_space<hbm>>
    tpu.enqueue_indirect_dma source(%dma_start3A_24 : memref<10000x40xf32, #tpu.memory_space<hbm>>) target(%arg12 : memref<40x40xf32, #tpu.memory_space<vmem>>) offsets(%dma_start3A_21 : memref<40xi32, #tpu.memory_space<vmem>>) semaphore(%arg18 : memref<!tpu.dma_semaphore, #tpu.memory_space<semaphore_mem>>)
    %dma_start3A_25 = arith.constant 160 : i32
    %dma_start3A_26 = tpu.memref_slice %arg6[%dma_start3A_25] : memref<10000xi32, #tpu.memory_space<vmem>> -> memref<40xi32, #tpu.memory_space<vmem>>
    %dma_start3A_27 = arith.constant 0 : i32
    %dma_start3A_28 = arith.constant 0 : i32
    %dma_start3A_29 = tpu.memref_slice %arg2[%dma_start3A_27, %dma_start3A_28] : memref<10000x40xf32, #tpu.memory_space<hbm>> -> memref<10000x40xf32, #tpu.memory_space<hbm>>
    tpu.enqueue_indirect_dma source(%dma_start3A_29 : memref<10000x40xf32, #tpu.memory_space<hbm>>) target(%arg13 : memref<40x40xf32, #tpu.memory_space<vmem>>) offsets(%dma_start3A_26 : memref<40xi32, #tpu.memory_space<vmem>>) semaphore(%arg19 : memref<!tpu.dma_semaphore, #tpu.memory_space<semaphore_mem>>)
    %dma_start3A_30 = arith.constant 200 : i32
    %dma_start3A_31 = tpu.memref_slice %arg6[%dma_start3A_30] : memref<10000xi32, #tpu.memory_space<vmem>> -> memref<40xi32, #tpu.memory_space<vmem>>
    %dma_start3A_32 = arith.constant 0 : i32
    %dma_start3A_33 = arith.constant 0 : i32
    %dma_start3A_34 = tpu.memref_slice %arg2[%dma_start3A_32, %dma_start3A_33] : memref<10000x40xf32, #tpu.memory_space<hbm>> -> memref<10000x40xf32, #tpu.memory_space<hbm>>
    tpu.enqueue_indirect_dma source(%dma_start3A_34 : memref<10000x40xf32, #tpu.memory_space<hbm>>) target(%arg14 : memref<40x40xf32, #tpu.memory_space<vmem>>) offsets(%dma_start3A_31 : memref<40xi32, #tpu.memory_space<vmem>>) semaphore(%arg20 : memref<!tpu.dma_semaphore, #tpu.memory_space<semaphore_mem>>)
    %scan3A = arith.constant 0 : i32
    %scan3A_35 = arith.constant 42 : i32
    %scan3A_36 = arith.addi %scan3A, %scan3A_35 : i32
    %scan3A_37 = arith.constant 1 : i32
    scf.for %scan3A_69 = %scan3A to %scan3A_36 step %scan3A_37  : i32 {
      %mul3A_70 = arith.constant 6 : i32
      %mul3A_71 = arith.muli %scan3A_69, %mul3A_70 : i32
      %add3A_72 = arith.constant 0 : i32
      %add3A_73 = arith.addi %add3A_72, %mul3A_71 : i32
      %add3A_74 = arith.constant 0 : i32
      %add3A_75 = arith.addi %add3A_73, %add3A_74 : i32
      %lt3A = arith.constant 250 : i32
      %lt3A_76 = arith.cmpi slt, %add3A_75, %lt3A : i32
      %convert_element_type3A = arith.extui %lt3A_76 : i1 to i32
      %cond3A = arith.constant 0 : i32
      %cond3A_77 = arith.cmpi ne, %convert_element_type3A, %cond3A : i32
      scf.if %cond3A_77 {
        %mul3A_167 = arith.constant 40 : i32
        %mul3A_168 = arith.muli %add3A_75, %mul3A_167 : i32
        %dma_wait3A_169 = tpu.memref_slice %arg6[%mul3A_168] : memref<10000xi32, #tpu.memory_space<vmem>> -> memref<40xi32, #tpu.memory_space<vmem>>
        %dma_wait3A_170 = arith.constant 0 : i32
        %dma_wait3A_171 = arith.constant 0 : i32
        %dma_wait3A_172 = tpu.memref_slice %arg2[%dma_wait3A_170, %dma_wait3A_171] : memref<10000x40xf32, #tpu.memory_space<hbm>> -> memref<10000x40xf32, #tpu.memory_space<hbm>>
        tpu.wait_indirect_dma semaphore(%arg15 : memref<!tpu.dma_semaphore, #tpu.memory_space<semaphore_mem>>) src(%dma_wait3A_172 : memref<10000x40xf32, #tpu.memory_space<hbm>>) dst(%arg9 : memref<40x40xf32, #tpu.memory_space<vmem>>)
        %mul3A_173 = arith.constant 40 : i32
        %mul3A_174 = arith.muli %add3A_75, %mul3A_173 : i32
        %dma_start3A_175 = tpu.memref_slice %arg7[%mul3A_174] : memref<10000xi32, #tpu.memory_space<vmem>> -> memref<40xi32, #tpu.memory_space<vmem>>
        %dma_start3A_176 = arith.constant 0 : i32
        %dma_start3A_177 = arith.constant 0 : i32
        %dma_start3A_178 = tpu.memref_slice %arg8[%dma_start3A_176, %dma_start3A_177] : memref<10000x40xf32, #tpu.memory_space<vmem_shared>> -> memref<10000x40xf32, #tpu.memory_space<vmem_shared>>
        tpu.enqueue_indirect_dma source(%arg9 : memref<40x40xf32, #tpu.memory_space<vmem>>) target(%dma_start3A_178 : memref<10000x40xf32, #tpu.memory_space<vmem_shared>>) offsets(%dma_start3A_175 : memref<40xi32, #tpu.memory_space<vmem>>) semaphore(%arg21 : memref<!tpu.dma_semaphore, #tpu.memory_space<semaphore_mem>>) {add = true}
      } else {
      }
      %add3A_78 = arith.constant 1 : i32
      %add3A_79 = arith.addi %add3A_73, %add3A_78 : i32
      %lt3A_80 = arith.constant 250 : i32
      %lt3A_81 = arith.cmpi slt, %add3A_79, %lt3A_80 : i32
      %convert_element_type3A_82 = arith.extui %lt3A_81 : i1 to i32
      %cond3A_83 = arith.constant 0 : i32
      %cond3A_84 = arith.cmpi ne, %convert_element_type3A_82, %cond3A_83 : i32
      scf.if %cond3A_84 {
        %mul3A_167 = arith.constant 40 : i32
        %mul3A_168 = arith.muli %add3A_79, %mul3A_167 : i32
        %dma_wait3A_169 = tpu.memref_slice %arg6[%mul3A_168] : memref<10000xi32, #tpu.memory_space<vmem>> -> memref<40xi32, #tpu.memory_space<vmem>>
        %dma_wait3A_170 = arith.constant 0 : i32
        %dma_wait3A_171 = arith.constant 0 : i32
        %dma_wait3A_172 = tpu.memref_slice %arg2[%dma_wait3A_170, %dma_wait3A_171] : memref<10000x40xf32, #tpu.memory_space<hbm>> -> memref<10000x40xf32, #tpu.memory_space<hbm>>
        tpu.wait_indirect_dma semaphore(%arg16 : memref<!tpu.dma_semaphore, #tpu.memory_space<semaphore_mem>>) src(%dma_wait3A_172 : memref<10000x40xf32, #tpu.memory_space<hbm>>) dst(%arg10 : memref<40x40xf32, #tpu.memory_space<vmem>>)
        %mul3A_173 = arith.constant 40 : i32
        %mul3A_174 = arith.muli %add3A_79, %mul3A_173 : i32
        %dma_start3A_175 = tpu.memref_slice %arg7[%mul3A_174] : memref<10000xi32, #tpu.memory_space<vmem>> -> memref<40xi32, #tpu.memory_space<vmem>>
        %dma_start3A_176 = arith.constant 0 : i32
        %dma_start3A_177 = arith.constant 0 : i32
        %dma_start3A_178 = tpu.memref_slice %arg8[%dma_start3A_176, %dma_start3A_177] : memref<10000x40xf32, #tpu.memory_space<vmem_shared>> -> memref<10000x40xf32, #tpu.memory_space<vmem_shared>>
        tpu.enqueue_indirect_dma source(%arg10 : memref<40x40xf32, #tpu.memory_space<vmem>>) target(%dma_start3A_178 : memref<10000x40xf32, #tpu.memory_space<vmem_shared>>) offsets(%dma_start3A_175 : memref<40xi32, #tpu.memory_space<vmem>>) semaphore(%arg22 : memref<!tpu.dma_semaphore, #tpu.memory_space<semaphore_mem>>) {add = true}
      } else {
      }
      %add3A_85 = arith.constant 2 : i32
      %add3A_86 = arith.addi %add3A_73, %add3A_85 : i32
      %lt3A_87 = arith.constant 250 : i32
      %lt3A_88 = arith.cmpi slt, %add3A_86, %lt3A_87 : i32
      %convert_element_type3A_89 = arith.extui %lt3A_88 : i1 to i32
      %cond3A_90 = arith.constant 0 : i32
      %cond3A_91 = arith.cmpi ne, %convert_element_type3A_89, %cond3A_90 : i32
      scf.if %cond3A_91 {
        %mul3A_167 = arith.constant 40 : i32
        %mul3A_168 = arith.muli %add3A_86, %mul3A_167 : i32
        %dma_wait3A_169 = tpu.memref_slice %arg6[%mul3A_168] : memref<10000xi32, #tpu.memory_space<vmem>> -> memref<40xi32, #tpu.memory_space<vmem>>
        %dma_wait3A_170 = arith.constant 0 : i32
        %dma_wait3A_171 = arith.constant 0 : i32
        %dma_wait3A_172 = tpu.memref_slice %arg2[%dma_wait3A_170, %dma_wait3A_171] : memref<10000x40xf32, #tpu.memory_space<hbm>> -> memref<10000x40xf32, #tpu.memory_space<hbm>>
        tpu.wait_indirect_dma semaphore(%arg17 : memref<!tpu.dma_semaphore, #tpu.memory_space<semaphore_mem>>) src(%dma_wait3A_172 : memref<10000x40xf32, #tpu.memory_space<hbm>>) dst(%arg11 : memref<40x40xf32, #tpu.memory_space<vmem>>)
        %mul3A_173 = arith.constant 40 : i32
        %mul3A_174 = arith.muli %add3A_86, %mul3A_173 : i32
        %dma_start3A_175 = tpu.memref_slice %arg7[%mul3A_174] : memref<10000xi32, #tpu.memory_space<vmem>> -> memref<40xi32, #tpu.memory_space<vmem>>
        %dma_start3A_176 = arith.constant 0 : i32
        %dma_start3A_177 = arith.constant 0 : i32
        %dma_start3A_178 = tpu.memref_slice %arg8[%dma_start3A_176, %dma_start3A_177] : memref<10000x40xf32, #tpu.memory_space<vmem_shared>> -> memref<10000x40xf32, #tpu.memory_space<vmem_shared>>
        tpu.enqueue_indirect_dma source(%arg11 : memref<40x40xf32, #tpu.memory_space<vmem>>) target(%dma_start3A_178 : memref<10000x40xf32, #tpu.memory_space<vmem_shared>>) offsets(%dma_start3A_175 : memref<40xi32, #tpu.memory_space<vmem>>) semaphore(%arg23 : memref<!tpu.dma_semaphore, #tpu.memory_space<semaphore_mem>>) {add = true}
      } else {
      }
      %add3A_92 = arith.constant 3 : i32
      %add3A_93 = arith.addi %add3A_73, %add3A_92 : i32
      %lt3A_94 = arith.constant 250 : i32
      %lt3A_95 = arith.cmpi slt, %add3A_93, %lt3A_94 : i32
      %convert_element_type3A_96 = arith.extui %lt3A_95 : i1 to i32
      %cond3A_97 = arith.constant 0 : i32
      %cond3A_98 = arith.cmpi ne, %convert_element_type3A_96, %cond3A_97 : i32
      scf.if %cond3A_98 {
        %mul3A_167 = arith.constant 40 : i32
        %mul3A_168 = arith.muli %add3A_93, %mul3A_167 : i32
        %dma_wait3A_169 = tpu.memref_slice %arg6[%mul3A_168] : memref<10000xi32, #tpu.memory_space<vmem>> -> memref<40xi32, #tpu.memory_space<vmem>>
        %dma_wait3A_170 = arith.constant 0 : i32
        %dma_wait3A_171 = arith.constant 0 : i32
        %dma_wait3A_172 = tpu.memref_slice %arg2[%dma_wait3A_170, %dma_wait3A_171] : memref<10000x40xf32, #tpu.memory_space<hbm>> -> memref<10000x40xf32, #tpu.memory_space<hbm>>
        tpu.wait_indirect_dma semaphore(%arg18 : memref<!tpu.dma_semaphore, #tpu.memory_space<semaphore_mem>>) src(%dma_wait3A_172 : memref<10000x40xf32, #tpu.memory_space<hbm>>) dst(%arg12 : memref<40x40xf32, #tpu.memory_space<vmem>>)
        %mul3A_173 = arith.constant 40 : i32
        %mul3A_174 = arith.muli %add3A_93, %mul3A_173 : i32
        %dma_start3A_175 = tpu.memref_slice %arg7[%mul3A_174] : memref<10000xi32, #tpu.memory_space<vmem>> -> memref<40xi32, #tpu.memory_space<vmem>>
        %dma_start3A_176 = arith.constant 0 : i32
        %dma_start3A_177 = arith.constant 0 : i32
        %dma_start3A_178 = tpu.memref_slice %arg8[%dma_start3A_176, %dma_start3A_177] : memref<10000x40xf32, #tpu.memory_space<vmem_shared>> -> memref<10000x40xf32, #tpu.memory_space<vmem_shared>>
        tpu.enqueue_indirect_dma source(%arg12 : memref<40x40xf32, #tpu.memory_space<vmem>>) target(%dma_start3A_178 : memref<10000x40xf32, #tpu.memory_space<vmem_shared>>) offsets(%dma_start3A_175 : memref<40xi32, #tpu.memory_space<vmem>>) semaphore(%arg24 : memref<!tpu.dma_semaphore, #tpu.memory_space<semaphore_mem>>) {add = true}
      } else {
      }
      %add3A_99 = arith.constant 4 : i32
      %add3A_100 = arith.addi %add3A_73, %add3A_99 : i32
      %lt3A_101 = arith.constant 250 : i32
      %lt3A_102 = arith.cmpi slt, %add3A_100, %lt3A_101 : i32
      %convert_element_type3A_103 = arith.extui %lt3A_102 : i1 to i32
      %cond3A_104 = arith.constant 0 : i32
      %cond3A_105 = arith.cmpi ne, %convert_element_type3A_103, %cond3A_104 : i32
      scf.if %cond3A_105 {
        %mul3A_167 = arith.constant 40 : i32
        %mul3A_168 = arith.muli %add3A_100, %mul3A_167 : i32
        %dma_wait3A_169 = tpu.memref_slice %arg6[%mul3A_168] : memref<10000xi32, #tpu.memory_space<vmem>> -> memref<40xi32, #tpu.memory_space<vmem>>
        %dma_wait3A_170 = arith.constant 0 : i32
        %dma_wait3A_171 = arith.constant 0 : i32
        %dma_wait3A_172 = tpu.memref_slice %arg2[%dma_wait3A_170, %dma_wait3A_171] : memref<10000x40xf32, #tpu.memory_space<hbm>> -> memref<10000x40xf32, #tpu.memory_space<hbm>>
        tpu.wait_indirect_dma semaphore(%arg19 : memref<!tpu.dma_semaphore, #tpu.memory_space<semaphore_mem>>) src(%dma_wait3A_172 : memref<10000x40xf32, #tpu.memory_space<hbm>>) dst(%arg13 : memref<40x40xf32, #tpu.memory_space<vmem>>)
        %mul3A_173 = arith.constant 40 : i32
        %mul3A_174 = arith.muli %add3A_100, %mul3A_173 : i32
        %dma_start3A_175 = tpu.memref_slice %arg7[%mul3A_174] : memref<10000xi32, #tpu.memory_space<vmem>> -> memref<40xi32, #tpu.memory_space<vmem>>
        %dma_start3A_176 = arith.constant 0 : i32
        %dma_start3A_177 = arith.constant 0 : i32
        %dma_start3A_178 = tpu.memref_slice %arg8[%dma_start3A_176, %dma_start3A_177] : memref<10000x40xf32, #tpu.memory_space<vmem_shared>> -> memref<10000x40xf32, #tpu.memory_space<vmem_shared>>
        tpu.enqueue_indirect_dma source(%arg13 : memref<40x40xf32, #tpu.memory_space<vmem>>) target(%dma_start3A_178 : memref<10000x40xf32, #tpu.memory_space<vmem_shared>>) offsets(%dma_start3A_175 : memref<40xi32, #tpu.memory_space<vmem>>) semaphore(%arg25 : memref<!tpu.dma_semaphore, #tpu.memory_space<semaphore_mem>>) {add = true}
      } else {
      }
      %add3A_106 = arith.constant 5 : i32
      %add3A_107 = arith.addi %add3A_73, %add3A_106 : i32
      %lt3A_108 = arith.constant 250 : i32
      %lt3A_109 = arith.cmpi slt, %add3A_107, %lt3A_108 : i32
      %convert_element_type3A_110 = arith.extui %lt3A_109 : i1 to i32
      %cond3A_111 = arith.constant 0 : i32
      %cond3A_112 = arith.cmpi ne, %convert_element_type3A_110, %cond3A_111 : i32
      scf.if %cond3A_112 {
        %mul3A_167 = arith.constant 40 : i32
        %mul3A_168 = arith.muli %add3A_107, %mul3A_167 : i32
        %dma_wait3A_169 = tpu.memref_slice %arg6[%mul3A_168] : memref<10000xi32, #tpu.memory_space<vmem>> -> memref<40xi32, #tpu.memory_space<vmem>>
        %dma_wait3A_170 = arith.constant 0 : i32
        %dma_wait3A_171 = arith.constant 0 : i32
        %dma_wait3A_172 = tpu.memref_slice %arg2[%dma_wait3A_170, %dma_wait3A_171] : memref<10000x40xf32, #tpu.memory_space<hbm>> -> memref<10000x40xf32, #tpu.memory_space<hbm>>
        tpu.wait_indirect_dma semaphore(%arg20 : memref<!tpu.dma_semaphore, #tpu.memory_space<semaphore_mem>>) src(%dma_wait3A_172 : memref<10000x40xf32, #tpu.memory_space<hbm>>) dst(%arg14 : memref<40x40xf32, #tpu.memory_space<vmem>>)
        %mul3A_173 = arith.constant 40 : i32
        %mul3A_174 = arith.muli %add3A_107, %mul3A_173 : i32
        %dma_start3A_175 = tpu.memref_slice %arg7[%mul3A_174] : memref<10000xi32, #tpu.memory_space<vmem>> -> memref<40xi32, #tpu.memory_space<vmem>>
        %dma_start3A_176 = arith.constant 0 : i32
        %dma_start3A_177 = arith.constant 0 : i32
        %dma_start3A_178 = tpu.memref_slice %arg8[%dma_start3A_176, %dma_start3A_177] : memref<10000x40xf32, #tpu.memory_space<vmem_shared>> -> memref<10000x40xf32, #tpu.memory_space<vmem_shared>>
        tpu.enqueue_indirect_dma source(%arg14 : memref<40x40xf32, #tpu.memory_space<vmem>>) target(%dma_start3A_178 : memref<10000x40xf32, #tpu.memory_space<vmem_shared>>) offsets(%dma_start3A_175 : memref<40xi32, #tpu.memory_space<vmem>>) semaphore(%arg26 : memref<!tpu.dma_semaphore, #tpu.memory_space<semaphore_mem>>) {add = true}
      } else {
      }
      %add3A_113 = arith.constant 0 : i32
      %add3A_114 = arith.addi %add3A_73, %add3A_113 : i32
      %add3A_115 = arith.constant 6 : i32
      %add3A_116 = arith.addi %add3A_114, %add3A_115 : i32
      %lt3A_117 = arith.constant 250 : i32
      %lt3A_118 = arith.cmpi slt, %add3A_116, %lt3A_117 : i32
      %convert_element_type3A_119 = arith.extui %lt3A_118 : i1 to i32
      %cond3A_120 = arith.constant 0 : i32
      %cond3A_121 = arith.cmpi ne, %convert_element_type3A_119, %cond3A_120 : i32
      scf.if %cond3A_121 {
        %mul3A_167 = arith.constant 40 : i32
        %mul3A_168 = arith.muli %add3A_116, %mul3A_167 : i32
        %dma_wait3A_169 = tpu.memref_slice %arg7[%mul3A_168] : memref<10000xi32, #tpu.memory_space<vmem>> -> memref<40xi32, #tpu.memory_space<vmem>>
        %dma_wait3A_170 = arith.constant 0 : i32
        %dma_wait3A_171 = arith.constant 0 : i32
        %dma_wait3A_172 = tpu.memref_slice %arg8[%dma_wait3A_170, %dma_wait3A_171] : memref<10000x40xf32, #tpu.memory_space<vmem_shared>> -> memref<10000x40xf32, #tpu.memory_space<vmem_shared>>
        tpu.wait_indirect_dma semaphore(%arg21 : memref<!tpu.dma_semaphore, #tpu.memory_space<semaphore_mem>>) src(%arg9 : memref<40x40xf32, #tpu.memory_space<vmem>>) dst(%dma_wait3A_172 : memref<10000x40xf32, #tpu.memory_space<vmem_shared>>)
        %mul3A_173 = arith.constant 40 : i32
        %mul3A_174 = arith.muli %add3A_116, %mul3A_173 : i32
        %dma_start3A_175 = tpu.memref_slice %arg6[%mul3A_174] : memref<10000xi32, #tpu.memory_space<vmem>> -> memref<40xi32, #tpu.memory_space<vmem>>
        %dma_start3A_176 = arith.constant 0 : i32
        %dma_start3A_177 = arith.constant 0 : i32
        %dma_start3A_178 = tpu.memref_slice %arg2[%dma_start3A_176, %dma_start3A_177] : memref<10000x40xf32, #tpu.memory_space<hbm>> -> memref<10000x40xf32, #tpu.memory_space<hbm>>
        tpu.enqueue_indirect_dma source(%dma_start3A_178 : memref<10000x40xf32, #tpu.memory_space<hbm>>) target(%arg9 : memref<40x40xf32, #tpu.memory_space<vmem>>) offsets(%dma_start3A_175 : memref<40xi32, #tpu.memory_space<vmem>>) semaphore(%arg15 : memref<!tpu.dma_semaphore, #tpu.memory_space<semaphore_mem>>)
      } else {
      }
      %add3A_122 = arith.constant 1 : i32
      %add3A_123 = arith.addi %add3A_73, %add3A_122 : i32
      %add3A_124 = arith.constant 6 : i32
      %add3A_125 = arith.addi %add3A_123, %add3A_124 : i32
      %lt3A_126 = arith.constant 250 : i32
      %lt3A_127 = arith.cmpi slt, %add3A_125, %lt3A_126 : i32
      %convert_element_type3A_128 = arith.extui %lt3A_127 : i1 to i32
      %cond3A_129 = arith.constant 0 : i32
      %cond3A_130 = arith.cmpi ne, %convert_element_type3A_128, %cond3A_129 : i32
      scf.if %cond3A_130 {
        %mul3A_167 = arith.constant 40 : i32
        %mul3A_168 = arith.muli %add3A_125, %mul3A_167 : i32
        %dma_wait3A_169 = tpu.memref_slice %arg7[%mul3A_168] : memref<10000xi32, #tpu.memory_space<vmem>> -> memref<40xi32, #tpu.memory_space<vmem>>
        %dma_wait3A_170 = arith.constant 0 : i32
        %dma_wait3A_171 = arith.constant 0 : i32
        %dma_wait3A_172 = tpu.memref_slice %arg8[%dma_wait3A_170, %dma_wait3A_171] : memref<10000x40xf32, #tpu.memory_space<vmem_shared>> -> memref<10000x40xf32, #tpu.memory_space<vmem_shared>>
        tpu.wait_indirect_dma semaphore(%arg22 : memref<!tpu.dma_semaphore, #tpu.memory_space<semaphore_mem>>) src(%arg10 : memref<40x40xf32, #tpu.memory_space<vmem>>) dst(%dma_wait3A_172 : memref<10000x40xf32, #tpu.memory_space<vmem_shared>>)
        %mul3A_173 = arith.constant 40 : i32
        %mul3A_174 = arith.muli %add3A_125, %mul3A_173 : i32
        %dma_start3A_175 = tpu.memref_slice %arg6[%mul3A_174] : memref<10000xi32, #tpu.memory_space<vmem>> -> memref<40xi32, #tpu.memory_space<vmem>>
        %dma_start3A_176 = arith.constant 0 : i32
        %dma_start3A_177 = arith.constant 0 : i32
        %dma_start3A_178 = tpu.memref_slice %arg2[%dma_start3A_176, %dma_start3A_177] : memref<10000x40xf32, #tpu.memory_space<hbm>> -> memref<10000x40xf32, #tpu.memory_space<hbm>>
        tpu.enqueue_indirect_dma source(%dma_start3A_178 : memref<10000x40xf32, #tpu.memory_space<hbm>>) target(%arg10 : memref<40x40xf32, #tpu.memory_space<vmem>>) offsets(%dma_start3A_175 : memref<40xi32, #tpu.memory_space<vmem>>) semaphore(%arg16 : memref<!tpu.dma_semaphore, #tpu.memory_space<semaphore_mem>>)
      } else {
      }
      %add3A_131 = arith.constant 2 : i32
      %add3A_132 = arith.addi %add3A_73, %add3A_131 : i32
      %add3A_133 = arith.constant 6 : i32
      %add3A_134 = arith.addi %add3A_132, %add3A_133 : i32
      %lt3A_135 = arith.constant 250 : i32
      %lt3A_136 = arith.cmpi slt, %add3A_134, %lt3A_135 : i32
      %convert_element_type3A_137 = arith.extui %lt3A_136 : i1 to i32
      %cond3A_138 = arith.constant 0 : i32
      %cond3A_139 = arith.cmpi ne, %convert_element_type3A_137, %cond3A_138 : i32
      scf.if %cond3A_139 {
        %mul3A_167 = arith.constant 40 : i32
        %mul3A_168 = arith.muli %add3A_134, %mul3A_167 : i32
        %dma_wait3A_169 = tpu.memref_slice %arg7[%mul3A_168] : memref<10000xi32, #tpu.memory_space<vmem>> -> memref<40xi32, #tpu.memory_space<vmem>>
        %dma_wait3A_170 = arith.constant 0 : i32
        %dma_wait3A_171 = arith.constant 0 : i32
        %dma_wait3A_172 = tpu.memref_slice %arg8[%dma_wait3A_170, %dma_wait3A_171] : memref<10000x40xf32, #tpu.memory_space<vmem_shared>> -> memref<10000x40xf32, #tpu.memory_space<vmem_shared>>
        tpu.wait_indirect_dma semaphore(%arg23 : memref<!tpu.dma_semaphore, #tpu.memory_space<semaphore_mem>>) src(%arg11 : memref<40x40xf32, #tpu.memory_space<vmem>>) dst(%dma_wait3A_172 : memref<10000x40xf32, #tpu.memory_space<vmem_shared>>)
        %mul3A_173 = arith.constant 40 : i32
        %mul3A_174 = arith.muli %add3A_134, %mul3A_173 : i32
        %dma_start3A_175 = tpu.memref_slice %arg6[%mul3A_174] : memref<10000xi32, #tpu.memory_space<vmem>> -> memref<40xi32, #tpu.memory_space<vmem>>
        %dma_start3A_176 = arith.constant 0 : i32
        %dma_start3A_177 = arith.constant 0 : i32
        %dma_start3A_178 = tpu.memref_slice %arg2[%dma_start3A_176, %dma_start3A_177] : memref<10000x40xf32, #tpu.memory_space<hbm>> -> memref<10000x40xf32, #tpu.memory_space<hbm>>
        tpu.enqueue_indirect_dma source(%dma_start3A_178 : memref<10000x40xf32, #tpu.memory_space<hbm>>) target(%arg11 : memref<40x40xf32, #tpu.memory_space<vmem>>) offsets(%dma_start3A_175 : memref<40xi32, #tpu.memory_space<vmem>>) semaphore(%arg17 : memref<!tpu.dma_semaphore, #tpu.memory_space<semaphore_mem>>)
      } else {
      }
      %add3A_140 = arith.constant 3 : i32
      %add3A_141 = arith.addi %add3A_73, %add3A_140 : i32
      %add3A_142 = arith.constant 6 : i32
      %add3A_143 = arith.addi %add3A_141, %add3A_142 : i32
      %lt3A_144 = arith.constant 250 : i32
      %lt3A_145 = arith.cmpi slt, %add3A_143, %lt3A_144 : i32
      %convert_element_type3A_146 = arith.extui %lt3A_145 : i1 to i32
      %cond3A_147 = arith.constant 0 : i32
      %cond3A_148 = arith.cmpi ne, %convert_element_type3A_146, %cond3A_147 : i32
      scf.if %cond3A_148 {
        %mul3A_167 = arith.constant 40 : i32
        %mul3A_168 = arith.muli %add3A_143, %mul3A_167 : i32
        %dma_wait3A_169 = tpu.memref_slice %arg7[%mul3A_168] : memref<10000xi32, #tpu.memory_space<vmem>> -> memref<40xi32, #tpu.memory_space<vmem>>
        %dma_wait3A_170 = arith.constant 0 : i32
        %dma_wait3A_171 = arith.constant 0 : i32
        %dma_wait3A_172 = tpu.memref_slice %arg8[%dma_wait3A_170, %dma_wait3A_171] : memref<10000x40xf32, #tpu.memory_space<vmem_shared>> -> memref<10000x40xf32, #tpu.memory_space<vmem_shared>>
        tpu.wait_indirect_dma semaphore(%arg24 : memref<!tpu.dma_semaphore, #tpu.memory_space<semaphore_mem>>) src(%arg12 : memref<40x40xf32, #tpu.memory_space<vmem>>) dst(%dma_wait3A_172 : memref<10000x40xf32, #tpu.memory_space<vmem_shared>>)
        %mul3A_173 = arith.constant 40 : i32
        %mul3A_174 = arith.muli %add3A_143, %mul3A_173 : i32
        %dma_start3A_175 = tpu.memref_slice %arg6[%mul3A_174] : memref<10000xi32, #tpu.memory_space<vmem>> -> memref<40xi32, #tpu.memory_space<vmem>>
        %dma_start3A_176 = arith.constant 0 : i32
        %dma_start3A_177 = arith.constant 0 : i32
        %dma_start3A_178 = tpu.memref_slice %arg2[%dma_start3A_176, %dma_start3A_177] : memref<10000x40xf32, #tpu.memory_space<hbm>> -> memref<10000x40xf32, #tpu.memory_space<hbm>>
        tpu.enqueue_indirect_dma source(%dma_start3A_178 : memref<10000x40xf32, #tpu.memory_space<hbm>>) target(%arg12 : memref<40x40xf32, #tpu.memory_space<vmem>>) offsets(%dma_start3A_175 : memref<40xi32, #tpu.memory_space<vmem>>) semaphore(%arg18 : memref<!tpu.dma_semaphore, #tpu.memory_space<semaphore_mem>>)
      } else {
      }
      %add3A_149 = arith.constant 4 : i32
      %add3A_150 = arith.addi %add3A_73, %add3A_149 : i32
      %add3A_151 = arith.constant 6 : i32
      %add3A_152 = arith.addi %add3A_150, %add3A_151 : i32
      %lt3A_153 = arith.constant 250 : i32
      %lt3A_154 = arith.cmpi slt, %add3A_152, %lt3A_153 : i32
      %convert_element_type3A_155 = arith.extui %lt3A_154 : i1 to i32
      %cond3A_156 = arith.constant 0 : i32
      %cond3A_157 = arith.cmpi ne, %convert_element_type3A_155, %cond3A_156 : i32
      scf.if %cond3A_157 {
        %mul3A_167 = arith.constant 40 : i32
        %mul3A_168 = arith.muli %add3A_152, %mul3A_167 : i32
        %dma_wait3A_169 = tpu.memref_slice %arg7[%mul3A_168] : memref<10000xi32, #tpu.memory_space<vmem>> -> memref<40xi32, #tpu.memory_space<vmem>>
        %dma_wait3A_170 = arith.constant 0 : i32
        %dma_wait3A_171 = arith.constant 0 : i32
        %dma_wait3A_172 = tpu.memref_slice %arg8[%dma_wait3A_170, %dma_wait3A_171] : memref<10000x40xf32, #tpu.memory_space<vmem_shared>> -> memref<10000x40xf32, #tpu.memory_space<vmem_shared>>
        tpu.wait_indirect_dma semaphore(%arg25 : memref<!tpu.dma_semaphore, #tpu.memory_space<semaphore_mem>>) src(%arg13 : memref<40x40xf32, #tpu.memory_space<vmem>>) dst(%dma_wait3A_172 : memref<10000x40xf32, #tpu.memory_space<vmem_shared>>)
        %mul3A_173 = arith.constant 40 : i32
        %mul3A_174 = arith.muli %add3A_152, %mul3A_173 : i32
        %dma_start3A_175 = tpu.memref_slice %arg6[%mul3A_174] : memref<10000xi32, #tpu.memory_space<vmem>> -> memref<40xi32, #tpu.memory_space<vmem>>
        %dma_start3A_176 = arith.constant 0 : i32
        %dma_start3A_177 = arith.constant 0 : i32
        %dma_start3A_178 = tpu.memref_slice %arg2[%dma_start3A_176, %dma_start3A_177] : memref<10000x40xf32, #tpu.memory_space<hbm>> -> memref<10000x40xf32, #tpu.memory_space<hbm>>
        tpu.enqueue_indirect_dma source(%dma_start3A_178 : memref<10000x40xf32, #tpu.memory_space<hbm>>) target(%arg13 : memref<40x40xf32, #tpu.memory_space<vmem>>) offsets(%dma_start3A_175 : memref<40xi32, #tpu.memory_space<vmem>>) semaphore(%arg19 : memref<!tpu.dma_semaphore, #tpu.memory_space<semaphore_mem>>)
      } else {
      }
      %add3A_158 = arith.constant 5 : i32
      %add3A_159 = arith.addi %add3A_73, %add3A_158 : i32
      %add3A_160 = arith.constant 6 : i32
      %add3A_161 = arith.addi %add3A_159, %add3A_160 : i32
      %lt3A_162 = arith.constant 250 : i32
      %lt3A_163 = arith.cmpi slt, %add3A_161, %lt3A_162 : i32
      %convert_element_type3A_164 = arith.extui %lt3A_163 : i1 to i32
      %cond3A_165 = arith.constant 0 : i32
      %cond3A_166 = arith.cmpi ne, %convert_element_type3A_164, %cond3A_165 : i32
      scf.if %cond3A_166 {
        %mul3A_167 = arith.constant 40 : i32
        %mul3A_168 = arith.muli %add3A_161, %mul3A_167 : i32
        %dma_wait3A_169 = tpu.memref_slice %arg7[%mul3A_168] : memref<10000xi32, #tpu.memory_space<vmem>> -> memref<40xi32, #tpu.memory_space<vmem>>
        %dma_wait3A_170 = arith.constant 0 : i32
        %dma_wait3A_171 = arith.constant 0 : i32
        %dma_wait3A_172 = tpu.memref_slice %arg8[%dma_wait3A_170, %dma_wait3A_171] : memref<10000x40xf32, #tpu.memory_space<vmem_shared>> -> memref<10000x40xf32, #tpu.memory_space<vmem_shared>>
        tpu.wait_indirect_dma semaphore(%arg26 : memref<!tpu.dma_semaphore, #tpu.memory_space<semaphore_mem>>) src(%arg14 : memref<40x40xf32, #tpu.memory_space<vmem>>) dst(%dma_wait3A_172 : memref<10000x40xf32, #tpu.memory_space<vmem_shared>>)
        %mul3A_173 = arith.constant 40 : i32
        %mul3A_174 = arith.muli %add3A_161, %mul3A_173 : i32
        %dma_start3A_175 = tpu.memref_slice %arg6[%mul3A_174] : memref<10000xi32, #tpu.memory_space<vmem>> -> memref<40xi32, #tpu.memory_space<vmem>>
        %dma_start3A_176 = arith.constant 0 : i32
        %dma_start3A_177 = arith.constant 0 : i32
        %dma_start3A_178 = tpu.memref_slice %arg2[%dma_start3A_176, %dma_start3A_177] : memref<10000x40xf32, #tpu.memory_space<hbm>> -> memref<10000x40xf32, #tpu.memory_space<hbm>>
        tpu.enqueue_indirect_dma source(%dma_start3A_178 : memref<10000x40xf32, #tpu.memory_space<hbm>>) target(%arg14 : memref<40x40xf32, #tpu.memory_space<vmem>>) offsets(%dma_start3A_175 : memref<40xi32, #tpu.memory_space<vmem>>) semaphore(%arg20 : memref<!tpu.dma_semaphore, #tpu.memory_space<semaphore_mem>>)
      } else {
      }
    }
    %scan3A_38 = arith.constant 42 : i32
    %dma_wait3A = arith.constant 0 : i32
    %dma_wait3A_39 = tpu.memref_slice %arg7[%dma_wait3A] : memref<10000xi32, #tpu.memory_space<vmem>> -> memref<40xi32, #tpu.memory_space<vmem>>
    %dma_wait3A_40 = arith.constant 0 : i32
    %dma_wait3A_41 = arith.constant 0 : i32
    %dma_wait3A_42 = tpu.memref_slice %arg8[%dma_wait3A_40, %dma_wait3A_41] : memref<10000x40xf32, #tpu.memory_space<vmem_shared>> -> memref<10000x40xf32, #tpu.memory_space<vmem_shared>>
    tpu.wait_indirect_dma semaphore(%arg21 : memref<!tpu.dma_semaphore, #tpu.memory_space<semaphore_mem>>) src(%arg9 : memref<40x40xf32, #tpu.memory_space<vmem>>) dst(%dma_wait3A_42 : memref<10000x40xf32, #tpu.memory_space<vmem_shared>>)
    %dma_wait3A_43 = arith.constant 0 : i32
    %dma_wait3A_44 = tpu.memref_slice %arg7[%dma_wait3A_43] : memref<10000xi32, #tpu.memory_space<vmem>> -> memref<40xi32, #tpu.memory_space<vmem>>
    %dma_wait3A_45 = arith.constant 0 : i32
    %dma_wait3A_46 = arith.constant 0 : i32
    %dma_wait3A_47 = tpu.memref_slice %arg8[%dma_wait3A_45, %dma_wait3A_46] : memref<10000x40xf32, #tpu.memory_space<vmem_shared>> -> memref<10000x40xf32, #tpu.memory_space<vmem_shared>>
    tpu.wait_indirect_dma semaphore(%arg22 : memref<!tpu.dma_semaphore, #tpu.memory_space<semaphore_mem>>) src(%arg10 : memref<40x40xf32, #tpu.memory_space<vmem>>) dst(%dma_wait3A_47 : memref<10000x40xf32, #tpu.memory_space<vmem_shared>>)
    %dma_wait3A_48 = arith.constant 0 : i32
    %dma_wait3A_49 = tpu.memref_slice %arg7[%dma_wait3A_48] : memref<10000xi32, #tpu.memory_space<vmem>> -> memref<40xi32, #tpu.memory_space<vmem>>
    %dma_wait3A_50 = arith.constant 0 : i32
    %dma_wait3A_51 = arith.constant 0 : i32
    %dma_wait3A_52 = tpu.memref_slice %arg8[%dma_wait3A_50, %dma_wait3A_51] : memref<10000x40xf32, #tpu.memory_space<vmem_shared>> -> memref<10000x40xf32, #tpu.memory_space<vmem_shared>>
    tpu.wait_indirect_dma semaphore(%arg23 : memref<!tpu.dma_semaphore, #tpu.memory_space<semaphore_mem>>) src(%arg11 : memref<40x40xf32, #tpu.memory_space<vmem>>) dst(%dma_wait3A_52 : memref<10000x40xf32, #tpu.memory_space<vmem_shared>>)
    %dma_wait3A_53 = arith.constant 0 : i32
    %dma_wait3A_54 = tpu.memref_slice %arg7[%dma_wait3A_53] : memref<10000xi32, #tpu.memory_space<vmem>> -> memref<40xi32, #tpu.memory_space<vmem>>
    %dma_wait3A_55 = arith.constant 0 : i32
    %dma_wait3A_56 = arith.constant 0 : i32
    %dma_wait3A_57 = tpu.memref_slice %arg8[%dma_wait3A_55, %dma_wait3A_56] : memref<10000x40xf32, #tpu.memory_space<vmem_shared>> -> memref<10000x40xf32, #tpu.memory_space<vmem_shared>>
    tpu.wait_indirect_dma semaphore(%arg24 : memref<!tpu.dma_semaphore, #tpu.memory_space<semaphore_mem>>) src(%arg12 : memref<40x40xf32, #tpu.memory_space<vmem>>) dst(%dma_wait3A_57 : memref<10000x40xf32, #tpu.memory_space<vmem_shared>>)
    %dma_wait3A_58 = arith.constant 0 : i32
    %dma_wait3A_59 = tpu.memref_slice %arg7[%dma_wait3A_58] : memref<10000xi32, #tpu.memory_space<vmem>> -> memref<40xi32, #tpu.memory_space<vmem>>
    %dma_wait3A_60 = arith.constant 0 : i32
    %dma_wait3A_61 = arith.constant 0 : i32
    %dma_wait3A_62 = tpu.memref_slice %arg8[%dma_wait3A_60, %dma_wait3A_61] : memref<10000x40xf32, #tpu.memory_space<vmem_shared>> -> memref<10000x40xf32, #tpu.memory_space<vmem_shared>>
    tpu.wait_indirect_dma semaphore(%arg25 : memref<!tpu.dma_semaphore, #tpu.memory_space<semaphore_mem>>) src(%arg13 : memref<40x40xf32, #tpu.memory_space<vmem>>) dst(%dma_wait3A_62 : memref<10000x40xf32, #tpu.memory_space<vmem_shared>>)
    %dma_wait3A_63 = arith.constant 0 : i32
    %dma_wait3A_64 = tpu.memref_slice %arg7[%dma_wait3A_63] : memref<10000xi32, #tpu.memory_space<vmem>> -> memref<40xi32, #tpu.memory_space<vmem>>
    %dma_wait3A_65 = arith.constant 0 : i32
    %dma_wait3A_66 = arith.constant 0 : i32
    %dma_wait3A_67 = tpu.memref_slice %arg8[%dma_wait3A_65, %dma_wait3A_66] : memref<10000x40xf32, #tpu.memory_space<vmem_shared>> -> memref<10000x40xf32, #tpu.memory_space<vmem_shared>>
    tpu.wait_indirect_dma semaphore(%arg26 : memref<!tpu.dma_semaphore, #tpu.memory_space<semaphore_mem>>) src(%arg14 : memref<40x40xf32, #tpu.memory_space<vmem>>) dst(%dma_wait3A_67 : memref<10000x40xf32, #tpu.memory_space<vmem_shared>>)
    %barrier3A_68 = arith.constant 0 : index
    tpu.barrier barrier_id(%barrier3A_68)
    "tpu.region"() ({
      %run_scoped3A_69 = tpu.sem_alloc : memref<!tpu.dma_semaphore, #tpu.memory_space<semaphore_mem>>
      %dma_start3A_70 = arith.constant 0 : i32
      %dma_start3A_71 = tpu.memref_slice %arg5[%arg0, %mul3A_0, %dma_start3A_70] : memref<2x10000x40xf32, #tpu.memory_space<hbm>> -> memref<1x625x40xf32, #tpu.memory_space<hbm>>
      %dma_start3A_72 = tpu.memref_squeeze %dma_start3A_71 : memref<1x625x40xf32, #tpu.memory_space<hbm>> -> memref<625x40xf32, #tpu.memory_space<hbm>>
      %dma_start3A_73 = arith.constant 0 : i32
      %dma_start3A_74 = tpu.memref_slice %arg8[%mul3A_0, %dma_start3A_73] : memref<10000x40xf32, #tpu.memory_space<vmem_shared>> -> memref<625x40xf32, #tpu.memory_space<vmem_shared>>
      tpu.enqueue_dma source(%dma_start3A_74 : memref<625x40xf32, #tpu.memory_space<vmem_shared>>) target(%dma_start3A_72 : memref<625x40xf32, #tpu.memory_space<hbm>>) target_semaphore(%run_scoped3A_69 : memref<!tpu.dma_semaphore, #tpu.memory_space<semaphore_mem>>)
      %dma_wait3A_75 = arith.constant 0 : i32
      %dma_wait3A_76 = tpu.memref_slice %arg5[%arg0, %mul3A_0, %dma_wait3A_75] : memref<2x10000x40xf32, #tpu.memory_space<hbm>> -> memref<1x625x40xf32, #tpu.memory_space<hbm>>
      %dma_wait3A_77 = tpu.memref_squeeze %dma_wait3A_76 : memref<1x625x40xf32, #tpu.memory_space<hbm>> -> memref<625x40xf32, #tpu.memory_space<hbm>>
      %dma_wait3A_78 = arith.constant 0 : i32
      %dma_wait3A_79 = tpu.memref_slice %arg8[%mul3A_0, %dma_wait3A_78] : memref<10000x40xf32, #tpu.memory_space<vmem_shared>> -> memref<625x40xf32, #tpu.memory_space<vmem_shared>>
      tpu.wait_dma2 semaphore(%run_scoped3A_69 : memref<!tpu.dma_semaphore, #tpu.memory_space<semaphore_mem>>) src(%dma_wait3A_79 : memref<625x40xf32, #tpu.memory_space<vmem_shared>>) dst(%dma_wait3A_77 : memref<625x40xf32, #tpu.memory_space<hbm>>)
      tpu.yield
    }) : () -> ()
    return
  }
}

module attributes {stable_mosaic.version = 14 : i64} {
  func.func @_tc1_body(%arg0: i32, %arg1: memref<2x2x2000x8xf32, #tpu.memory_space<vmem>>, %arg2: memref<2000x128xf32, #tpu.memory_space<vmem>>, %arg3: memref<128x128xf32, #tpu.memory_space<vmem>>, %arg4: memref<2000x128xf32, #tpu.memory_space<vmem>>, %arg5: memref<2000x2xf32, #tpu.memory_space<vmem>>) attributes {dimension_semantics = [#tpu.dimension_semantics<arbitrary>], iteration_bounds = array<i64: 5>, scalar_prefetch = 0 : i64, scratch_operands = 0 : i64, tpu.core_type = #tpu.core_type<tc>, window_params = [{transform_indices = @transform_0, window_bounds = array<i64: 2, 2, 2000, 8>}, {transform_indices = @transform_1, window_bounds = array<i64: 2000, 128>}, {pipeline_mode = #tpu.pipeline_mode<synchronous>, transform_indices = @transform_2, window_bounds = array<i64: 128, 128>}, {transform_indices = @transform_3, window_bounds = array<i64: 2000, 128>}, {transform_indices = @transform_4, window_bounds = array<i64: 2000, 2>}]} {
    %get3A = arith.constant 0 : index
    %get3A_0 = arith.constant 0 : index
    %get3A_1 = arith.constant 0 : index
    %get3A_2 = arith.constant 0 : index
    %get3A_3 = vector.load %arg1[%get3A, %get3A_0, %get3A_1, %get3A_2] : memref<2x2x2000x8xf32, #tpu.memory_space<vmem>>, vector<2x2x2000x8xf32>
    %slice3A = vector.extract_strided_slice %get3A_3 {offsets = [0, 0, 0, 0], sizes = [1, 1, 2000, 1], strides = [1, 1, 1, 1]} : vector<2x2x2000x8xf32> to vector<1x1x2000x1xf32>
    %squeeze3A = vector.shape_cast %slice3A : vector<1x1x2000x1xf32> to vector<2000x1xf32>
    %slice3A_4 = vector.extract_strided_slice %get3A_3 {offsets = [1, 0, 0, 0], sizes = [1, 1, 2000, 1], strides = [1, 1, 1, 1]} : vector<2x2x2000x8xf32> to vector<1x1x2000x1xf32>
    %squeeze3A_5 = vector.shape_cast %slice3A_4 : vector<1x1x2000x1xf32> to vector<2000x1xf32>
    %add3A = arith.addf %squeeze3A, %squeeze3A_5 : vector<2000x1xf32>
    %max3A = arith.constant 1.000000e+00 : f32
    %max3A_6 = vector.broadcast %max3A : f32 to vector<2000x1xf32>
    %max3A_7 = arith.maximumf %add3A, %max3A_6 : vector<2000x1xf32>
    %slice3A_8 = vector.extract_strided_slice %get3A_3 {offsets = [0, 1, 0, 0], sizes = [1, 1, 2000, 1], strides = [1, 1, 1, 1]} : vector<2x2x2000x8xf32> to vector<1x1x2000x1xf32>
    %squeeze3A_9 = vector.shape_cast %slice3A_8 : vector<1x1x2000x1xf32> to vector<2000x1xf32>
    %slice3A_10 = vector.extract_strided_slice %get3A_3 {offsets = [1, 1, 0, 0], sizes = [1, 1, 2000, 1], strides = [1, 1, 1, 1]} : vector<2x2x2000x8xf32> to vector<1x1x2000x1xf32>
    %squeeze3A_11 = vector.shape_cast %slice3A_10 : vector<1x1x2000x1xf32> to vector<2000x1xf32>
    %add3A_12 = arith.addf %squeeze3A_9, %squeeze3A_11 : vector<2000x1xf32>
    %max3A_13 = arith.constant 1.000000e+00 : f32
    %max3A_14 = vector.broadcast %max3A_13 : f32 to vector<2000x1xf32>
    %max3A_15 = arith.maximumf %add3A_12, %max3A_14 : vector<2000x1xf32>
    %rsqrt3A = math.rsqrt %max3A_7 : vector<2000x1xf32>
    %rsqrt3A_16 = math.rsqrt %max3A_15 : vector<2000x1xf32>
    %get3A_17 = arith.constant 0 : index
    %get3A_18 = arith.constant 0 : index
    %get3A_19 = vector.load %arg2[%get3A_17, %get3A_18] : memref<2000x128xf32, #tpu.memory_space<vmem>>, vector<2000x128xf32>
    %get3A_20 = arith.constant 0 : index
    %get3A_21 = arith.constant 0 : index
    %get3A_22 = vector.load %arg3[%get3A_20, %get3A_21] : memref<128x128xf32, #tpu.memory_space<vmem>>, vector<128x128xf32>
    %dot_general3A = arith.constant dense<0.000000e+00> : vector<2000x128xf32>
    %dot_general3A_23 = tpu.matmul %get3A_19, %get3A_22, %dot_general3A {dimension_numbers = #tpu.dot_dimension_numbers<[1], [0], [0], [1], [0, 0, 1, 1], [], []>, transpose_lhs_hint = false} : vector<2000x128xf32>, vector<128x128xf32>, vector<2000x128xf32> -> vector<2000x128xf32>
    %mul3A = vector.broadcast %rsqrt3A : vector<2000x1xf32> to vector<2000x128xf32>
    %mul3A_24 = arith.mulf %dot_general3A_23, %mul3A : vector<2000x128xf32>
    %swap3A = arith.constant 0 : index
    %swap3A_25 = arith.constant 0 : index
    %swap3A_26 = vector.load %arg4[%swap3A, %swap3A_25] : memref<2000x128xf32, #tpu.memory_space<vmem>>, vector<2000x128xf32>
    tpu.vector_store %arg4[%swap3A, %swap3A_25], %mul3A_24 {strides = array<i32>} : memref<2000x128xf32, #tpu.memory_space<vmem>>, vector<2000x128xf32>,
    %concatenate3A = tpu.concatenate %rsqrt3A, %rsqrt3A_16 in 1 : vector<2000x1xf32>, vector<2000x1xf32> -> vector<2000x2xf32>
    %swap3A_27 = arith.constant 0 : index
    %swap3A_28 = arith.constant 0 : index
    %swap3A_29 = vector.load %arg5[%swap3A_27, %swap3A_28] : memref<2000x2xf32, #tpu.memory_space<vmem>>, vector<2000x2xf32>
    tpu.vector_store %arg5[%swap3A_27, %swap3A_28], %concatenate3A {strides = array<i32>} : memref<2000x2xf32, #tpu.memory_space<vmem>>, vector<2000x2xf32>,
    return
  }
  func.func @transform_0(%arg0: i32) -> (i32, i32, i32, i32) {
    %c0_i32 = arith.constant 0 : i32
    %c0_i32_0 = arith.constant 0 : i32
    %c0_i32_1 = arith.constant 0 : i32
    %c0_i32_2 = arith.constant 0 : i32
    return %c0_i32, %c0_i32_0, %arg0, %c0_i32_1 : i32, i32, i32, i32
  }
  func.func @transform_1(%arg0: i32) -> (i32, i32) {
    %c0_i32 = arith.constant 0 : i32
    %c0_i32_0 = arith.constant 0 : i32
    return %arg0, %c0_i32 : i32, i32
  }
  func.func @transform_2(%arg0: i32) -> (i32, i32) {
    %c0_i32 = arith.constant 0 : i32
    %c0_i32_0 = arith.constant 0 : i32
    %c0_i32_1 = arith.constant 0 : i32
    return %c0_i32, %c0_i32_0 : i32, i32
  }
  func.func @transform_3(%arg0: i32) -> (i32, i32) {
    %c0_i32 = arith.constant 0 : i32
    %c0_i32_0 = arith.constant 0 : i32
    return %arg0, %c0_i32 : i32, i32
  }
  func.func @transform_4(%arg0: i32) -> (i32, i32) {
    %c0_i32 = arith.constant 0 : i32
    %c0_i32_0 = arith.constant 0 : i32
    return %arg0, %c0_i32 : i32, i32
  }
}

module attributes {stable_mosaic.version = 14 : i64} {
  func.func @_tc2_body(%arg0: i32, %arg1: memref<2x2000x128xf32, #tpu.memory_space<vmem>>, %arg2: memref<2000x2xf32, #tpu.memory_space<vmem>>, %arg3: memref<1x128xf32, #tpu.memory_space<vmem>>, %arg4: memref<128x40xf32, #tpu.memory_space<vmem>>, %arg5: memref<2000x40xf32, #tpu.memory_space<vmem>>) attributes {dimension_semantics = [#tpu.dimension_semantics<arbitrary>], iteration_bounds = array<i64: 5>, scalar_prefetch = 0 : i64, scratch_operands = 0 : i64, tpu.core_type = #tpu.core_type<tc>, window_params = [{transform_indices = @transform_0, window_bounds = array<i64: 2, 2000, 128>}, {transform_indices = @transform_1, window_bounds = array<i64: 2000, 2>}, {pipeline_mode = #tpu.pipeline_mode<synchronous>, transform_indices = @transform_2, window_bounds = array<i64: 1, 128>}, {pipeline_mode = #tpu.pipeline_mode<synchronous>, transform_indices = @transform_3, window_bounds = array<i64: 128, 40>}, {transform_indices = @transform_4, window_bounds = array<i64: 2000, 40>}]} {
    %get3A = arith.constant 0 : index
    %get3A_0 = arith.constant 0 : index
    %get3A_1 = arith.constant 0 : index
    %get3A_2 = vector.load %arg1[%get3A, %get3A_0, %get3A_1] : memref<2x2000x128xf32, #tpu.memory_space<vmem>>, vector<1x2000x128xf32>
    %get3A_3 = vector.shape_cast %get3A_2 : vector<1x2000x128xf32> to vector<2000x128xf32>
    %get3A_4 = arith.constant 1 : index
    %get3A_5 = arith.constant 0 : index
    %get3A_6 = arith.constant 0 : index
    %get3A_7 = vector.load %arg1[%get3A_4, %get3A_5, %get3A_6] : memref<2x2000x128xf32, #tpu.memory_space<vmem>>, vector<1x2000x128xf32>
    %get3A_8 = vector.shape_cast %get3A_7 : vector<1x2000x128xf32> to vector<2000x128xf32>
    %add3A = arith.addf %get3A_3, %get3A_8 : vector<2000x128xf32>
    %get3A_9 = arith.constant 0 : index
    %get3A_10 = arith.constant 0 : index
    %get3A_11 = vector.load %arg2[%get3A_9, %get3A_10] : memref<2000x2xf32, #tpu.memory_space<vmem>>, vector<2000x2xf32>
    %slice3A = vector.extract_strided_slice %get3A_11 {offsets = [0, 1], sizes = [2000, 1], strides = [1, 1]} : vector<2000x2xf32> to vector<2000x1xf32>
    %mul3A = vector.broadcast %slice3A : vector<2000x1xf32> to vector<2000x128xf32>
    %mul3A_12 = arith.mulf %add3A, %mul3A : vector<2000x128xf32>
    %get3A_13 = arith.constant 0 : index
    %get3A_14 = arith.constant 0 : index
    %get3A_15 = vector.load %arg3[%get3A_13, %get3A_14] : memref<1x128xf32, #tpu.memory_space<vmem>>, vector<1x128xf32>
    %add3A_16 = vector.broadcast %get3A_15 : vector<1x128xf32> to vector<2000x128xf32>
    %add3A_17 = arith.addf %mul3A_12, %add3A_16 : vector<2000x128xf32>
    %max3A = arith.constant 0.000000e+00 : f32
    %max3A_18 = vector.broadcast %max3A : f32 to vector<2000x128xf32>
    %max3A_19 = arith.maximumf %add3A_17, %max3A_18 : vector<2000x128xf32>
    %get3A_20 = arith.constant 0 : index
    %get3A_21 = arith.constant 0 : index
    %get3A_22 = vector.load %arg4[%get3A_20, %get3A_21] : memref<128x40xf32, #tpu.memory_space<vmem>>, vector<128x40xf32>
    %dot_general3A = arith.constant dense<0.000000e+00> : vector<2000x40xf32>
    %dot_general3A_23 = tpu.matmul %max3A_19, %get3A_22, %dot_general3A {dimension_numbers = #tpu.dot_dimension_numbers<[1], [0], [0], [1], [0, 0, 1, 1], [], []>, transpose_lhs_hint = false} : vector<2000x128xf32>, vector<128x40xf32>, vector<2000x40xf32> -> vector<2000x40xf32>
    %slice3A_24 = vector.extract_strided_slice %get3A_11 {offsets = [0, 0], sizes = [2000, 1], strides = [1, 1]} : vector<2000x2xf32> to vector<2000x1xf32>
    %mul3A_25 = vector.broadcast %slice3A_24 : vector<2000x1xf32> to vector<2000x40xf32>
    %mul3A_26 = arith.mulf %dot_general3A_23, %mul3A_25 : vector<2000x40xf32>
    %swap3A = arith.constant 0 : index
    %swap3A_27 = arith.constant 0 : index
    %swap3A_28 = vector.load %arg5[%swap3A, %swap3A_27] : memref<2000x40xf32, #tpu.memory_space<vmem>>, vector<2000x40xf32>
    tpu.vector_store %arg5[%swap3A, %swap3A_27], %mul3A_26 {strides = array<i32>} : memref<2000x40xf32, #tpu.memory_space<vmem>>, vector<2000x40xf32>,
    return
  }
  func.func @transform_0(%arg0: i32) -> (i32, i32, i32) {
    %c0_i32 = arith.constant 0 : i32
    %c0_i32_0 = arith.constant 0 : i32
    %c0_i32_1 = arith.constant 0 : i32
    return %c0_i32, %arg0, %c0_i32_0 : i32, i32, i32
  }
  func.func @transform_1(%arg0: i32) -> (i32, i32) {
    %c0_i32 = arith.constant 0 : i32
    %c0_i32_0 = arith.constant 0 : i32
    return %arg0, %c0_i32 : i32, i32
  }
  func.func @transform_2(%arg0: i32) -> (i32, i32) {
    %c0_i32 = arith.constant 0 : i32
    %c0_i32_0 = arith.constant 0 : i32
    %c0_i32_1 = arith.constant 0 : i32
    return %c0_i32, %c0_i32_0 : i32, i32
  }
  func.func @transform_3(%arg0: i32) -> (i32, i32) {
    %c0_i32 = arith.constant 0 : i32
    %c0_i32_0 = arith.constant 0 : i32
    %c0_i32_1 = arith.constant 0 : i32
    return %c0_i32, %c0_i32_0 : i32, i32
  }
  func.func @transform_4(%arg0: i32) -> (i32, i32) {
    %c0_i32 = arith.constant 0 : i32
    %c0_i32_0 = arith.constant 0 : i32
    return %arg0, %c0_i32 : i32, i32
  }
}

module attributes {stable_mosaic.version = 14 : i64} {
  func.func @_tc3_body(%arg0: i32, %arg1: memref<2x2000x40xf32, #tpu.memory_space<vmem>>, %arg2: memref<2000x2xf32, #tpu.memory_space<vmem>>, %arg3: memref<1x40xf32, #tpu.memory_space<vmem>>, %arg4: memref<2000x40xf32, #tpu.memory_space<vmem>>) attributes {dimension_semantics = [#tpu.dimension_semantics<arbitrary>], iteration_bounds = array<i64: 5>, scalar_prefetch = 0 : i64, scratch_operands = 0 : i64, tpu.core_type = #tpu.core_type<tc>, window_params = [{transform_indices = @transform_0, window_bounds = array<i64: 2, 2000, 40>}, {transform_indices = @transform_1, window_bounds = array<i64: 2000, 2>}, {pipeline_mode = #tpu.pipeline_mode<synchronous>, transform_indices = @transform_2, window_bounds = array<i64: 1, 40>}, {transform_indices = @transform_3, window_bounds = array<i64: 2000, 40>}]} {
    %get3A = arith.constant 0 : index
    %get3A_0 = arith.constant 0 : index
    %get3A_1 = arith.constant 0 : index
    %get3A_2 = vector.load %arg1[%get3A, %get3A_0, %get3A_1] : memref<2x2000x40xf32, #tpu.memory_space<vmem>>, vector<1x2000x40xf32>
    %get3A_3 = vector.shape_cast %get3A_2 : vector<1x2000x40xf32> to vector<2000x40xf32>
    %get3A_4 = arith.constant 1 : index
    %get3A_5 = arith.constant 0 : index
    %get3A_6 = arith.constant 0 : index
    %get3A_7 = vector.load %arg1[%get3A_4, %get3A_5, %get3A_6] : memref<2x2000x40xf32, #tpu.memory_space<vmem>>, vector<1x2000x40xf32>
    %get3A_8 = vector.shape_cast %get3A_7 : vector<1x2000x40xf32> to vector<2000x40xf32>
    %add3A = arith.addf %get3A_3, %get3A_8 : vector<2000x40xf32>
    %get3A_9 = arith.constant 0 : index
    %get3A_10 = arith.constant 1 : index
    %get3A_11 = vector.load %arg2[%get3A_9, %get3A_10] : memref<2000x2xf32, #tpu.memory_space<vmem>>, vector<2000x1xf32>
    %mul3A = vector.broadcast %get3A_11 : vector<2000x1xf32> to vector<2000x40xf32>
    %mul3A_12 = arith.mulf %add3A, %mul3A : vector<2000x40xf32>
    %get3A_13 = arith.constant 0 : index
    %get3A_14 = arith.constant 0 : index
    %get3A_15 = vector.load %arg3[%get3A_13, %get3A_14] : memref<1x40xf32, #tpu.memory_space<vmem>>, vector<1x40xf32>
    %add3A_16 = vector.broadcast %get3A_15 : vector<1x40xf32> to vector<2000x40xf32>
    %add3A_17 = arith.addf %mul3A_12, %add3A_16 : vector<2000x40xf32>
    %reduce_max3A = arith.constant dense<0xFF800000> : vector<2000xf32>
    %reduce_max3A_18 = vector.multi_reduction <maximumf>, %add3A_17, %reduce_max3A [1] : vector<2000x40xf32> to vector<2000xf32>
    %broadcast_in_dim3A = vector.shape_cast %reduce_max3A_18 : vector<2000xf32> to vector<2000x1xf32>
    %sub3A = vector.broadcast %broadcast_in_dim3A : vector<2000x1xf32> to vector<2000x40xf32>
    %sub3A_19 = arith.subf %add3A_17, %sub3A : vector<2000x40xf32>
    %exp3A = math.exp %sub3A_19 : vector<2000x40xf32>
    %reduce_sum3A = arith.constant dense<0.000000e+00> : vector<2000xf32>
    %reduce_sum3A_20 = vector.multi_reduction <add>, %exp3A, %reduce_sum3A [1] : vector<2000x40xf32> to vector<2000xf32>
    %broadcast_in_dim3A_21 = vector.shape_cast %reduce_sum3A_20 : vector<2000xf32> to vector<2000x1xf32>
    %log3A = math.log %broadcast_in_dim3A_21 : vector<2000x1xf32>
    %sub3A_22 = vector.broadcast %broadcast_in_dim3A : vector<2000x1xf32> to vector<2000x40xf32>
    %sub3A_23 = arith.subf %add3A_17, %sub3A_22 : vector<2000x40xf32>
    %sub3A_24 = vector.broadcast %log3A : vector<2000x1xf32> to vector<2000x40xf32>
    %sub3A_25 = arith.subf %sub3A_23, %sub3A_24 : vector<2000x40xf32>
    %swap3A = arith.constant 0 : index
    %swap3A_26 = arith.constant 0 : index
    %swap3A_27 = vector.load %arg4[%swap3A, %swap3A_26] : memref<2000x40xf32, #tpu.memory_space<vmem>>, vector<2000x40xf32>
    tpu.vector_store %arg4[%swap3A, %swap3A_26], %sub3A_25 {strides = array<i32>} : memref<2000x40xf32, #tpu.memory_space<vmem>>, vector<2000x40xf32>,
    return
  }
  func.func @transform_0(%arg0: i32) -> (i32, i32, i32) {
    %c0_i32 = arith.constant 0 : i32
    %c0_i32_0 = arith.constant 0 : i32
    %c0_i32_1 = arith.constant 0 : i32
    return %c0_i32, %arg0, %c0_i32_0 : i32, i32, i32
  }
  func.func @transform_1(%arg0: i32) -> (i32, i32) {
    %c0_i32 = arith.constant 0 : i32
    %c0_i32_0 = arith.constant 0 : i32
    return %arg0, %c0_i32 : i32, i32
  }
  func.func @transform_2(%arg0: i32) -> (i32, i32) {
    %c0_i32 = arith.constant 0 : i32
    %c0_i32_0 = arith.constant 0 : i32
    %c0_i32_1 = arith.constant 0 : i32
    return %c0_i32, %c0_i32_0 : i32, i32
  }
  func.func @transform_3(%arg0: i32) -> (i32, i32) {
    %c0_i32 = arith.constant 0 : i32
    %c0_i32_0 = arith.constant 0 : i32
    return %arg0, %c0_i32 : i32, i32
  }
}

</mosaic_0001>

<sc_bundles>
// kernel: kernel.11.cloned.1.call-start
scs
__scs_entry_jumppad:
0x0: {  	(pc) =	sbr.rel $0x88, $3  }
0x1: {  	(tag) =	ssettag $0x0;
	lr =	simm.s32 $0x1  }
0x2: {  	[smem:$0x3F9B] =	sst lr;
	_ =	strace $0xD0000000  }
0x3: {  	_ = 	snop  }
0x4: {  	_ = 	snop  }
0x5: {  	_ = 	snop  }
0x6: {  	_ = 	snop  }
0x7: {  	_ = 	snop  }
__scs_overlays_trampoline_lowered:
0x8: {  	[smem:$0x3FAA] =	sst s0  }
0x9: {  	[smem:$0x3FAB] =	sst s1  }
0xa: {  	[smem:$0x3FAC] =	sst s2  }
0xb: {  	[smem:$0x3FAD] =	sst s3  }
0xc: {  	[smem:$0x3FAE] =	sst s4  }
0xd: {  	[smem:$0x3FAF] =	sst s5  }
0xe: {  	[smem:$0x3FB0] =	sst s6  }
0xf: {  	[smem:$0x3FB1] =	sst s7  }
0x10: {  	[smem:$0x3FB2] =	sst s8  }
0x11: {  	[smem:$0x3FB3] =	sst s9;
	s0 =	simm.s32 @!p0 $0x0  }
0x12: {  	s1 =	sld [smem:$0x3F99];
	s0 =	simm.s32 @p0 $0x1  }
0x13: {  	[smem:$0x3FB4] =	sst s0;
	s0 =	simm.s32 @!p1 $0x0  }
0x14: {  	s2 =	sld [smem:$0x3F98];
	s0 =	simm.s32 @p1 $0x1  }
0x15: {  	[smem:$0x3FB5] =	sst s0;
	s0 =	simm.s32 @!p2 $0x0  }
0x16: {  	s3 =	sld [smem:$0x3FDB];
	s0 =	simm.s32 @p2 $0x1  }
0x17: {  	s4 =	simm.s32 $0x1BF5;
	[smem:$0x3FB7] =	sst s0  }
0x18: {  	s0 =	sld [smem:$0x3F9A];
	_ =	swait.ge [sflag:s4], $0x0  }
0x19: {  	s7 =	sld [smem:$0x3F9B]  }
0x1a: {  	s8 =	sadd.s32 $0xFFFFE003, lr  }
0x1b: {  	s9 =	sadd.s32 $0xFFFFFEF7, lr;
	s5 =	simm.s32 $0xFFFFFFFF;
	p2 =	slt.u32 s8, $0xFFFFF086  }
0x1c: {  	p1 =	slt.u32 s9, $0xF7A;
	s5 =	simm.s32 @!p2 $0x0  }
0x1d: {  	s5 =	simm.s32 @p1 $0x1;
	p0 =	seq.s32 s7, s2  }
0x1e: {  	s7 =	smul.u32 @!p0 $0xF7A, s2;
	p2 =	seq.s32 @!p0 s5, $0x0  }
0x1f: {  	s9 =	smul.u32 $0xF7A, s1;
	s8 =	simm.s32 @!p0 $0x1BF5;
	p2 =	por !p2, p0  }
0x20: {  	[sflag:s8] =	ssyncset.s32 @!p0 $0xFFFFF086;
	s6 =	sadd.s32 @!p0 s3, s7;
	s7 =	simm.s32 @!p0 $0x108  }
0x21: {  	s3 =	sadd.s32 s3, s9;
	s6 =	sadd.s32 @!p0 $0x88, s6;
	s7 =	simm.s32 @p2 $0x1082  }
0x22: {  	[simem:s7], [sflag:s8] =	dma.local @!p0 [hbm:s6], $0xF7A  }
0x23: {  	s9 =	sor.u32 $0xD0000000, s2;
	s6 =	simm.s32 $0x108;
	_ =	swait.ge @!p0 [sflag:s8], $0x0  }
0x24: {  	s3 =	sadd.s32 $0x88, s3;
	s6 =	simm.s32 @!p1 $0x1082;
	[sflag:s4] =	ssyncset.s32 $0xFFFFF086  }
0x25: {  	[simem:s6], [sflag:s4] =	dma.local [hbm:s3], $0xF7A  }
0x26: {  	[smem:$0x3F9B] =	sst s1;
	(tag) =	ssettag s2;
	_ =	strace s9  }
0x27: {  	s1 =	sld [smem:$0x3FAB]  }
0x28: {  	s2 =	sld [smem:$0x3FAC]  }
0x29: {  	s4 =	sld [smem:$0x3FAE]  }
0x2a: {  	p0 =	seq.s32 s5, $0x0;
	s5 =	sld [smem:$0x3FAF]  }
0x2b: {  	s6 =	sld [smem:$0x3FB0]  }
0x2c: {  	s7 =	sld [smem:$0x3FB1]  }
0x2d: {  	s3 =	simm.s32 $0x108;
	s8 =	sld [smem:$0x3FB2]  }
0x2e: {  	s3 =	simm.s32 @!p0 $0x1082;
	s9 =	sld [smem:$0x3FB3]  }
0x2f: {  	lr =	sadd.s32 s0, s3;
	s0 =	sld [smem:$0x3FAA]  }
0x30: {  	s3 =	sld [smem:$0x3FAD]  }
0x31: {  	[smem:$0x3FB6] =	sst s10  }
0x32: {  	s10 =	sld [smem:$0x3FB4];
	_ =	sdelay $0x3  }
0x33: {  	p0 =	seq.s32 s10, $0x1;
	s10 =	sld [smem:$0x3FB6];
	_ =	sdelay $0x3  }
0x34: {  	[smem:$0x3FB6] =	sst s10  }
0x35: {  	s10 =	sld [smem:$0x3FB5];
	_ =	sdelay $0x3  }
0x36: {  	p1 =	seq.s32 s10, $0x1;
	s10 =	sld [smem:$0x3FB6];
	_ =	sdelay $0x3  }
0x37: {  	[smem:$0x3FB6] =	sst s10  }
0x38: {  	s10 =	sld [smem:$0x3FB7]  }
0x39: {  	_ = 	snop;
	(pc) =	sbr.ind lr, $3  }
0x3a: {  	_ = 	snop  }
0x3b: {  	_ = 	snop  }
0x3c: {  	p2 =	seq.s32 s10, $0x1;
	s10 =	sld [smem:$0x3FB6]  }
0x3d: {  	_ =	shalt  }
0x3e: {  	_ =	shalt  }
0x3f: {  	_ =	shalt  }
0x40: {  	_ =	shalt  }
0x41: {  	_ =	shalt  }
0x42: {  	_ =	shalt  }
0x43: {  	_ =	shalt  }
0x44: {  	_ =	shalt  }
0x45: {  	_ =	shalt  }
0x46: {  	_ =	shalt  }
0x47: {  	_ =	shalt  }
0x48: {  	_ =	shalt  }
0x49: {  	_ =	shalt  }
0x4a: {  	_ =	shalt  }
0x4b: {  	_ =	shalt  }
0x4c: {  	_ =	shalt  }
0x4d: {  	_ =	shalt  }
0x4e: {  	_ =	shalt  }
0x4f: {  	_ =	shalt  }
0x50: {  	_ =	shalt  }
0x51: {  	_ =	shalt  }
0x52: {  	_ =	shalt  }
0x53: {  	_ =	shalt  }
0x54: {  	_ =	shalt  }
0x55: {  	_ =	shalt  }
0x56: {  	_ =	shalt  }
0x57: {  	_ =	shalt  }
0x58: {  	_ =	shalt  }
0x59: {  	_ =	shalt  }
0x5a: {  	_ =	shalt  }
0x5b: {  	_ =	shalt  }
0x5c: {  	_ =	shalt  }
0x5d: {  	_ =	shalt  }
0x5e: {  	_ =	shalt  }
0x5f: {  	_ =	shalt  }
0x60: {  	_ =	shalt  }
0x61: {  	_ =	shalt  }
0x62: {  	_ =	shalt  }
0x63: {  	_ =	shalt  }
0x64: {  	_ =	shalt  }
0x65: {  	_ =	shalt  }
0x66: {  	_ =	shalt  }
0x67: {  	_ =	shalt  }
0x68: {  	_ =	shalt  }
0x69: {  	_ =	shalt  }
0x6a: {  	_ =	shalt  }
0x6b: {  	_ =	shalt  }
0x6c: {  	_ =	shalt  }
0x6d: {  	_ =	shalt  }
0x6e: {  	_ =	shalt  }
0x6f: {  	_ =	shalt  }
0x70: {  	_ =	shalt  }
0x71: {  	_ =	shalt  }
0x72: {  	_ =	shalt  }
0x73: {  	_ =	shalt  }
0x74: {  	_ =	shalt  }
0x75: {  	_ =	shalt  }
0x76: {  	_ =	shalt  }
0x77: {  	_ =	shalt  }
0x78: {  	_ =	shalt  }
0x79: {  	_ =	shalt  }
0x7a: {  	_ =	shalt  }
0x7b: {  	_ =	shalt  }
0x7c: {  	_ =	shalt  }
0x7d: {  	_ =	shalt  }
0x7e: {  	_ =	shalt  }
0x7f: {  	_ =	shalt  }
0x80: {  	_ =	shalt  }
0x81: {  	_ =	shalt  }
0x82: {  	_ =	shalt  }
0x83: {  	_ =	shalt  }
0x84: {  	_ =	shalt  }
0x85: {  	_ =	shalt  }
0x86: {  	_ =	shalt  }
0x87: {  	_ =	shalt  }
.Lfunc_end0:
.L_simem_size_0:
called_computation.1_lowered:
.L_overlay_start_0:
0x88: {  	s2 =	sld [smem:$0x3FD9]  }
0x89: {  	s3 =	sld [smem:$0x3FFE];
	_ =	sdelay $0x1  }
0x8a: {  	s1 =	srdreg.scid  }
0x8b: {  	s0 =	sand.u32 $0x1, s1  }
0x8c: {  	s17 =	sshll.u32 s0, $0xA;
	s2 =	sadd.s32 s3, s2  }
0x8d: {  	s2 =	sadd.s32 s2, s17  }
0x8e: {  	[smem:$0x3FC2] =	sst s2  }
0x8f: {  	_ = 	snop  }
0x90: {  	s2 =	sld [smem:$0x3FD0];
	(tm) =	ssettm $0x1  }
0x91: {  	s18 =	sld [smem:$0x3FFB];
	_ =	sdelay $0x3  }
0x92: {  	_ =	strace s18  }
0x93: {  	s3 =	sld [smem:$0x3FFC];
	_ =	sdelay $0x3  }
0x94: {  	_ =	strace s3  }
0x95: {  	s3 =	sld [smem:$0x3FFD];
	_ =	sdelay $0x3  }
0x96: {  	_ =	strace s3  }
0x97: {  	_ =	strace $0x8FFFFFFF  }
0x98: {  	s19 =	sld [smem:$0x3FDB];
	_ =	sdelay $0x1  }
0x99: {  	s4 =	simm.s32 $_scs_section_size  }
0x9a: {  	s5 =	simm.s32 $_size__tile_overlayer_lowered;
	s6 =	simm.s32 $_tile_overlayer_lowered  }
0x9b: {  	s22 =	simm.s32 $0x1BFF;
	s21 =	sshll.u32 s6, $0x1;
	s3 =	sadd.s32 s4, s19  }
0x9c: {  	s7 =	simm.s32 $0x0;
	s20 =	sshll.u32 s5, $0x1;
	s5 =	sadd.s32 s21, s3  }
0x9d: {  	[timem:s7], [sflag:s22] =	dma.local [hbm:s5], s20  }
0x9e: {  	_ =	swait.ge [sflag:s22], s20  }
0x9f: {  	s4 =	ssub.s32 $0x0, s20;
	[sflag:s22] =	ssyncset.done $0x0  }
0xa0: {  	[sflag:s22] =	ssyncadd.s32 s4;
	_ =	sdelay $0x1  }
0xa1: {  	s23 =	simm.s32 $0x1B8B  }
0xa2: {  	_ =	swait.ge [sflag:s23], $0x1  }
0xa3: {  	[sflag:s23] =	ssyncset.done $0x0  }
0xa4: {  	s25 =	simm.s32 $0x1B8E;
	s24 =	sld [smem:$0x3FFE];
	[sflag:s23] =	ssyncadd.s32 $0xFFFFFFFF  }
0xa5: {  	s26 =	simm.s32 $execute0_lowered;
	[smem:$0x3FD2] =	sst s25  }
0xa6: {  	s5 =	sshll.u32 s26, $0x1;
	_ =	strace $0x80000049;
	[dreg:$0x1] =	wrdreg $0xFFFFFFFF  }
0xa7: {  	s28 =	simm.s32 $_size_execute0_lowered;
	s3 =	sadd.s32 s3, s5;
	[dreg:$0x0] =	wrdreg $0x0  }
0xa8: {  	s5 =	sshll.u32 s28, $0x1;
	[dreg:$0x2] =	wrdreg s3  }
0xa9: {  	[dreg:$0x3] =	wrdreg s5  }
0xaa: {  	[dreg:$0x4] =	wrdreg $0xC0  }
0xab: {  	_ =	task [dreg:s7], $0x5FFFF  }
0xac: {  	[dreg:$0x1] =	wrdreg $0xFFFFFFFF  }
0xad: {  	[dreg:$0x0] =	wrdreg $0x60  }
0xae: {  	[dreg:$0x2] =	wrdreg s24  }
0xaf: {  	[dreg:$0x3] =	wrdreg s2  }
0xb0: {  	[dreg:$0x4] =	wrdreg $0x4E200  }
0xb1: {  	[dreg:$0x5] =	wrdreg $0x9  }
0xb2: {  	_ =	task.clear_ibuf [dreg:s7], $0x6FFFF;
	_ =	strace $0x90000049  }
0xb3: {  	s29 =	simm.s32 $0x9;
	_ =	strace $0x8000004B  }
0xb4: {  	_ =	swait.ge [sflag:s29], $0x1  }
0xb5: {  	[sflag:s29] =	ssyncadd.s32 $0xFFFFFFFF  }
0xb6: {  	_ =	strace $0x9000004B  }
0xb7: {  	_ =	sfence  }
0xb8: {  	s30 =	sld [smem:$0x0];
	_ =	sdelay $0x2  }
0xb9: {  	s31 =	sshll.u32 s1, $0xD;
	s1 =	sshrl.u32 s1, $0x2  }
0xba: {  	s3 =	sand.u32 $0x4000, s31;
	s1 =	sadd.s32 s1, s30  }
0xbb: {  	s0 =	sor.u32 s3, s0;
	s1 =	sshll.u32 s1, $0x11  }
0xbc: {  	s0 =	sor.u32 s1, s0  }
0xbd: {  	s0 =	sadd.s32 $0x8F2B, s0  }
0xbe: {  	[sflag:s0] =	ssyncadd.remote.s32 $0x1  }
0xbf: {  	_ =	sfence.sel $0xFFFF  }
0xc0: {  	[dreg:$0x0] =	wrdreg $0xFFFFFFFF;
	(pc) =	sbr.abs _section_cstart, $3  }
0xc1: {  	[dreg:$0x1] =	wrdreg $0xFFFFFFFF  }
0xc2: {  	_ =	task.clear_ibuf [dreg:s7], $0x2FFFF;
	_ =	strace $0x9FFFFFFF  }
0xc3: {  	(tm) =	ssettm $0x7FFFFFFF  }
tec
execute0_lowered:
.L_overlay_start_1:
0x0: {  	(tag) =	ssettag $0x1  }
0x1: {  	s0 =	rddreg [dreg:$0x0];
	s1 =	srdreg.scid  }
0x2: {  	s3 =	rddreg [dreg:$0x2];
	s11 =	stileid.u32;
	s4 =	simm.s32 $0x0  }
0x3: {  	s10 =	simm.s32 $0xD;
	s14 =	simm.s32 $0x28;
	s15 =	simm.s32 $0x186A0  }
0x4: {  	s16 =	simm.s32 $0x19AA0;
	s18 =	simm.s32 $0x1AEA0;
	s20 =	simm.s32 $0x1C2A0  }
0x5: {  	s22 =	simm.s32 $0x1D6A0;
	s28 =	simm.s32 $0x3;
	s29 =	simm.s32 $0x4  }
0x6: {  	s30 =	simm.s32 $0x5;
	s31 =	simm.s32 $0x6;
	s17 =	simm.s32 $0xB  }
0x7: {  	s19 =	simm.s32 $0xC;
	s21 =	simm.s32 $0x0;
	s1 =	sand.u32 $0x1, s1  }
0x8: {  	s6 =	smul.u32 $0x13880, s11;
	[smem:$0x7FF] =	sst s4;
	s5 =	sadd.s32 $0x15C00, s0  }
0x9: {  	s26 =	sshll.u32 s11, $0x6;
	s2 =	sshll.u32 s1, $0x4;
	s7 =	smul.u32 $0x138800, s1  }
0xa: {  	_ =	strace $0x8000004A;
	s1 =	ssub.s32 $0x2, s1;
	s12 =	sor.u32 $0x1C0D, s26  }
0xb: {  	s26 =	simm.s32 $0x2;
	s2 =	sor.u32 s11, s2;
	s23 =	sshrl.u32 s1, $0x1  }
0xc: {  	s25 =	sadd.s32 s6, s3;
	s11 =	simm.s32 $0xA;
	s2 =	smul.u32 $0x2710, s2  }
0xd: {  	s7 =	sadd.s32 s6, s7;
	s1 =	ssub.s32 s1, s23;
	s13 =	sshrl.u32 s25, $0x3  }
0xe: {  	s25 =	simm.s32 $0x1;
	s7 =	sshrl.u32 s7, $0x3;
	s2 =	sshrl.u32 s2, $0x3  }
0xf: {  	s9 =	smax.u32 s1, $0x1;
	s1 =	simm.s32 $0x8;
	s2 =	sadd.s32 s2, s0  }
0x10: {  	s0 =	sadd.s32 s7, s0;
	s24 =	sadd.s32 $0x2200, s2;
	s2 =	sadd.s32 $0xBE40, s2  }
0x11: {  	s8 =	sadd.s32 $0x3CE00, s0;
	s0 =	simm.s32 $0x7;
	[dreg:$0x4] =	wrdreg s24  }
0x12: {  	[dreg:$0x5] =	wrdreg s2;
	s24 =	simm.s32 $0x1EAA0;
	s2 =	simm.s32 $0x9  }
.LBB2_1:
0x13: {  	s6 =	rddreg [dreg:$0x4]  }
0x14: {  	[tilespmem:s4], [sflag:$0xD] =	stream.linear.gather [hbm4b:s6+s4], $0x2710, $0x38;
	[tilespmem:$0x1FEA0] =	vst v63  }
0x15: {  	_ =	swait.ge [sflag:s10], $0x2710  }
0x16: {  	[sflag:s10] =	ssyncset.done $0x0  }
0x17: {  	s7 =	simm.s32 $0x2710;
	s23 =	rddreg [dreg:$0x5];
	[sflag:s10] =	ssyncadd.s32 $0xFFFFD8F0  }
0x18: {  	[tilespmem:s7], [sflag:$0xD] =	stream.linear.gather [hbm4b:s23+s4], $0x2710, $0x38;
	[tilespmem:$0x1FEA0] =	vst v63  }
0x19: {  	_ =	swait.ge [sflag:s10], $0x2710  }
0x1a: {  	[sflag:s10] =	ssyncset.done $0x0  }
0x1b: {  	[sflag:s10] =	ssyncadd.s32 $0xFFFFD8F0  }
0x1c: {  	s7 =	rddreg [dreg:$0x1]  }
0x1d: {  	[spmem:s13], [sflag:s12] =	dma.local [hbm:s7], $0x2710  }
0x1e: {  	_ =	swait.ge [sflag:s10], $0x2710  }
0x1f: {  	[sflag:s10] =	ssyncset.done $0x0  }
0x20: {  	[sflag:s10] =	ssyncadd.s32 $0xFFFFD8F0  }
0x21: {  	[bflag:$0x0] =	sbarrier.arrive $0xFFFF  }
0x22: {  	[tilespmem:s15], [sflag:$0x1] =	stream.indirect.gather [hbm4b:s5+s14], $0x80, s4, s14, $0xb8;
	[tilespmem:$0x1FEA0] =	vst v63  }
0x23: {  	_ = 	snop  }
0x24: {  	[tilespmem:s16], [sflag:$0x2] =	stream.indirect.gather [hbm4b:s5+s14], $0x80, s14, s14, $0xb8;
	[tilespmem:$0x1FEA0] =	vst v63  }
0x25: {  	s23 =	simm.s32 $0x50  }
0x26: {  	[tilespmem:s18], [sflag:$0x3] =	stream.indirect.gather [hbm4b:s5+s14], $0x80, s23, s14, $0xb8;
	[tilespmem:$0x1FEA0] =	vst v63  }
0x27: {  	s7 =	simm.s32 $0x78  }
0x28: {  	[tilespmem:s20], [sflag:$0x4] =	stream.indirect.gather [hbm4b:s5+s14], $0x80, s7, s14, $0xb8;
	[tilespmem:$0x1FEA0] =	vst v63  }
0x29: {  	s23 =	simm.s32 $0xA0  }
0x2a: {  	[tilespmem:s22], [sflag:$0x5] =	stream.indirect.gather [hbm4b:s5+s14], $0x80, s23, s14, $0xb8;
	[tilespmem:$0x1FEA0] =	vst v63  }
0x2b: {  	s7 =	simm.s32 $0xC8  }
0x2c: {  	[tilespmem:s24], [sflag:$0x6] =	stream.indirect.gather [hbm4b:s5+s14], $0x80, s7, s14, $0xb8;
	[tilespmem:$0x1FEA0] =	vst v63  }
0x2d: {  	_ =	swait.ge [sflag:s25], $0x1400  }
0x2e: {  	[sflag:s25] =	ssyncset.done $0x0  }
0x2f: {  	s23 =	simm.s32 $0x2710;
	[sflag:s25] =	ssyncadd.s32 $0xFFFFEC00  }
0x30: {  	[spmem:s3] =	stream.indirect.scatter.add.f32 [tilespmem:s15], [sflag:$0x7], $0x80, s23, s14, $0xb8;
	[tilespmem:$0x1FEA0] =	vst v63  }
0x31: {  	_ =	swait.ge [sflag:s26], $0x1400  }
0x32: {  	[sflag:s26] =	ssyncset.done $0x0  }
0x33: {  	s7 =	simm.s32 $0x2738;
	[sflag:s26] =	ssyncadd.s32 $0xFFFFEC00  }
0x34: {  	[spmem:s3] =	stream.indirect.scatter.add.f32 [tilespmem:s16], [sflag:$0x8], $0x80, s7, s14, $0xb8;
	[tilespmem:$0x1FEA0] =	vst v63  }
0x35: {  	_ =	swait.ge [sflag:s28], $0x1400  }
0x36: {  	[sflag:s28] =	ssyncset.done $0x0  }
0x37: {  	s23 =	simm.s32 $0x2760;
	[sflag:s28] =	ssyncadd.s32 $0xFFFFEC00  }
0x38: {  	[spmem:s3] =	stream.indirect.scatter.add.f32 [tilespmem:s18], [sflag:$0x9], $0x80, s23, s14, $0xb8;
	[tilespmem:$0x1FEA0] =	vst v63  }
0x39: {  	_ =	swait.ge [sflag:s29], $0x1400  }
0x3a: {  	[sflag:s29] =	ssyncset.done $0x0  }
0x3b: {  	s7 =	simm.s32 $0x2788;
	[sflag:s29] =	ssyncadd.s32 $0xFFFFEC00  }
0x3c: {  	[spmem:s3] =	stream.indirect.scatter.add.f32 [tilespmem:s20], [sflag:$0xA], $0x80, s7, s14, $0xb8;
	[tilespmem:$0x1FEA0] =	vst v63  }
0x3d: {  	_ =	swait.ge [sflag:s30], $0x1400  }
0x3e: {  	[sflag:s30] =	ssyncset.done $0x0  }
0x3f: {  	s23 =	simm.s32 $0x27B0;
	[sflag:s30] =	ssyncadd.s32 $0xFFFFEC00  }
0x40: {  	[spmem:s3] =	stream.indirect.scatter.add.f32 [tilespmem:s22], [sflag:$0xB], $0x80, s23, s14, $0xb8;
	[tilespmem:$0x1FEA0] =	vst v63  }
0x41: {  	_ =	swait.ge [sflag:s31], $0x1400  }
0x42: {  	[sflag:s31] =	ssyncset.done $0x0  }
0x43: {  	s7 =	simm.s32 $0x27D8;
	[sflag:s31] =	ssyncadd.s32 $0xFFFFEC00  }
0x44: {  	[spmem:s3] =	stream.indirect.scatter.add.f32 [tilespmem:s24], [sflag:$0xC], $0x80, s7, s14, $0xb8;
	[tilespmem:$0x1FEA0] =	vst v63  }
0x45: {  	_ =	swait.ge [sflag:s0], $0x1400  }
0x46: {  	[sflag:s0] =	ssyncset.done $0x0  }
0x47: {  	s23 =	simm.s32 $0xF0;
	[sflag:s0] =	ssyncadd.s32 $0xFFFFEC00  }
0x48: {  	[tilespmem:s15], [sflag:$0x1] =	stream.indirect.gather [hbm4b:s5+s14], $0x80, s23, s14, $0xb8;
	[tilespmem:$0x1FEA0] =	vst v63  }
0x49: {  	_ =	swait.ge [sflag:s1], $0x1400  }
0x4a: {  	[sflag:s1] =	ssyncset.done $0x0  }
0x4b: {  	s7 =	simm.s32 $0x118;
	[sflag:s1] =	ssyncadd.s32 $0xFFFFEC00  }
0x4c: {  	[tilespmem:s16], [sflag:$0x2] =	stream.indirect.gather [hbm4b:s5+s14], $0x80, s7, s14, $0xb8;
	[tilespmem:$0x1FEA0] =	vst v63  }
0x4d: {  	_ =	swait.ge [sflag:s2], $0x1400  }
0x4e: {  	[sflag:s2] =	ssyncset.done $0x0  }
0x4f: {  	s23 =	simm.s32 $0x140;
	[sflag:s2] =	ssyncadd.s32 $0xFFFFEC00  }
0x50: {  	[tilespmem:s18], [sflag:$0x3] =	stream.indirect.gather [hbm4b:s5+s14], $0x80, s23, s14, $0xb8;
	[tilespmem:$0x1FEA0] =	vst v63  }
0x51: {  	_ =	swait.ge [sflag:s11], $0x1400  }
0x52: {  	[sflag:s11] =	ssyncset.done $0x0  }
0x53: {  	s7 =	simm.s32 $0x168;
	[sflag:s11] =	ssyncadd.s32 $0xFFFFEC00  }
0x54: {  	[tilespmem:s20], [sflag:$0x4] =	stream.indirect.gather [hbm4b:s5+s14], $0x80, s7, s14, $0xb8;
	[tilespmem:$0x1FEA0] =	vst v63  }
0x55: {  	_ =	swait.ge [sflag:s17], $0x1400  }
0x56: {  	[sflag:s17] =	ssyncset.done $0x0  }
0x57: {  	s23 =	simm.s32 $0x190;
	[sflag:s17] =	ssyncadd.s32 $0xFFFFEC00  }
0x58: {  	[tilespmem:s22], [sflag:$0x5] =	stream.indirect.gather [hbm4b:s5+s14], $0x80, s23, s14, $0xb8;
	[tilespmem:$0x1FEA0] =	vst v63  }
0x59: {  	_ =	swait.ge [sflag:s19], $0x1400  }
0x5a: {  	[sflag:s19] =	ssyncset.done $0x0  }
0x5b: {  	s6 =	simm.s32 $0x1B8;
	s23 =	simm.s32 $0x3C0;
	[sflag:s19] =	ssyncadd.s32 $0xFFFFEC00  }
.LBB2_2:
0x5c: {  	[tilespmem:s24], [sflag:$0x6] =	stream.indirect.gather [hbm4b:s5+s14], $0x80, s6, s14, $0xb8;
	[tilespmem:$0x1FEA0] =	vst v63  }
0x5d: {  	s6 =	smov.u32 s23;
	s23 =	sadd.s32 $0x3C0, s23;
	_ =	swait.ge [sflag:s25], $0x1400  }
0x5e: {  	s6 =	sshra.s32 s6, $0x2;
	p0 =	sne.s32 s23, $0x9600;
	[sflag:s25] =	ssyncset.done $0x0  }
0x5f: {  	s7 =	sadd.s32 $0x2710, s6;
	[sflag:s25] =	ssyncadd.s32 $0xFFFFEC00  }
0x60: {  	[spmem:s3] =	stream.indirect.scatter.add.f32 [tilespmem:s15], [sflag:$0x7], $0x80, s7, s14, $0xb8;
	[tilespmem:$0x1FEA0] =	vst v63  }
0x61: {  	_ =	swait.ge [sflag:s26], $0x1400  }
0x62: {  	[sflag:s26] =	ssyncset.done $0x0  }
0x63: {  	s7 =	sadd.s32 $0x2738, s6;
	[sflag:s26] =	ssyncadd.s32 $0xFFFFEC00  }
0x64: {  	[spmem:s3] =	stream.indirect.scatter.add.f32 [tilespmem:s16], [sflag:$0x8], $0x80, s7, s14, $0xb8;
	[tilespmem:$0x1FEA0] =	vst v63  }
0x65: {  	_ =	swait.ge [sflag:s28], $0x1400  }
0x66: {  	[sflag:s28] =	ssyncset.done $0x0  }
0x67: {  	s7 =	sadd.s32 $0x2760, s6;
	[sflag:s28] =	ssyncadd.s32 $0xFFFFEC00  }
0x68: {  	[spmem:s3] =	stream.indirect.scatter.add.f32 [tilespmem:s18], [sflag:$0x9], $0x80, s7, s14, $0xb8;
	[tilespmem:$0x1FEA0] =	vst v63  }
0x69: {  	_ =	swait.ge [sflag:s29], $0x1400  }
0x6a: {  	[sflag:s29] =	ssyncset.done $0x0  }
0x6b: {  	s7 =	sadd.s32 $0x2788, s6;
	[sflag:s29] =	ssyncadd.s32 $0xFFFFEC00  }
0x6c: {  	[spmem:s3] =	stream.indirect.scatter.add.f32 [tilespmem:s20], [sflag:$0xA], $0x80, s7, s14, $0xb8;
	[tilespmem:$0x1FEA0] =	vst v63  }
0x6d: {  	_ =	swait.ge [sflag:s30], $0x1400  }
0x6e: {  	[sflag:s30] =	ssyncset.done $0x0  }
0x6f: {  	s7 =	sadd.s32 $0x27B0, s6;
	[sflag:s30] =	ssyncadd.s32 $0xFFFFEC00  }
0x70: {  	[spmem:s3] =	stream.indirect.scatter.add.f32 [tilespmem:s22], [sflag:$0xB], $0x80, s7, s14, $0xb8;
	[tilespmem:$0x1FEA0] =	vst v63  }
0x71: {  	_ =	swait.ge [sflag:s31], $0x1400  }
0x72: {  	[sflag:s31] =	ssyncset.done $0x0  }
0x73: {  	s7 =	sadd.s32 $0x27D8, s6;
	[sflag:s31] =	ssyncadd.s32 $0xFFFFEC00  }
0x74: {  	[spmem:s3] =	stream.indirect.scatter.add.f32 [tilespmem:s24], [sflag:$0xC], $0x80, s7, s14, $0xb8;
	[tilespmem:$0x1FEA0] =	vst v63  }
0x75: {  	_ =	swait.ge [sflag:s0], $0x1400  }
0x76: {  	[sflag:s0] =	ssyncset.done $0x0  }
0x77: {  	s7 =	sadd.s32 $0xF0, s6;
	[sflag:s0] =	ssyncadd.s32 $0xFFFFEC00  }
0x78: {  	[tilespmem:s15], [sflag:$0x1] =	stream.indirect.gather [hbm4b:s5+s14], $0x80, s7, s14, $0xb8;
	[tilespmem:$0x1FEA0] =	vst v63  }
0x79: {  	_ =	swait.ge [sflag:s1], $0x1400  }
0x7a: {  	[sflag:s1] =	ssyncset.done $0x0  }
0x7b: {  	s7 =	sadd.s32 $0x118, s6;
	[sflag:s1] =	ssyncadd.s32 $0xFFFFEC00  }
0x7c: {  	[tilespmem:s16], [sflag:$0x2] =	stream.indirect.gather [hbm4b:s5+s14], $0x80, s7, s14, $0xb8;
	[tilespmem:$0x1FEA0] =	vst v63  }
0x7d: {  	_ =	swait.ge [sflag:s2], $0x1400  }
0x7e: {  	[sflag:s2] =	ssyncset.done $0x0  }
0x7f: {  	s7 =	sadd.s32 $0x140, s6;
	[sflag:s2] =	ssyncadd.s32 $0xFFFFEC00  }
0x80: {  	[tilespmem:s18], [sflag:$0x3] =	stream.indirect.gather [hbm4b:s5+s14], $0x80, s7, s14, $0xb8;
	[tilespmem:$0x1FEA0] =	vst v63  }
0x81: {  	_ =	swait.ge [sflag:s11], $0x1400  }
0x82: {  	[sflag:s11] =	ssyncset.done $0x0  }
0x83: {  	s7 =	sadd.s32 $0x168, s6;
	[sflag:s11] =	ssyncadd.s32 $0xFFFFEC00  }
0x84: {  	[tilespmem:s20], [sflag:$0x4] =	stream.indirect.gather [hbm4b:s5+s14], $0x80, s7, s14, $0xb8;
	[tilespmem:$0x1FEA0] =	vst v63  }
0x85: {  	_ =	swait.ge [sflag:s17], $0x1400  }
0x86: {  	[sflag:s17] =	ssyncset.done $0x0  }
.Ltmp0:
0x87: {  	s7 =	sadd.s32 $0x190, s6;
	[sflag:s17] =	ssyncadd.s32 $0xFFFFEC00;
	(pc) =	sbr.rel @p0 .LBB2_2-.Ltmp0, $4  }
0x88: {  	[tilespmem:s22], [sflag:$0x5] =	stream.indirect.gather [hbm4b:s5+s14], $0x80, s7, s14, $0xb8;
	[tilespmem:$0x1FEA0] =	vst v63  }
0x89: {  	_ =	swait.ge [sflag:s19], $0x1400  }
0x8a: {  	[sflag:s19] =	ssyncset.done $0x0  }
0x8b: {  	s6 =	sadd.s32 $0x1B8, s6;
	[sflag:s19] =	ssyncadd.s32 $0xFFFFEC00  }
0x8c: {  	[tilespmem:s24], [sflag:$0x6] =	stream.indirect.gather [hbm4b:s5+s14], $0x80, s6, s14, $0xb8;
	[tilespmem:$0x1FEA0] =	vst v63  }
0x8d: {  	_ =	swait.ge [sflag:s25], $0x1400  }
0x8e: {  	s6 =	sshra.s32 s23, $0x2;
	[sflag:s25] =	ssyncset.done $0x0  }
0x8f: {  	s7 =	sadd.s32 $0x2710, s6;
	[sflag:s25] =	ssyncadd.s32 $0xFFFFEC00  }
0x90: {  	[spmem:s3] =	stream.indirect.scatter.add.f32 [tilespmem:s15], [sflag:$0x7], $0x80, s7, s14, $0xb8;
	[tilespmem:$0x1FEA0] =	vst v63  }
0x91: {  	_ =	swait.ge [sflag:s26], $0x1400  }
0x92: {  	[sflag:s26] =	ssyncset.done $0x0  }
0x93: {  	s23 =	sadd.s32 $0x2738, s6;
	[sflag:s26] =	ssyncadd.s32 $0xFFFFEC00  }
0x94: {  	[spmem:s3] =	stream.indirect.scatter.add.f32 [tilespmem:s16], [sflag:$0x8], $0x80, s23, s14, $0xb8;
	[tilespmem:$0x1FEA0] =	vst v63  }
0x95: {  	_ =	swait.ge [sflag:s28], $0x1400  }
0x96: {  	[sflag:s28] =	ssyncset.done $0x0  }
0x97: {  	s23 =	sadd.s32 $0x2760, s6;
	[sflag:s28] =	ssyncadd.s32 $0xFFFFEC00  }
0x98: {  	[spmem:s3] =	stream.indirect.scatter.add.f32 [tilespmem:s18], [sflag:$0x9], $0x80, s23, s14, $0xb8;
	[tilespmem:$0x1FEA0] =	vst v63  }
0x99: {  	_ =	swait.ge [sflag:s29], $0x1400  }
0x9a: {  	[sflag:s29] =	ssyncset.done $0x0  }
0x9b: {  	s23 =	sadd.s32 $0x2788, s6;
	[sflag:s29] =	ssyncadd.s32 $0xFFFFEC00  }
0x9c: {  	[spmem:s3] =	stream.indirect.scatter.add.f32 [tilespmem:s20], [sflag:$0xA], $0x80, s23, s14, $0xb8;
	[tilespmem:$0x1FEA0] =	vst v63  }
0x9d: {  	_ =	swait.ge [sflag:s30], $0x1400  }
0x9e: {  	[sflag:s30] =	ssyncset.done $0x0  }
0x9f: {  	s23 =	sadd.s32 $0x27B0, s6;
	[sflag:s30] =	ssyncadd.s32 $0xFFFFEC00  }
0xa0: {  	[spmem:s3] =	stream.indirect.scatter.add.f32 [tilespmem:s22], [sflag:$0xB], $0x80, s23, s14, $0xb8;
	[tilespmem:$0x1FEA0] =	vst v63  }
0xa1: {  	_ =	swait.ge [sflag:s31], $0x1400  }
0xa2: {  	[sflag:s31] =	ssyncset.done $0x0  }
0xa3: {  	s23 =	sadd.s32 $0x27D8, s6;
	[sflag:s31] =	ssyncadd.s32 $0xFFFFEC00  }
0xa4: {  	[spmem:s3] =	stream.indirect.scatter.add.f32 [tilespmem:s24], [sflag:$0xC], $0x80, s23, s14, $0xb8;
	[tilespmem:$0x1FEA0] =	vst v63  }
0xa5: {  	_ =	swait.ge [sflag:s0], $0x1400  }
0xa6: {  	[sflag:s0] =	ssyncset.done $0x0  }
0xa7: {  	s23 =	sadd.s32 $0xF0, s6;
	[sflag:s0] =	ssyncadd.s32 $0xFFFFEC00  }
0xa8: {  	[tilespmem:s15], [sflag:$0x1] =	stream.indirect.gather [hbm4b:s5+s14], $0x80, s23, s14, $0xb8;
	[tilespmem:$0x1FEA0] =	vst v63  }
0xa9: {  	_ =	swait.ge [sflag:s1], $0x1400  }
0xaa: {  	[sflag:s1] =	ssyncset.done $0x0  }
0xab: {  	s23 =	sadd.s32 $0x118, s6;
	[sflag:s1] =	ssyncadd.s32 $0xFFFFEC00  }
0xac: {  	[tilespmem:s16], [sflag:$0x2] =	stream.indirect.gather [hbm4b:s5+s14], $0x80, s23, s14, $0xb8;
	[tilespmem:$0x1FEA0] =	vst v63  }
0xad: {  	_ =	swait.ge [sflag:s2], $0x1400  }
0xae: {  	[sflag:s2] =	ssyncset.done $0x0  }
0xaf: {  	s23 =	sadd.s32 $0x140, s6;
	[sflag:s2] =	ssyncadd.s32 $0xFFFFEC00  }
0xb0: {  	[tilespmem:s18], [sflag:$0x3] =	stream.indirect.gather [hbm4b:s5+s14], $0x80, s23, s14, $0xb8;
	[tilespmem:$0x1FEA0] =	vst v63  }
0xb1: {  	_ =	swait.ge [sflag:s11], $0x1400  }
0xb2: {  	[sflag:s11] =	ssyncset.done $0x0  }
0xb3: {  	s6 =	sadd.s32 $0x168, s6;
	[sflag:s11] =	ssyncadd.s32 $0xFFFFEC00  }
0xb4: {  	[tilespmem:s20], [sflag:$0x4] =	stream.indirect.gather [hbm4b:s5+s14], $0x80, s6, s14, $0xb8;
	[tilespmem:$0x1FEA0] =	vst v63  }
0xb5: {  	_ =	swait.ge [sflag:s25], $0x1400  }
0xb6: {  	[sflag:s25] =	ssyncset.done $0x0  }
0xb7: {  	s7 =	simm.s32 $0x4D80;
	[sflag:s25] =	ssyncadd.s32 $0xFFFFEC00  }
0xb8: {  	[spmem:s3] =	stream.indirect.scatter.add.f32 [tilespmem:s15], [sflag:$0x7], $0x80, s7, s14, $0xb8;
	[tilespmem:$0x1FEA0] =	vst v63  }
0xb9: {  	_ =	swait.ge [sflag:s26], $0x1400  }
0xba: {  	[sflag:s26] =	ssyncset.done $0x0  }
0xbb: {  	s23 =	simm.s32 $0x4DA8;
	[sflag:s26] =	ssyncadd.s32 $0xFFFFEC00  }
0xbc: {  	[spmem:s3] =	stream.indirect.scatter.add.f32 [tilespmem:s16], [sflag:$0x8], $0x80, s23, s14, $0xb8;
	[tilespmem:$0x1FEA0] =	vst v63  }
0xbd: {  	_ =	swait.ge [sflag:s28], $0x1400  }
0xbe: {  	[sflag:s28] =	ssyncset.done $0x0  }
0xbf: {  	s7 =	simm.s32 $0x4DD0;
	[sflag:s28] =	ssyncadd.s32 $0xFFFFEC00  }
0xc0: {  	[spmem:s3] =	stream.indirect.scatter.add.f32 [tilespmem:s18], [sflag:$0x9], $0x80, s7, s14, $0xb8;
	[tilespmem:$0x1FEA0] =	vst v63  }
0xc1: {  	_ =	swait.ge [sflag:s29], $0x1400  }
0xc2: {  	[sflag:s29] =	ssyncset.done $0x0  }
0xc3: {  	s23 =	simm.s32 $0x4DF8;
	[sflag:s29] =	ssyncadd.s32 $0xFFFFEC00  }
0xc4: {  	[spmem:s3] =	stream.indirect.scatter.add.f32 [tilespmem:s20], [sflag:$0xA], $0x80, s23, s14, $0xb8;
	[tilespmem:$0x1FEA0] =	vst v63  }
0xc5: {  	_ =	swait.ge [sflag:s0], $0x1400  }
0xc6: {  	[sflag:s0] =	ssyncset.done $0x0  }
0xc7: {  	[sflag:s0] =	ssyncadd.s32 $0xFFFFEC00  }
0xc8: {  	_ =	swait.ge [sflag:s1], $0x1400  }
0xc9: {  	[sflag:s1] =	ssyncset.done $0x0  }
0xca: {  	[sflag:s1] =	ssyncadd.s32 $0xFFFFEC00  }
0xcb: {  	_ =	swait.ge [sflag:s2], $0x1400  }
0xcc: {  	[sflag:s2] =	ssyncset.done $0x0  }
0xcd: {  	[sflag:s2] =	ssyncadd.s32 $0xFFFFEC00  }
0xce: {  	_ =	swait.ge [sflag:s11], $0x1400  }
0xcf: {  	[sflag:s11] =	ssyncset.done $0x0  }
0xd0: {  	[sflag:s11] =	ssyncadd.s32 $0xFFFFEC00  }
0xd1: {  	_ =	swait.ge [sflag:s17], $0x1400  }
0xd2: {  	[sflag:s17] =	ssyncset.done $0x0  }
0xd3: {  	[sflag:s17] =	ssyncadd.s32 $0xFFFFEC00  }
0xd4: {  	_ =	swait.ge [sflag:s19], $0x1400  }
0xd5: {  	s21 =	sadd.s32 $0x1, s21;
	[sflag:s19] =	ssyncset.done $0x0  }
0xd6: {  	p0 =	sne.s32 s21, s9;
	[sflag:s19] =	ssyncadd.s32 $0xFFFFEC00  }
.Ltmp1:
0xd7: {  	[bflag:$0x0] =	sbarrier.arrive $0xFFFF;
	(pc) =	sbr.rel @p0 .LBB2_1-.Ltmp1, $4  }
0xd8: {  	[hbm:s8], [sflag:s12] =	dma.local [spmem:s13], $0x2710  }
0xd9: {  	_ =	swait.ge [sflag:s10], $0x2710  }
0xda: {  	[sflag:s10] =	ssyncset.done $0x0  }
0xdb: {  	[sflag:s10] =	ssyncadd.s32 $0xFFFFD8F0  }
0xdc: {  	_ =	sfence.sel $0x180000  }
0xdd: {  	[bflag:$0x0] =	sbarrier.arrive $0xFFFF  }
0xde: {  	_ =	strace $0x9000004A  }
0xdf: {  	s0 =	stileid.u32;
	[bflag:$0x2] =	sbarrier.arrive $0xFFFF  }
0xe0: {  	p0 =	sne.s32 s0, $0x0;
	s0 =	rddreg [dreg:$0x3]  }
0xe1: {  	s0 =	sadd.s32 @!p0 $0x100000, s0  }
0xe2: {  	[sflag:s0] =	ssyncadd.tile.s32 @!p0 $0x1;
	_ =	shalt  }
.Lfunc_end2:
_tile_overlayer_lowered:
.L_overlay_start_2:
0xe3: {  	(tag) =	ssettag $0x2  }
0xe4: {  	s0 =	rddreg [dreg:$0x0];
	s2 =	stileid.u32  }
0xe5: {  	s1 =	rddreg [dreg:$0x1];
	p0 =	sne.s32 s2, $0x0  }
0xe6: {  	s3 =	rddreg [dreg:$0x2];
	[bflag:$0x3] =	sbarrier.arrive $0xFFFF;
	s2 =	simm.s32 @!p0 $0x1C0D  }
0xe7: {  	[timem:s3], [sflag:s2] =	dma.local @!p0 [hbm:s0], s1  }
0xe8: {  	s0 =	simm.s32 @!p0 $0xD  }
0xe9: {  	_ =	swait.ge @!p0 [sflag:s0], s1  }
0xea: {  	s1 =	ssub.s32 @!p0 $0x0, s1;
	[sflag:s0] =	ssyncset.done @!p0 $0x0  }
0xeb: {  	[sflag:s0] =	ssyncadd.s32 @!p0 s1  }
0xec: {  	[bflag:$0x3] =	sbarrier.arrive $0xFFFF  }
0xed: {  	_ =	shalt  }

// kernel: kernel.14.cloned.1.call-start
scs
__scs_entry_jumppad:
0x0: {  	(pc) =	sbr.rel $0x88, $3  }
0x1: {  	(tag) =	ssettag $0x0;
	lr =	simm.s32 $0x1  }
0x2: {  	[smem:$0x3F9B] =	sst lr;
	_ =	strace $0xD0000000  }
0x3: {  	_ = 	snop  }
0x4: {  	_ = 	snop  }
0x5: {  	_ = 	snop  }
0x6: {  	_ = 	snop  }
0x7: {  	_ = 	snop  }
__scs_overlays_trampoline_lowered:
0x8: {  	[smem:$0x3FAA] =	sst s0  }
0x9: {  	[smem:$0x3FAB] =	sst s1  }
0xa: {  	[smem:$0x3FAC] =	sst s2  }
0xb: {  	[smem:$0x3FAD] =	sst s3  }
0xc: {  	[smem:$0x3FAE] =	sst s4  }
0xd: {  	[smem:$0x3FAF] =	sst s5  }
0xe: {  	[smem:$0x3FB0] =	sst s6  }
0xf: {  	[smem:$0x3FB1] =	sst s7  }
0x10: {  	[smem:$0x3FB2] =	sst s8  }
0x11: {  	[smem:$0x3FB3] =	sst s9;
	s0 =	simm.s32 @!p0 $0x0  }
0x12: {  	s1 =	sld [smem:$0x3F99];
	s0 =	simm.s32 @p0 $0x1  }
0x13: {  	[smem:$0x3FB4] =	sst s0;
	s0 =	simm.s32 @!p1 $0x0  }
0x14: {  	s2 =	sld [smem:$0x3F98];
	s0 =	simm.s32 @p1 $0x1  }
0x15: {  	[smem:$0x3FB5] =	sst s0;
	s0 =	simm.s32 @!p2 $0x0  }
0x16: {  	s3 =	sld [smem:$0x3FDB];
	s0 =	simm.s32 @p2 $0x1  }
0x17: {  	s4 =	simm.s32 $0x1BF5;
	[smem:$0x3FB7] =	sst s0  }
0x18: {  	s0 =	sld [smem:$0x3F9A];
	_ =	swait.ge [sflag:s4], $0x0  }
0x19: {  	s7 =	sld [smem:$0x3F9B]  }
0x1a: {  	s8 =	sadd.s32 $0xFFFFE003, lr  }
0x1b: {  	s9 =	sadd.s32 $0xFFFFFEF7, lr;
	s5 =	simm.s32 $0xFFFFFFFF;
	p2 =	slt.u32 s8, $0xFFFFF086  }
0x1c: {  	p1 =	slt.u32 s9, $0xF7A;
	s5 =	simm.s32 @!p2 $0x0  }
0x1d: {  	s5 =	simm.s32 @p1 $0x1;
	p0 =	seq.s32 s7, s2  }
0x1e: {  	s7 =	smul.u32 @!p0 $0xF7A, s2;
	p2 =	seq.s32 @!p0 s5, $0x0  }
0x1f: {  	s9 =	smul.u32 $0xF7A, s1;
	s8 =	simm.s32 @!p0 $0x1BF5;
	p2 =	por !p2, p0  }
0x20: {  	[sflag:s8] =	ssyncset.s32 @!p0 $0xFFFFF086;
	s6 =	sadd.s32 @!p0 s3, s7;
	s7 =	simm.s32 @!p0 $0x108  }
0x21: {  	s3 =	sadd.s32 s3, s9;
	s6 =	sadd.s32 @!p0 $0x88, s6;
	s7 =	simm.s32 @p2 $0x1082  }
0x22: {  	[simem:s7], [sflag:s8] =	dma.local @!p0 [hbm:s6], $0xF7A  }
0x23: {  	s9 =	sor.u32 $0xD0000000, s2;
	s6 =	simm.s32 $0x108;
	_ =	swait.ge @!p0 [sflag:s8], $0x0  }
0x24: {  	s3 =	sadd.s32 $0x88, s3;
	s6 =	simm.s32 @!p1 $0x1082;
	[sflag:s4] =	ssyncset.s32 $0xFFFFF086  }
0x25: {  	[simem:s6], [sflag:s4] =	dma.local [hbm:s3], $0xF7A  }
0x26: {  	[smem:$0x3F9B] =	sst s1;
	(tag) =	ssettag s2;
	_ =	strace s9  }
0x27: {  	s1 =	sld [smem:$0x3FAB]  }
0x28: {  	s2 =	sld [smem:$0x3FAC]  }
0x29: {  	s4 =	sld [smem:$0x3FAE]  }
0x2a: {  	p0 =	seq.s32 s5, $0x0;
	s5 =	sld [smem:$0x3FAF]  }
0x2b: {  	s6 =	sld [smem:$0x3FB0]  }
0x2c: {  	s7 =	sld [smem:$0x3FB1]  }
0x2d: {  	s3 =	simm.s32 $0x108;
	s8 =	sld [smem:$0x3FB2]  }
0x2e: {  	s3 =	simm.s32 @!p0 $0x1082;
	s9 =	sld [smem:$0x3FB3]  }
0x2f: {  	lr =	sadd.s32 s0, s3;
	s0 =	sld [smem:$0x3FAA]  }
0x30: {  	s3 =	sld [smem:$0x3FAD]  }
0x31: {  	[smem:$0x3FB6] =	sst s10  }
0x32: {  	s10 =	sld [smem:$0x3FB4];
	_ =	sdelay $0x3  }
0x33: {  	p0 =	seq.s32 s10, $0x1;
	s10 =	sld [smem:$0x3FB6];
	_ =	sdelay $0x3  }
0x34: {  	[smem:$0x3FB6] =	sst s10  }
0x35: {  	s10 =	sld [smem:$0x3FB5];
	_ =	sdelay $0x3  }
0x36: {  	p1 =	seq.s32 s10, $0x1;
	s10 =	sld [smem:$0x3FB6];
	_ =	sdelay $0x3  }
0x37: {  	[smem:$0x3FB6] =	sst s10  }
0x38: {  	s10 =	sld [smem:$0x3FB7]  }
0x39: {  	_ = 	snop;
	(pc) =	sbr.ind lr, $3  }
0x3a: {  	_ = 	snop  }
0x3b: {  	_ = 	snop  }
0x3c: {  	p2 =	seq.s32 s10, $0x1;
	s10 =	sld [smem:$0x3FB6]  }
0x3d: {  	_ =	shalt  }
0x3e: {  	_ =	shalt  }
0x3f: {  	_ =	shalt  }
0x40: {  	_ =	shalt  }
0x41: {  	_ =	shalt  }
0x42: {  	_ =	shalt  }
0x43: {  	_ =	shalt  }
0x44: {  	_ =	shalt  }
0x45: {  	_ =	shalt  }
0x46: {  	_ =	shalt  }
0x47: {  	_ =	shalt  }
0x48: {  	_ =	shalt  }
0x49: {  	_ =	shalt  }
0x4a: {  	_ =	shalt  }
0x4b: {  	_ =	shalt  }
0x4c: {  	_ =	shalt  }
0x4d: {  	_ =	shalt  }
0x4e: {  	_ =	shalt  }
0x4f: {  	_ =	shalt  }
0x50: {  	_ =	shalt  }
0x51: {  	_ =	shalt  }
0x52: {  	_ =	shalt  }
0x53: {  	_ =	shalt  }
0x54: {  	_ =	shalt  }
0x55: {  	_ =	shalt  }
0x56: {  	_ =	shalt  }
0x57: {  	_ =	shalt  }
0x58: {  	_ =	shalt  }
0x59: {  	_ =	shalt  }
0x5a: {  	_ =	shalt  }
0x5b: {  	_ =	shalt  }
0x5c: {  	_ =	shalt  }
0x5d: {  	_ =	shalt  }
0x5e: {  	_ =	shalt  }
0x5f: {  	_ =	shalt  }
0x60: {  	_ =	shalt  }
0x61: {  	_ =	shalt  }
0x62: {  	_ =	shalt  }
0x63: {  	_ =	shalt  }
0x64: {  	_ =	shalt  }
0x65: {  	_ =	shalt  }
0x66: {  	_ =	shalt  }
0x67: {  	_ =	shalt  }
0x68: {  	_ =	shalt  }
0x69: {  	_ =	shalt  }
0x6a: {  	_ =	shalt  }
0x6b: {  	_ =	shalt  }
0x6c: {  	_ =	shalt  }
0x6d: {  	_ =	shalt  }
0x6e: {  	_ =	shalt  }
0x6f: {  	_ =	shalt  }
0x70: {  	_ =	shalt  }
0x71: {  	_ =	shalt  }
0x72: {  	_ =	shalt  }
0x73: {  	_ =	shalt  }
0x74: {  	_ =	shalt  }
0x75: {  	_ =	shalt  }
0x76: {  	_ =	shalt  }
0x77: {  	_ =	shalt  }
0x78: {  	_ =	shalt  }
0x79: {  	_ =	shalt  }
0x7a: {  	_ =	shalt  }
0x7b: {  	_ =	shalt  }
0x7c: {  	_ =	shalt  }
0x7d: {  	_ =	shalt  }
0x7e: {  	_ =	shalt  }
0x7f: {  	_ =	shalt  }
0x80: {  	_ =	shalt  }
0x81: {  	_ =	shalt  }
0x82: {  	_ =	shalt  }
0x83: {  	_ =	shalt  }
0x84: {  	_ =	shalt  }
0x85: {  	_ =	shalt  }
0x86: {  	_ =	shalt  }
0x87: {  	_ =	shalt  }
.Lfunc_end0:
.L_simem_size_0:
called_computation.2_lowered:
.L_overlay_start_0:
0x88: {  	s2 =	sld [smem:$0x3FD9]  }
0x89: {  	s3 =	sld [smem:$0x3FFE];
	_ =	sdelay $0x1  }
0x8a: {  	s1 =	srdreg.scid  }
0x8b: {  	s0 =	sand.u32 $0x1, s1  }
0x8c: {  	s17 =	sshll.u32 s0, $0xA;
	s2 =	sadd.s32 s3, s2  }
0x8d: {  	s2 =	sadd.s32 s2, s17  }
0x8e: {  	[smem:$0x3FC2] =	sst s2  }
0x8f: {  	_ = 	snop  }
0x90: {  	s2 =	sld [smem:$0x3FD0];
	(tm) =	ssettm $0x1  }
0x91: {  	s18 =	sld [smem:$0x3FFB];
	_ =	sdelay $0x3  }
0x92: {  	_ =	strace s18  }
0x93: {  	s3 =	sld [smem:$0x3FFC];
	_ =	sdelay $0x3  }
0x94: {  	_ =	strace s3  }
0x95: {  	s3 =	sld [smem:$0x3FFD];
	_ =	sdelay $0x3  }
0x96: {  	_ =	strace s3  }
0x97: {  	_ =	strace $0x8FFFFFFF  }
0x98: {  	s19 =	sld [smem:$0x3FDB];
	_ =	sdelay $0x1  }
0x99: {  	s4 =	simm.s32 $_scs_section_size  }
0x9a: {  	s5 =	simm.s32 $_size__tile_overlayer_lowered;
	s6 =	simm.s32 $_tile_overlayer_lowered  }
0x9b: {  	s22 =	simm.s32 $0x1BFF;
	s21 =	sshll.u32 s6, $0x1;
	s3 =	sadd.s32 s4, s19  }
0x9c: {  	s7 =	simm.s32 $0x0;
	s20 =	sshll.u32 s5, $0x1;
	s5 =	sadd.s32 s21, s3  }
0x9d: {  	[timem:s7], [sflag:s22] =	dma.local [hbm:s5], s20  }
0x9e: {  	_ =	swait.ge [sflag:s22], s20  }
0x9f: {  	s4 =	ssub.s32 $0x0, s20;
	[sflag:s22] =	ssyncset.done $0x0  }
0xa0: {  	[sflag:s22] =	ssyncadd.s32 s4;
	_ =	sdelay $0x1  }
0xa1: {  	s23 =	simm.s32 $0x1B8B  }
0xa2: {  	_ =	swait.ge [sflag:s23], $0x1  }
0xa3: {  	[sflag:s23] =	ssyncset.done $0x0  }
0xa4: {  	s25 =	simm.s32 $0x1B8E;
	s24 =	sld [smem:$0x3FFE];
	[sflag:s23] =	ssyncadd.s32 $0xFFFFFFFF  }
0xa5: {  	s26 =	simm.s32 $execute0_lowered;
	[smem:$0x3FD2] =	sst s25  }
0xa6: {  	s5 =	sshll.u32 s26, $0x1;
	_ =	strace $0x8000004C;
	[dreg:$0x1] =	wrdreg $0xFFFFFFFF  }
0xa7: {  	s28 =	simm.s32 $_size_execute0_lowered;
	s3 =	sadd.s32 s3, s5;
	[dreg:$0x0] =	wrdreg $0x0  }
0xa8: {  	s5 =	sshll.u32 s28, $0x1;
	[dreg:$0x2] =	wrdreg s3  }
0xa9: {  	[dreg:$0x3] =	wrdreg s5  }
0xaa: {  	[dreg:$0x4] =	wrdreg $0xC0  }
0xab: {  	_ =	task [dreg:s7], $0x5FFFF  }
0xac: {  	[dreg:$0x1] =	wrdreg $0xFFFFFFFF  }
0xad: {  	[dreg:$0x0] =	wrdreg $0x60  }
0xae: {  	[dreg:$0x2] =	wrdreg s2  }
0xaf: {  	[dreg:$0x3] =	wrdreg s24  }
0xb0: {  	[dreg:$0x4] =	wrdreg $0x4E200  }
0xb1: {  	[dreg:$0x5] =	wrdreg $0x9  }
0xb2: {  	_ =	task.clear_ibuf [dreg:s7], $0x6FFFF;
	_ =	strace $0x9000004C  }
0xb3: {  	s29 =	simm.s32 $0x9;
	_ =	strace $0x8000004E  }
0xb4: {  	_ =	swait.ge [sflag:s29], $0x1  }
0xb5: {  	[sflag:s29] =	ssyncadd.s32 $0xFFFFFFFF  }
0xb6: {  	_ =	strace $0x9000004E  }
0xb7: {  	_ =	sfence  }
0xb8: {  	s30 =	sld [smem:$0x0];
	_ =	sdelay $0x2  }
0xb9: {  	s31 =	sshll.u32 s1, $0xD;
	s1 =	sshrl.u32 s1, $0x2  }
0xba: {  	s3 =	sand.u32 $0x4000, s31;
	s1 =	sadd.s32 s1, s30  }
0xbb: {  	s0 =	sor.u32 s3, s0;
	s1 =	sshll.u32 s1, $0x11  }
0xbc: {  	s0 =	sor.u32 s1, s0  }
0xbd: {  	s0 =	sadd.s32 $0x8F2B, s0  }
0xbe: {  	[sflag:s0] =	ssyncadd.remote.s32 $0x1  }
0xbf: {  	_ =	sfence.sel $0xFFFF  }
0xc0: {  	[dreg:$0x0] =	wrdreg $0xFFFFFFFF;
	(pc) =	sbr.abs _section_cstart, $3  }
0xc1: {  	[dreg:$0x1] =	wrdreg $0xFFFFFFFF  }
0xc2: {  	_ =	task.clear_ibuf [dreg:s7], $0x2FFFF;
	_ =	strace $0x9FFFFFFF  }
0xc3: {  	(tm) =	ssettm $0x7FFFFFFF  }
tec
execute0_lowered:
.L_overlay_start_1:
0x0: {  	(tag) =	ssettag $0x1  }
0x1: {  	s0 =	srdreg.scid;
	s2 =	rddreg [dreg:$0x0]  }
0x2: {  	s11 =	stileid.u32;
	s5 =	rddreg [dreg:$0x1]  }
0x3: {  	s3 =	rddreg [dreg:$0x2];
	s4 =	simm.s32 $0x0;
	s10 =	simm.s32 $0xD  }
0x4: {  	s14 =	simm.s32 $0x28;
	s15 =	simm.s32 $0xAFC8;
	s16 =	simm.s32 $0xB608  }
0x5: {  	s18 =	simm.s32 $0xBC48;
	s20 =	simm.s32 $0xC288;
	s22 =	simm.s32 $0xC8C8  }
0x6: {  	s28 =	simm.s32 $0x3;
	s29 =	simm.s32 $0x4;
	s30 =	simm.s32 $0x5  }
0x7: {  	s31 =	simm.s32 $0x6;
	s17 =	simm.s32 $0xA;
	s19 =	simm.s32 $0xB  }
0x8: {  	s21 =	simm.s32 $0xC;
	s0 =	sand.u32 $0x1, s0;
	s6 =	smul.u32 $0x61A8, s11  }
0x9: {  	[smem:$0x7FF] =	sst s4;
	s8 =	sadd.s32 $0x15C00, s5;
	s26 =	sshll.u32 s11, $0x6  }
0xa: {  	s1 =	sshll.u32 s0, $0x4;
	s7 =	smul.u32 $0x61A80, s0;
	_ =	strace $0x8000004D  }
0xb: {  	s0 =	ssub.s32 $0x2, s0;
	[dreg:$0x4] =	wrdreg s8;
	s12 =	sor.u32 $0x1C0D, s26  }
0xc: {  	s26 =	simm.s32 $0x2;
	s1 =	sor.u32 s11, s1;
	s23 =	sshrl.u32 s0, $0x1  }
0xd: {  	s25 =	sadd.s32 s6, s3;
	s11 =	simm.s32 $0x9;
	s1 =	smul.u32 $0x2710, s1  }
0xe: {  	s7 =	sadd.s32 s6, s7;
	s0 =	ssub.s32 s0, s23;
	s13 =	sshrl.u32 s25, $0x3  }
0xf: {  	s25 =	simm.s32 $0x1;
	s23 =	simm.s32 $0x0;
	s1 =	sshrl.u32 s1, $0x3  }
0x10: {  	s7 =	sshrl.u32 s7, $0x3;
	s9 =	smax.u32 s0, $0x1;
	s1 =	sadd.s32 s1, s5  }
0x11: {  	s0 =	simm.s32 $0x8;
	s5 =	sadd.s32 s7, s5;
	s24 =	sadd.s32 $0x2200, s1  }
0x12: {  	s1 =	sadd.s32 $0xBE40, s1;
	s8 =	sadd.s32 $0x16A00, s5;
	[dreg:$0x5] =	wrdreg s24  }
0x13: {  	[dreg:$0x6] =	wrdreg s1;
	s24 =	simm.s32 $0xCF08;
	s1 =	simm.s32 $0x7  }
.LBB2_1:
0x14: {  	s5 =	rddreg [dreg:$0x5]  }
0x15: {  	[tilespmem:s4], [sflag:$0xD] =	stream.linear.gather [hbm4b:s5+s4], $0x2710, $0x38;
	[tilespmem:$0xD548] =	vst v63  }
0x16: {  	_ =	swait.ge [sflag:s10], $0x2710  }
0x17: {  	[sflag:s10] =	ssyncset.done $0x0  }
0x18: {  	s6 =	simm.s32 $0x2710;
	s7 =	rddreg [dreg:$0x6];
	[sflag:s10] =	ssyncadd.s32 $0xFFFFD8F0  }
0x19: {  	[tilespmem:s6], [sflag:$0xD] =	stream.linear.gather [hbm4b:s7+s4], $0x2710, $0x38;
	[tilespmem:$0xD548] =	vst v63  }
0x1a: {  	_ =	swait.ge [sflag:s10], $0x2710  }
0x1b: {  	[sflag:s10] =	ssyncset.done $0x0  }
0x1c: {  	s6 =	rddreg [dreg:$0x4];
	[sflag:s10] =	ssyncadd.s32 $0xFFFFD8F0  }
0x1d: {  	[spmem:s13], [sflag:s12] =	dma.local [hbm:s6], $0xC35  }
0x1e: {  	_ =	swait.ge [sflag:s10], $0xC35  }
0x1f: {  	[sflag:s10] =	ssyncset.done $0x0  }
0x20: {  	[sflag:s10] =	ssyncadd.s32 $0xFFFFF3CB  }
0x21: {  	[bflag:$0x0] =	sbarrier.arrive $0xFFFF  }
0x22: {  	[tilespmem:s15], [sflag:$0x1] =	stream.indirect.gather [hbm4b:s2+s14], $0x28, s4, s14, $0xb8;
	[tilespmem:$0xD548] =	vst v63  }
0x23: {  	_ = 	snop  }
0x24: {  	[tilespmem:s16], [sflag:$0x2] =	stream.indirect.gather [hbm4b:s2+s14], $0x28, s14, s14, $0xb8;
	[tilespmem:$0xD548] =	vst v63  }
0x25: {  	s7 =	simm.s32 $0x50  }
0x26: {  	[tilespmem:s18], [sflag:$0x3] =	stream.indirect.gather [hbm4b:s2+s14], $0x28, s7, s14, $0xb8;
	[tilespmem:$0xD548] =	vst v63  }
0x27: {  	s6 =	simm.s32 $0x78  }
0x28: {  	[tilespmem:s20], [sflag:$0x4] =	stream.indirect.gather [hbm4b:s2+s14], $0x28, s6, s14, $0xb8;
	[tilespmem:$0xD548] =	vst v63  }
0x29: {  	s7 =	simm.s32 $0xA0  }
0x2a: {  	[tilespmem:s22], [sflag:$0x5] =	stream.indirect.gather [hbm4b:s2+s14], $0x28, s7, s14, $0xb8;
	[tilespmem:$0xD548] =	vst v63  }
0x2b: {  	s6 =	simm.s32 $0xC8  }
0x2c: {  	[tilespmem:s24], [sflag:$0x6] =	stream.indirect.gather [hbm4b:s2+s14], $0x28, s6, s14, $0xb8;
	[tilespmem:$0xD548] =	vst v63  }
0x2d: {  	_ =	swait.ge [sflag:s25], $0x640  }
0x2e: {  	[sflag:s25] =	ssyncset.done $0x0  }
0x2f: {  	s7 =	simm.s32 $0x2710;
	[sflag:s25] =	ssyncadd.s32 $0xFFFFF9C0  }
0x30: {  	[spmem:s3] =	stream.indirect.scatter.add.f32 [tilespmem:s15], [sflag:$0x7], $0x28, s7, s14, $0xb8;
	[tilespmem:$0xD548] =	vst v63  }
0x31: {  	_ =	swait.ge [sflag:s26], $0x640  }
0x32: {  	[sflag:s26] =	ssyncset.done $0x0  }
0x33: {  	s6 =	simm.s32 $0x2738;
	[sflag:s26] =	ssyncadd.s32 $0xFFFFF9C0  }
0x34: {  	[spmem:s3] =	stream.indirect.scatter.add.f32 [tilespmem:s16], [sflag:$0x8], $0x28, s6, s14, $0xb8;
	[tilespmem:$0xD548] =	vst v63  }
0x35: {  	_ =	swait.ge [sflag:s28], $0x640  }
0x36: {  	[sflag:s28] =	ssyncset.done $0x0  }
0x37: {  	s7 =	simm.s32 $0x2760;
	[sflag:s28] =	ssyncadd.s32 $0xFFFFF9C0  }
0x38: {  	[spmem:s3] =	stream.indirect.scatter.add.f32 [tilespmem:s18], [sflag:$0x9], $0x28, s7, s14, $0xb8;
	[tilespmem:$0xD548] =	vst v63  }
0x39: {  	_ =	swait.ge [sflag:s29], $0x640  }
0x3a: {  	[sflag:s29] =	ssyncset.done $0x0  }
0x3b: {  	s6 =	simm.s32 $0x2788;
	[sflag:s29] =	ssyncadd.s32 $0xFFFFF9C0  }
0x3c: {  	[spmem:s3] =	stream.indirect.scatter.add.f32 [tilespmem:s20], [sflag:$0xA], $0x28, s6, s14, $0xb8;
	[tilespmem:$0xD548] =	vst v63  }
0x3d: {  	_ =	swait.ge [sflag:s30], $0x640  }
0x3e: {  	[sflag:s30] =	ssyncset.done $0x0  }
0x3f: {  	s7 =	simm.s32 $0x27B0;
	[sflag:s30] =	ssyncadd.s32 $0xFFFFF9C0  }
0x40: {  	[spmem:s3] =	stream.indirect.scatter.add.f32 [tilespmem:s22], [sflag:$0xB], $0x28, s7, s14, $0xb8;
	[tilespmem:$0xD548] =	vst v63  }
0x41: {  	_ =	swait.ge [sflag:s31], $0x640  }
0x42: {  	[sflag:s31] =	ssyncset.done $0x0  }
0x43: {  	s6 =	simm.s32 $0x27D8;
	[sflag:s31] =	ssyncadd.s32 $0xFFFFF9C0  }
0x44: {  	[spmem:s3] =	stream.indirect.scatter.add.f32 [tilespmem:s24], [sflag:$0xC], $0x28, s6, s14, $0xb8;
	[tilespmem:$0xD548] =	vst v63  }
0x45: {  	_ =	swait.ge [sflag:s1], $0x640  }
0x46: {  	[sflag:s1] =	ssyncset.done $0x0  }
0x47: {  	s7 =	simm.s32 $0xF0;
	[sflag:s1] =	ssyncadd.s32 $0xFFFFF9C0  }
0x48: {  	[tilespmem:s15], [sflag:$0x1] =	stream.indirect.gather [hbm4b:s2+s14], $0x28, s7, s14, $0xb8;
	[tilespmem:$0xD548] =	vst v63  }
0x49: {  	_ =	swait.ge [sflag:s0], $0x640  }
0x4a: {  	[sflag:s0] =	ssyncset.done $0x0  }
0x4b: {  	s6 =	simm.s32 $0x118;
	[sflag:s0] =	ssyncadd.s32 $0xFFFFF9C0  }
0x4c: {  	[tilespmem:s16], [sflag:$0x2] =	stream.indirect.gather [hbm4b:s2+s14], $0x28, s6, s14, $0xb8;
	[tilespmem:$0xD548] =	vst v63  }
0x4d: {  	_ =	swait.ge [sflag:s11], $0x640  }
0x4e: {  	[sflag:s11] =	ssyncset.done $0x0  }
0x4f: {  	s7 =	simm.s32 $0x140;
	[sflag:s11] =	ssyncadd.s32 $0xFFFFF9C0  }
0x50: {  	[tilespmem:s18], [sflag:$0x3] =	stream.indirect.gather [hbm4b:s2+s14], $0x28, s7, s14, $0xb8;
	[tilespmem:$0xD548] =	vst v63  }
0x51: {  	_ =	swait.ge [sflag:s17], $0x640  }
0x52: {  	[sflag:s17] =	ssyncset.done $0x0  }
0x53: {  	s6 =	simm.s32 $0x168;
	[sflag:s17] =	ssyncadd.s32 $0xFFFFF9C0  }
0x54: {  	[tilespmem:s20], [sflag:$0x4] =	stream.indirect.gather [hbm4b:s2+s14], $0x28, s6, s14, $0xb8;
	[tilespmem:$0xD548] =	vst v63  }
0x55: {  	_ =	swait.ge [sflag:s19], $0x640  }
0x56: {  	[sflag:s19] =	ssyncset.done $0x0  }
0x57: {  	s7 =	simm.s32 $0x190;
	[sflag:s19] =	ssyncadd.s32 $0xFFFFF9C0  }
0x58: {  	[tilespmem:s22], [sflag:$0x5] =	stream.indirect.gather [hbm4b:s2+s14], $0x28, s7, s14, $0xb8;
	[tilespmem:$0xD548] =	vst v63  }
0x59: {  	_ =	swait.ge [sflag:s21], $0x640  }
0x5a: {  	[sflag:s21] =	ssyncset.done $0x0  }
0x5b: {  	s5 =	simm.s32 $0x3C0;
	s6 =	simm.s32 $0x1B8;
	[sflag:s21] =	ssyncadd.s32 $0xFFFFF9C0  }
.LBB2_2:
0x5c: {  	[tilespmem:s24], [sflag:$0x6] =	stream.indirect.gather [hbm4b:s2+s14], $0x28, s6, s14, $0xb8;
	[tilespmem:$0xD548] =	vst v63  }
0x5d: {  	s6 =	smov.u32 s5;
	s5 =	sadd.s32 $0x3C0, s5;
	_ =	swait.ge [sflag:s25], $0x640  }
0x5e: {  	s6 =	sshra.s32 s6, $0x2;
	p0 =	sne.s32 s5, $0x9600;
	[sflag:s25] =	ssyncset.done $0x0  }
0x5f: {  	s7 =	sadd.s32 $0x2710, s6;
	[sflag:s25] =	ssyncadd.s32 $0xFFFFF9C0  }
0x60: {  	[spmem:s3] =	stream.indirect.scatter.add.f32 [tilespmem:s15], [sflag:$0x7], $0x28, s7, s14, $0xb8;
	[tilespmem:$0xD548] =	vst v63  }
0x61: {  	_ =	swait.ge [sflag:s26], $0x640  }
0x62: {  	[sflag:s26] =	ssyncset.done $0x0  }
0x63: {  	s7 =	sadd.s32 $0x2738, s6;
	[sflag:s26] =	ssyncadd.s32 $0xFFFFF9C0  }
0x64: {  	[spmem:s3] =	stream.indirect.scatter.add.f32 [tilespmem:s16], [sflag:$0x8], $0x28, s7, s14, $0xb8;
	[tilespmem:$0xD548] =	vst v63  }
0x65: {  	_ =	swait.ge [sflag:s28], $0x640  }
0x66: {  	[sflag:s28] =	ssyncset.done $0x0  }
0x67: {  	s7 =	sadd.s32 $0x2760, s6;
	[sflag:s28] =	ssyncadd.s32 $0xFFFFF9C0  }
0x68: {  	[spmem:s3] =	stream.indirect.scatter.add.f32 [tilespmem:s18], [sflag:$0x9], $0x28, s7, s14, $0xb8;
	[tilespmem:$0xD548] =	vst v63  }
0x69: {  	_ =	swait.ge [sflag:s29], $0x640  }
0x6a: {  	[sflag:s29] =	ssyncset.done $0x0  }
0x6b: {  	s7 =	sadd.s32 $0x2788, s6;
	[sflag:s29] =	ssyncadd.s32 $0xFFFFF9C0  }
0x6c: {  	[spmem:s3] =	stream.indirect.scatter.add.f32 [tilespmem:s20], [sflag:$0xA], $0x28, s7, s14, $0xb8;
	[tilespmem:$0xD548] =	vst v63  }
0x6d: {  	_ =	swait.ge [sflag:s30], $0x640  }
0x6e: {  	[sflag:s30] =	ssyncset.done $0x0  }
0x6f: {  	s7 =	sadd.s32 $0x27B0, s6;
	[sflag:s30] =	ssyncadd.s32 $0xFFFFF9C0  }
0x70: {  	[spmem:s3] =	stream.indirect.scatter.add.f32 [tilespmem:s22], [sflag:$0xB], $0x28, s7, s14, $0xb8;
	[tilespmem:$0xD548] =	vst v63  }
0x71: {  	_ =	swait.ge [sflag:s31], $0x640  }
0x72: {  	[sflag:s31] =	ssyncset.done $0x0  }
0x73: {  	s7 =	sadd.s32 $0x27D8, s6;
	[sflag:s31] =	ssyncadd.s32 $0xFFFFF9C0  }
0x74: {  	[spmem:s3] =	stream.indirect.scatter.add.f32 [tilespmem:s24], [sflag:$0xC], $0x28, s7, s14, $0xb8;
	[tilespmem:$0xD548] =	vst v63  }
0x75: {  	_ =	swait.ge [sflag:s1], $0x640  }
0x76: {  	[sflag:s1] =	ssyncset.done $0x0  }
0x77: {  	s7 =	sadd.s32 $0xF0, s6;
	[sflag:s1] =	ssyncadd.s32 $0xFFFFF9C0  }
0x78: {  	[tilespmem:s15], [sflag:$0x1] =	stream.indirect.gather [hbm4b:s2+s14], $0x28, s7, s14, $0xb8;
	[tilespmem:$0xD548] =	vst v63  }
0x79: {  	_ =	swait.ge [sflag:s0], $0x640  }
0x7a: {  	[sflag:s0] =	ssyncset.done $0x0  }
0x7b: {  	s7 =	sadd.s32 $0x118, s6;
	[sflag:s0] =	ssyncadd.s32 $0xFFFFF9C0  }
0x7c: {  	[tilespmem:s16], [sflag:$0x2] =	stream.indirect.gather [hbm4b:s2+s14], $0x28, s7, s14, $0xb8;
	[tilespmem:$0xD548] =	vst v63  }
0x7d: {  	_ =	swait.ge [sflag:s11], $0x640  }
0x7e: {  	[sflag:s11] =	ssyncset.done $0x0  }
0x7f: {  	s7 =	sadd.s32 $0x140, s6;
	[sflag:s11] =	ssyncadd.s32 $0xFFFFF9C0  }
0x80: {  	[tilespmem:s18], [sflag:$0x3] =	stream.indirect.gather [hbm4b:s2+s14], $0x28, s7, s14, $0xb8;
	[tilespmem:$0xD548] =	vst v63  }
0x81: {  	_ =	swait.ge [sflag:s17], $0x640  }
0x82: {  	[sflag:s17] =	ssyncset.done $0x0  }
0x83: {  	s7 =	sadd.s32 $0x168, s6;
	[sflag:s17] =	ssyncadd.s32 $0xFFFFF9C0  }
0x84: {  	[tilespmem:s20], [sflag:$0x4] =	stream.indirect.gather [hbm4b:s2+s14], $0x28, s7, s14, $0xb8;
	[tilespmem:$0xD548] =	vst v63  }
0x85: {  	_ =	swait.ge [sflag:s19], $0x640  }
0x86: {  	[sflag:s19] =	ssyncset.done $0x0  }
.Ltmp0:
0x87: {  	s7 =	sadd.s32 $0x190, s6;
	[sflag:s19] =	ssyncadd.s32 $0xFFFFF9C0;
	(pc) =	sbr.rel @p0 .LBB2_2-.Ltmp0, $4  }
0x88: {  	[tilespmem:s22], [sflag:$0x5] =	stream.indirect.gather [hbm4b:s2+s14], $0x28, s7, s14, $0xb8;
	[tilespmem:$0xD548] =	vst v63  }
0x89: {  	_ =	swait.ge [sflag:s21], $0x640  }
0x8a: {  	[sflag:s21] =	ssyncset.done $0x0  }
0x8b: {  	s6 =	sadd.s32 $0x1B8, s6;
	[sflag:s21] =	ssyncadd.s32 $0xFFFFF9C0  }
0x8c: {  	[tilespmem:s24], [sflag:$0x6] =	stream.indirect.gather [hbm4b:s2+s14], $0x28, s6, s14, $0xb8;
	[tilespmem:$0xD548] =	vst v63  }
0x8d: {  	_ =	swait.ge [sflag:s25], $0x640  }
0x8e: {  	s5 =	sshra.s32 s5, $0x2;
	[sflag:s25] =	ssyncset.done $0x0  }
0x8f: {  	s7 =	sadd.s32 $0x2710, s5;
	[sflag:s25] =	ssyncadd.s32 $0xFFFFF9C0  }
0x90: {  	[spmem:s3] =	stream.indirect.scatter.add.f32 [tilespmem:s15], [sflag:$0x7], $0x28, s7, s14, $0xb8;
	[tilespmem:$0xD548] =	vst v63  }
0x91: {  	_ =	swait.ge [sflag:s26], $0x640  }
0x92: {  	[sflag:s26] =	ssyncset.done $0x0  }
0x93: {  	s7 =	sadd.s32 $0x2738, s5;
	[sflag:s26] =	ssyncadd.s32 $0xFFFFF9C0  }
0x94: {  	[spmem:s3] =	stream.indirect.scatter.add.f32 [tilespmem:s16], [sflag:$0x8], $0x28, s7, s14, $0xb8;
	[tilespmem:$0xD548] =	vst v63  }
0x95: {  	_ =	swait.ge [sflag:s28], $0x640  }
0x96: {  	[sflag:s28] =	ssyncset.done $0x0  }
0x97: {  	s7 =	sadd.s32 $0x2760, s5;
	[sflag:s28] =	ssyncadd.s32 $0xFFFFF9C0  }
0x98: {  	[spmem:s3] =	stream.indirect.scatter.add.f32 [tilespmem:s18], [sflag:$0x9], $0x28, s7, s14, $0xb8;
	[tilespmem:$0xD548] =	vst v63  }
0x99: {  	_ =	swait.ge [sflag:s29], $0x640  }
0x9a: {  	[sflag:s29] =	ssyncset.done $0x0  }
0x9b: {  	s7 =	sadd.s32 $0x2788, s5;
	[sflag:s29] =	ssyncadd.s32 $0xFFFFF9C0  }
0x9c: {  	[spmem:s3] =	stream.indirect.scatter.add.f32 [tilespmem:s20], [sflag:$0xA], $0x28, s7, s14, $0xb8;
	[tilespmem:$0xD548] =	vst v63  }
0x9d: {  	_ =	swait.ge [sflag:s30], $0x640  }
0x9e: {  	[sflag:s30] =	ssyncset.done $0x0  }
0x9f: {  	s7 =	sadd.s32 $0x27B0, s5;
	[sflag:s30] =	ssyncadd.s32 $0xFFFFF9C0  }
0xa0: {  	[spmem:s3] =	stream.indirect.scatter.add.f32 [tilespmem:s22], [sflag:$0xB], $0x28, s7, s14, $0xb8;
	[tilespmem:$0xD548] =	vst v63  }
0xa1: {  	_ =	swait.ge [sflag:s31], $0x640  }
0xa2: {  	[sflag:s31] =	ssyncset.done $0x0  }
0xa3: {  	s7 =	sadd.s32 $0x27D8, s5;
	[sflag:s31] =	ssyncadd.s32 $0xFFFFF9C0  }
0xa4: {  	[spmem:s3] =	stream.indirect.scatter.add.f32 [tilespmem:s24], [sflag:$0xC], $0x28, s7, s14, $0xb8;
	[tilespmem:$0xD548] =	vst v63  }
0xa5: {  	_ =	swait.ge [sflag:s1], $0x640  }
0xa6: {  	[sflag:s1] =	ssyncset.done $0x0  }
0xa7: {  	s7 =	sadd.s32 $0xF0, s5;
	[sflag:s1] =	ssyncadd.s32 $0xFFFFF9C0  }
0xa8: {  	[tilespmem:s15], [sflag:$0x1] =	stream.indirect.gather [hbm4b:s2+s14], $0x28, s7, s14, $0xb8;
	[tilespmem:$0xD548] =	vst v63  }
0xa9: {  	_ =	swait.ge [sflag:s0], $0x640  }
0xaa: {  	[sflag:s0] =	ssyncset.done $0x0  }
0xab: {  	s7 =	sadd.s32 $0x118, s5;
	[sflag:s0] =	ssyncadd.s32 $0xFFFFF9C0  }
0xac: {  	[tilespmem:s16], [sflag:$0x2] =	stream.indirect.gather [hbm4b:s2+s14], $0x28, s7, s14, $0xb8;
	[tilespmem:$0xD548] =	vst v63  }
0xad: {  	_ =	swait.ge [sflag:s11], $0x640  }
0xae: {  	[sflag:s11] =	ssyncset.done $0x0  }
0xaf: {  	s7 =	sadd.s32 $0x140, s5;
	[sflag:s11] =	ssyncadd.s32 $0xFFFFF9C0  }
0xb0: {  	[tilespmem:s18], [sflag:$0x3] =	stream.indirect.gather [hbm4b:s2+s14], $0x28, s7, s14, $0xb8;
	[tilespmem:$0xD548] =	vst v63  }
0xb1: {  	_ =	swait.ge [sflag:s17], $0x640  }
0xb2: {  	[sflag:s17] =	ssyncset.done $0x0  }
0xb3: {  	s5 =	sadd.s32 $0x168, s5;
	[sflag:s17] =	ssyncadd.s32 $0xFFFFF9C0  }
0xb4: {  	[tilespmem:s20], [sflag:$0x4] =	stream.indirect.gather [hbm4b:s2+s14], $0x28, s5, s14, $0xb8;
	[tilespmem:$0xD548] =	vst v63  }
0xb5: {  	_ =	swait.ge [sflag:s25], $0x640  }
0xb6: {  	[sflag:s25] =	ssyncset.done $0x0  }
0xb7: {  	s6 =	simm.s32 $0x4D80;
	[sflag:s25] =	ssyncadd.s32 $0xFFFFF9C0  }
0xb8: {  	[spmem:s3] =	stream.indirect.scatter.add.f32 [tilespmem:s15], [sflag:$0x7], $0x28, s6, s14, $0xb8;
	[tilespmem:$0xD548] =	vst v63  }
0xb9: {  	_ =	swait.ge [sflag:s26], $0x640  }
0xba: {  	[sflag:s26] =	ssyncset.done $0x0  }
0xbb: {  	s7 =	simm.s32 $0x4DA8;
	[sflag:s26] =	ssyncadd.s32 $0xFFFFF9C0  }
0xbc: {  	[spmem:s3] =	stream.indirect.scatter.add.f32 [tilespmem:s16], [sflag:$0x8], $0x28, s7, s14, $0xb8;
	[tilespmem:$0xD548] =	vst v63  }
0xbd: {  	_ =	swait.ge [sflag:s28], $0x640  }
0xbe: {  	[sflag:s28] =	ssyncset.done $0x0  }
0xbf: {  	s6 =	simm.s32 $0x4DD0;
	[sflag:s28] =	ssyncadd.s32 $0xFFFFF9C0  }
0xc0: {  	[spmem:s3] =	stream.indirect.scatter.add.f32 [tilespmem:s18], [sflag:$0x9], $0x28, s6, s14, $0xb8;
	[tilespmem:$0xD548] =	vst v63  }
0xc1: {  	_ =	swait.ge [sflag:s29], $0x640  }
0xc2: {  	[sflag:s29] =	ssyncset.done $0x0  }
0xc3: {  	s7 =	simm.s32 $0x4DF8;
	[sflag:s29] =	ssyncadd.s32 $0xFFFFF9C0  }
0xc4: {  	[spmem:s3] =	stream.indirect.scatter.add.f32 [tilespmem:s20], [sflag:$0xA], $0x28, s7, s14, $0xb8;
	[tilespmem:$0xD548] =	vst v63  }
0xc5: {  	_ =	swait.ge [sflag:s1], $0x640  }
0xc6: {  	[sflag:s1] =	ssyncset.done $0x0  }
0xc7: {  	[sflag:s1] =	ssyncadd.s32 $0xFFFFF9C0  }
0xc8: {  	_ =	swait.ge [sflag:s0], $0x640  }
0xc9: {  	[sflag:s0] =	ssyncset.done $0x0  }
0xca: {  	[sflag:s0] =	ssyncadd.s32 $0xFFFFF9C0  }
0xcb: {  	_ =	swait.ge [sflag:s11], $0x640  }
0xcc: {  	[sflag:s11] =	ssyncset.done $0x0  }
0xcd: {  	[sflag:s11] =	ssyncadd.s32 $0xFFFFF9C0  }
0xce: {  	_ =	swait.ge [sflag:s17], $0x640  }
0xcf: {  	[sflag:s17] =	ssyncset.done $0x0  }
0xd0: {  	[sflag:s17] =	ssyncadd.s32 $0xFFFFF9C0  }
0xd1: {  	_ =	swait.ge [sflag:s19], $0x640  }
0xd2: {  	[sflag:s19] =	ssyncset.done $0x0  }
0xd3: {  	[sflag:s19] =	ssyncadd.s32 $0xFFFFF9C0  }
0xd4: {  	_ =	swait.ge [sflag:s21], $0x640  }
0xd5: {  	s23 =	sadd.s32 $0x1, s23;
	[sflag:s21] =	ssyncset.done $0x0  }
0xd6: {  	p0 =	sne.s32 s23, s9;
	[sflag:s21] =	ssyncadd.s32 $0xFFFFF9C0  }
.Ltmp1:
0xd7: {  	[bflag:$0x0] =	sbarrier.arrive $0xFFFF;
	(pc) =	sbr.rel @p0 .LBB2_1-.Ltmp1, $4  }
0xd8: {  	[hbm:s8], [sflag:s12] =	dma.local [spmem:s13], $0xC35  }
0xd9: {  	_ =	swait.ge [sflag:s10], $0xC35  }
0xda: {  	[sflag:s10] =	ssyncset.done $0x0  }
0xdb: {  	[sflag:s10] =	ssyncadd.s32 $0xFFFFF3CB  }
0xdc: {  	_ =	sfence.sel $0x180000  }
0xdd: {  	[bflag:$0x0] =	sbarrier.arrive $0xFFFF  }
0xde: {  	_ =	strace $0x9000004D  }
0xdf: {  	s0 =	stileid.u32;
	[bflag:$0x2] =	sbarrier.arrive $0xFFFF  }
0xe0: {  	p0 =	sne.s32 s0, $0x0;
	s0 =	rddreg [dreg:$0x3]  }
0xe1: {  	s0 =	sadd.s32 @!p0 $0x100000, s0  }
0xe2: {  	[sflag:s0] =	ssyncadd.tile.s32 @!p0 $0x1;
	_ =	shalt  }
.Lfunc_end2:
_tile_overlayer_lowered:
.L_overlay_start_2:
0xe3: {  	(tag) =	ssettag $0x2  }
0xe4: {  	s0 =	rddreg [dreg:$0x0];
	s2 =	stileid.u32  }
0xe5: {  	s1 =	rddreg [dreg:$0x1];
	p0 =	sne.s32 s2, $0x0  }
0xe6: {  	s3 =	rddreg [dreg:$0x2];
	[bflag:$0x3] =	sbarrier.arrive $0xFFFF;
	s2 =	simm.s32 @!p0 $0x1C0D  }
0xe7: {  	[timem:s3], [sflag:s2] =	dma.local @!p0 [hbm:s0], s1  }
0xe8: {  	s0 =	simm.s32 @!p0 $0xD  }
0xe9: {  	_ =	swait.ge @!p0 [sflag:s0], s1  }
0xea: {  	s1 =	ssub.s32 @!p0 $0x0, s1;
	[sflag:s0] =	ssyncset.done @!p0 $0x0  }
0xeb: {  	[sflag:s0] =	ssyncadd.s32 @!p0 s1  }
0xec: {  	[bflag:$0x3] =	sbarrier.arrive $0xFFFF  }
0xed: {  	_ =	shalt  }

// kernel: kernel.8.cloned.1.call-start
scs
__scs_entry_jumppad:
0x0: {  	(pc) =	sbr.rel $0x88, $3  }
0x1: {  	(tag) =	ssettag $0x0;
	lr =	simm.s32 $0x1  }
0x2: {  	[smem:$0x3F9B] =	sst lr;
	_ =	strace $0xD0000000  }
0x3: {  	_ = 	snop  }
0x4: {  	_ = 	snop  }
0x5: {  	_ = 	snop  }
0x6: {  	_ = 	snop  }
0x7: {  	_ = 	snop  }
__scs_overlays_trampoline_lowered:
0x8: {  	[smem:$0x3FAA] =	sst s0  }
0x9: {  	[smem:$0x3FAB] =	sst s1  }
0xa: {  	[smem:$0x3FAC] =	sst s2  }
0xb: {  	[smem:$0x3FAD] =	sst s3  }
0xc: {  	[smem:$0x3FAE] =	sst s4  }
0xd: {  	[smem:$0x3FAF] =	sst s5  }
0xe: {  	[smem:$0x3FB0] =	sst s6  }
0xf: {  	[smem:$0x3FB1] =	sst s7  }
0x10: {  	[smem:$0x3FB2] =	sst s8  }
0x11: {  	[smem:$0x3FB3] =	sst s9;
	s0 =	simm.s32 @!p0 $0x0  }
0x12: {  	s1 =	sld [smem:$0x3F99];
	s0 =	simm.s32 @p0 $0x1  }
0x13: {  	[smem:$0x3FB4] =	sst s0;
	s0 =	simm.s32 @!p1 $0x0  }
0x14: {  	s2 =	sld [smem:$0x3F98];
	s0 =	simm.s32 @p1 $0x1  }
0x15: {  	[smem:$0x3FB5] =	sst s0;
	s0 =	simm.s32 @!p2 $0x0  }
0x16: {  	s3 =	sld [smem:$0x3FDB];
	s0 =	simm.s32 @p2 $0x1  }
0x17: {  	s4 =	simm.s32 $0x1BF5;
	[smem:$0x3FB7] =	sst s0  }
0x18: {  	s0 =	sld [smem:$0x3F9A];
	_ =	swait.ge [sflag:s4], $0x0  }
0x19: {  	s7 =	sld [smem:$0x3F9B]  }
0x1a: {  	s8 =	sadd.s32 $0xFFFFE003, lr  }
0x1b: {  	s9 =	sadd.s32 $0xFFFFFEF7, lr;
	s5 =	simm.s32 $0xFFFFFFFF;
	p2 =	slt.u32 s8, $0xFFFFF086  }
0x1c: {  	p1 =	slt.u32 s9, $0xF7A;
	s5 =	simm.s32 @!p2 $0x0  }
0x1d: {  	s5 =	simm.s32 @p1 $0x1;
	p0 =	seq.s32 s7, s2  }
0x1e: {  	s7 =	smul.u32 @!p0 $0xF7A, s2;
	p2 =	seq.s32 @!p0 s5, $0x0  }
0x1f: {  	s9 =	smul.u32 $0xF7A, s1;
	s8 =	simm.s32 @!p0 $0x1BF5;
	p2 =	por !p2, p0  }
0x20: {  	[sflag:s8] =	ssyncset.s32 @!p0 $0xFFFFF086;
	s6 =	sadd.s32 @!p0 s3, s7;
	s7 =	simm.s32 @!p0 $0x108  }
0x21: {  	s3 =	sadd.s32 s3, s9;
	s6 =	sadd.s32 @!p0 $0x88, s6;
	s7 =	simm.s32 @p2 $0x1082  }
0x22: {  	[simem:s7], [sflag:s8] =	dma.local @!p0 [hbm:s6], $0xF7A  }
0x23: {  	s9 =	sor.u32 $0xD0000000, s2;
	s6 =	simm.s32 $0x108;
	_ =	swait.ge @!p0 [sflag:s8], $0x0  }
0x24: {  	s3 =	sadd.s32 $0x88, s3;
	s6 =	simm.s32 @!p1 $0x1082;
	[sflag:s4] =	ssyncset.s32 $0xFFFFF086  }
0x25: {  	[simem:s6], [sflag:s4] =	dma.local [hbm:s3], $0xF7A  }
0x26: {  	[smem:$0x3F9B] =	sst s1;
	(tag) =	ssettag s2;
	_ =	strace s9  }
0x27: {  	s1 =	sld [smem:$0x3FAB]  }
0x28: {  	s2 =	sld [smem:$0x3FAC]  }
0x29: {  	s4 =	sld [smem:$0x3FAE]  }
0x2a: {  	p0 =	seq.s32 s5, $0x0;
	s5 =	sld [smem:$0x3FAF]  }
0x2b: {  	s6 =	sld [smem:$0x3FB0]  }
0x2c: {  	s7 =	sld [smem:$0x3FB1]  }
0x2d: {  	s3 =	simm.s32 $0x108;
	s8 =	sld [smem:$0x3FB2]  }
0x2e: {  	s3 =	simm.s32 @!p0 $0x1082;
	s9 =	sld [smem:$0x3FB3]  }
0x2f: {  	lr =	sadd.s32 s0, s3;
	s0 =	sld [smem:$0x3FAA]  }
0x30: {  	s3 =	sld [smem:$0x3FAD]  }
0x31: {  	[smem:$0x3FB6] =	sst s10  }
0x32: {  	s10 =	sld [smem:$0x3FB4];
	_ =	sdelay $0x3  }
0x33: {  	p0 =	seq.s32 s10, $0x1;
	s10 =	sld [smem:$0x3FB6];
	_ =	sdelay $0x3  }
0x34: {  	[smem:$0x3FB6] =	sst s10  }
0x35: {  	s10 =	sld [smem:$0x3FB5];
	_ =	sdelay $0x3  }
0x36: {  	p1 =	seq.s32 s10, $0x1;
	s10 =	sld [smem:$0x3FB6];
	_ =	sdelay $0x3  }
0x37: {  	[smem:$0x3FB6] =	sst s10  }
0x38: {  	s10 =	sld [smem:$0x3FB7]  }
0x39: {  	_ = 	snop;
	(pc) =	sbr.ind lr, $3  }
0x3a: {  	_ = 	snop  }
0x3b: {  	_ = 	snop  }
0x3c: {  	p2 =	seq.s32 s10, $0x1;
	s10 =	sld [smem:$0x3FB6]  }
0x3d: {  	_ =	shalt  }
0x3e: {  	_ =	shalt  }
0x3f: {  	_ =	shalt  }
0x40: {  	_ =	shalt  }
0x41: {  	_ =	shalt  }
0x42: {  	_ =	shalt  }
0x43: {  	_ =	shalt  }
0x44: {  	_ =	shalt  }
0x45: {  	_ =	shalt  }
0x46: {  	_ =	shalt  }
0x47: {  	_ =	shalt  }
0x48: {  	_ =	shalt  }
0x49: {  	_ =	shalt  }
0x4a: {  	_ =	shalt  }
0x4b: {  	_ =	shalt  }
0x4c: {  	_ =	shalt  }
0x4d: {  	_ =	shalt  }
0x4e: {  	_ =	shalt  }
0x4f: {  	_ =	shalt  }
0x50: {  	_ =	shalt  }
0x51: {  	_ =	shalt  }
0x52: {  	_ =	shalt  }
0x53: {  	_ =	shalt  }
0x54: {  	_ =	shalt  }
0x55: {  	_ =	shalt  }
0x56: {  	_ =	shalt  }
0x57: {  	_ =	shalt  }
0x58: {  	_ =	shalt  }
0x59: {  	_ =	shalt  }
0x5a: {  	_ =	shalt  }
0x5b: {  	_ =	shalt  }
0x5c: {  	_ =	shalt  }
0x5d: {  	_ =	shalt  }
0x5e: {  	_ =	shalt  }
0x5f: {  	_ =	shalt  }
0x60: {  	_ =	shalt  }
0x61: {  	_ =	shalt  }
0x62: {  	_ =	shalt  }
0x63: {  	_ =	shalt  }
0x64: {  	_ =	shalt  }
0x65: {  	_ =	shalt  }
0x66: {  	_ =	shalt  }
0x67: {  	_ =	shalt  }
0x68: {  	_ =	shalt  }
0x69: {  	_ =	shalt  }
0x6a: {  	_ =	shalt  }
0x6b: {  	_ =	shalt  }
0x6c: {  	_ =	shalt  }
0x6d: {  	_ =	shalt  }
0x6e: {  	_ =	shalt  }
0x6f: {  	_ =	shalt  }
0x70: {  	_ =	shalt  }
0x71: {  	_ =	shalt  }
0x72: {  	_ =	shalt  }
0x73: {  	_ =	shalt  }
0x74: {  	_ =	shalt  }
0x75: {  	_ =	shalt  }
0x76: {  	_ =	shalt  }
0x77: {  	_ =	shalt  }
0x78: {  	_ =	shalt  }
0x79: {  	_ =	shalt  }
0x7a: {  	_ =	shalt  }
0x7b: {  	_ =	shalt  }
0x7c: {  	_ =	shalt  }
0x7d: {  	_ =	shalt  }
0x7e: {  	_ =	shalt  }
0x7f: {  	_ =	shalt  }
0x80: {  	_ =	shalt  }
0x81: {  	_ =	shalt  }
0x82: {  	_ =	shalt  }
0x83: {  	_ =	shalt  }
0x84: {  	_ =	shalt  }
0x85: {  	_ =	shalt  }
0x86: {  	_ =	shalt  }
0x87: {  	_ =	shalt  }
.Lfunc_end0:
.L_simem_size_0:
called_computation_lowered:
.L_overlay_start_0:
0x88: {  	s2 =	sld [smem:$0x3FD9]  }
0x89: {  	s3 =	sld [smem:$0x3FFE];
	_ =	sdelay $0x1  }
0x8a: {  	s1 =	srdreg.scid  }
0x8b: {  	s0 =	sand.u32 $0x1, s1  }
0x8c: {  	s17 =	sshll.u32 s0, $0xA;
	s2 =	sadd.s32 s3, s2  }
0x8d: {  	s2 =	sadd.s32 s2, s17  }
0x8e: {  	[smem:$0x3FC2] =	sst s2  }
0x8f: {  	_ = 	snop  }
0x90: {  	s2 =	sld [smem:$0x3FD0];
	(tm) =	ssettm $0x1  }
0x91: {  	s18 =	sld [smem:$0x3FFB];
	_ =	sdelay $0x3  }
0x92: {  	_ =	strace s18  }
0x93: {  	s3 =	sld [smem:$0x3FFC];
	_ =	sdelay $0x3  }
0x94: {  	_ =	strace s3  }
0x95: {  	s3 =	sld [smem:$0x3FFD];
	_ =	sdelay $0x3  }
0x96: {  	_ =	strace s3  }
0x97: {  	_ =	strace $0x8FFFFFFF  }
0x98: {  	s19 =	sld [smem:$0x3FDB];
	_ =	sdelay $0x1  }
0x99: {  	s4 =	simm.s32 $_scs_section_size  }
0x9a: {  	s5 =	simm.s32 $_size__tile_overlayer_lowered;
	s6 =	simm.s32 $_tile_overlayer_lowered  }
0x9b: {  	s22 =	simm.s32 $0x1BFF;
	s21 =	sshll.u32 s6, $0x1;
	s3 =	sadd.s32 s4, s19  }
0x9c: {  	s7 =	simm.s32 $0x0;
	s20 =	sshll.u32 s5, $0x1;
	s5 =	sadd.s32 s21, s3  }
0x9d: {  	[timem:s7], [sflag:s22] =	dma.local [hbm:s5], s20  }
0x9e: {  	_ =	swait.ge [sflag:s22], s20  }
0x9f: {  	s4 =	ssub.s32 $0x0, s20;
	[sflag:s22] =	ssyncset.done $0x0  }
0xa0: {  	[sflag:s22] =	ssyncadd.s32 s4;
	_ =	sdelay $0x1  }
0xa1: {  	s23 =	simm.s32 $0x1B8B  }
0xa2: {  	_ =	swait.ge [sflag:s23], $0x1  }
0xa3: {  	[sflag:s23] =	ssyncset.done $0x0  }
0xa4: {  	s25 =	simm.s32 $0x1B8E;
	s24 =	sld [smem:$0x3FFE];
	[sflag:s23] =	ssyncadd.s32 $0xFFFFFFFF  }
0xa5: {  	s26 =	simm.s32 $execute0_lowered;
	[smem:$0x3FD2] =	sst s25  }
0xa6: {  	s5 =	sshll.u32 s26, $0x1;
	_ =	strace $0x80000046;
	[dreg:$0x1] =	wrdreg $0xFFFFFFFF  }
0xa7: {  	s28 =	simm.s32 $_size_execute0_lowered;
	s3 =	sadd.s32 s3, s5;
	[dreg:$0x0] =	wrdreg $0x0  }
0xa8: {  	s5 =	sshll.u32 s28, $0x1;
	[dreg:$0x2] =	wrdreg s3  }
0xa9: {  	[dreg:$0x3] =	wrdreg s5  }
0xaa: {  	[dreg:$0x4] =	wrdreg $0xC0  }
0xab: {  	_ =	task [dreg:s7], $0x5FFFF  }
0xac: {  	[dreg:$0x1] =	wrdreg $0xFFFFFFFF  }
0xad: {  	[dreg:$0x0] =	wrdreg $0x60  }
0xae: {  	[dreg:$0x2] =	wrdreg s24  }
0xaf: {  	[dreg:$0x3] =	wrdreg s2  }
0xb0: {  	[dreg:$0x4] =	wrdreg $0x4F600  }
0xb1: {  	[dreg:$0x5] =	wrdreg $0x62E80  }
0xb2: {  	[dreg:$0x6] =	wrdreg $0x9  }
0xb3: {  	_ =	task.clear_ibuf [dreg:s7], $0x7FFFF;
	_ =	strace $0x90000046  }
0xb4: {  	s29 =	simm.s32 $0x9;
	_ =	strace $0x80000048  }
0xb5: {  	_ =	swait.ge [sflag:s29], $0x1  }
0xb6: {  	[sflag:s29] =	ssyncadd.s32 $0xFFFFFFFF  }
0xb7: {  	_ =	strace $0x90000048  }
0xb8: {  	_ =	sfence  }
0xb9: {  	s30 =	sld [smem:$0x0];
	_ =	sdelay $0x2  }
0xba: {  	s31 =	sshll.u32 s1, $0xD;
	s1 =	sshrl.u32 s1, $0x2  }
0xbb: {  	s3 =	sand.u32 $0x4000, s31;
	s1 =	sadd.s32 s1, s30  }
0xbc: {  	s0 =	sor.u32 s3, s0;
	s1 =	sshll.u32 s1, $0x11  }
0xbd: {  	s0 =	sor.u32 s1, s0  }
0xbe: {  	s0 =	sadd.s32 $0x8F2B, s0  }
0xbf: {  	[sflag:s0] =	ssyncadd.remote.s32 $0x1  }
0xc0: {  	_ =	sfence.sel $0xFFFF  }
0xc1: {  	[dreg:$0x0] =	wrdreg $0xFFFFFFFF;
	(pc) =	sbr.abs _section_cstart, $3  }
0xc2: {  	[dreg:$0x1] =	wrdreg $0xFFFFFFFF  }
0xc3: {  	_ =	task.clear_ibuf [dreg:s7], $0x2FFFF;
	_ =	strace $0x9FFFFFFF  }
0xc4: {  	(tm) =	ssettm $0x7FFFFFFF  }
0xc5: {  	_ =	shalt  }
tec
execute0_lowered:
.L_overlay_start_1:
0x0: {  	(tag) =	ssettag $0x1  }
0x1: {  	s6 =	rddreg [dreg:$0x0]  }
0x2: {  	s9 =	rddreg [dreg:$0x1]  }
0x3: {  	s0 =	srdreg.scid;
	s2 =	rddreg [dreg:$0x2]  }
0x4: {  	s3 =	rddreg [dreg:$0x3];
	s1 =	stileid.u32  }
0x5: {  	s4 =	simm.s32 $0x0;
	s14 =	simm.s32 $0x4E20;
	s18 =	simm.s32 $0x28  }
0x6: {  	s19 =	simm.s32 $0x2738;
	s20 =	simm.s32 $0x50;
	s21 =	simm.s32 $0x2760  }
0x7: {  	s22 =	simm.s32 $0x78;
	s23 =	simm.s32 $0x2788;
	s24 =	simm.s32 $0x1  }
0x8: {  	s25 =	simm.s32 $0x2;
	s5 =	sand.u32 $0x1, s0;
	s0 =	rddreg [dreg:$0x4]  }
0x9: {  	s26 =	simm.s32 $0x0;
	[smem:$0x7FF] =	sst s4;
	s10 =	smul.u32 $0x1388, s1  }
0xa: {  	s15 =	sshll.u32 s1, $0x6;
	s7 =	sshll.u32 s5, $0x4;
	_ =	strace $0x80000047  }
0xb: {  	s8 =	ssub.s32 $0x2, s5;
	s11 =	smul.u32 $0x27100, s5;
	s5 =	sadd.s32 $0x16000, s6  }
0xc: {  	s15 =	sor.u32 $0x1C03, s15;
	s7 =	sor.u32 s1, s7;
	s31 =	sshrl.u32 s8, $0x1  }
0xd: {  	s16 =	sadd.s32 s10, s2;
	s17 =	sadd.s32 s10, s3;
	s7 =	smul.u32 $0x2710, s7  }
0xe: {  	s13 =	ssub.s32 s8, s31;
	s11 =	sadd.s32 s10, s11;
	s16 =	sshrl.u32 s16, $0x3  }
0xf: {  	s17 =	sshrl.u32 s17, $0x3;
	s11 =	sshrl.u32 s11, $0x3;
	s7 =	sshrl.u32 s7, $0x3  }
0x10: {  	s9 =	sadd.s32 s9, s11;
	s11 =	smax.u32 s13, $0x1;
	s13 =	simm.s32 $0x2710  }
0x11: {  	s12 =	sadd.s32 s7, s6;
	s6 =	sadd.s32 $0x15C00, s6;
	s10 =	sadd.s32 $0x2710, s9  }
0x12: {  	s7 =	sadd.s32 $0x2200, s12;
	s8 =	sadd.s32 $0xBE40, s12;
	s12 =	simm.s32 $0x3  }
.LBB2_1:
0x13: {  	[tilespmem:s4], [sflag:$0x3] =	stream.linear.gather [hbm4b:s7+s4], $0x2710, $0x38;
	[tilespmem:$0x7670] =	vst v63  }
0x14: {  	_ =	swait.ge [sflag:s12], $0x2710  }
0x15: {  	[sflag:s12] =	ssyncset.done $0x0  }
0x16: {  	[sflag:s12] =	ssyncadd.s32 $0xFFFFD8F0  }
0x17: {  	[tilespmem:s13], [sflag:$0x3] =	stream.linear.gather [hbm4b:s8+s4], $0x2710, $0x38;
	[tilespmem:$0x7670] =	vst v63  }
0x18: {  	_ =	swait.ge [sflag:s12], $0x2710  }
0x19: {  	[sflag:s12] =	ssyncset.done $0x0  }
0x1a: {  	[sflag:s12] =	ssyncadd.s32 $0xFFFFD8F0  }
0x1b: {  	[tilespmem:s14], [sflag:$0x3] =	stream.linear.gather [hbm4b:s5+s4], $0x140, $0x38;
	[tilespmem:$0x7670] =	vst v63  }
0x1c: {  	_ =	swait.ge [sflag:s12], $0x140  }
0x1d: {  	[sflag:s12] =	ssyncset.done $0x0  }
0x1e: {  	[sflag:s12] =	ssyncadd.s32 $0xFFFFFEC0  }
0x1f: {  	[spmem:s16], [sflag:s15] =	dma.local [hbm:s6], $0x271  }
0x20: {  	_ =	swait.ge [sflag:s12], $0x271  }
0x21: {  	[sflag:s12] =	ssyncset.done $0x0  }
0x22: {  	[sflag:s12] =	ssyncadd.s32 $0xFFFFFD8F  }
0x23: {  	[spmem:s17], [sflag:s15] =	dma.local [hbm:s6], $0x271  }
0x24: {  	_ =	swait.ge [sflag:s12], $0x271  }
0x25: {  	[sflag:s12] =	ssyncset.done $0x0  }
0x26: {  	[sflag:s12] =	ssyncadd.s32 $0xFFFFFD8F  }
0x27: {  	[bflag:$0x0] =	sbarrier.arrive $0xFFFF  }
0x28: {  	[spmem:s2] =	stream.indirect.scatter.add.f32 [tilespmem:s14], [sflag:$0x1], $0x8, s4, s18, $0xb8;
	[tilespmem:$0x7670] =	vst v63  }
0x29: {  	_ = 	snop  }
0x2a: {  	[spmem:s3] =	stream.indirect.scatter.add.f32 [tilespmem:s14], [sflag:$0x2], $0x8, s13, s18, $0xb8;
	[tilespmem:$0x7670] =	vst v63  }
0x2b: {  	_ = 	snop  }
0x2c: {  	[spmem:s2] =	stream.indirect.scatter.add.f32 [tilespmem:s14], [sflag:$0x1], $0x8, s18, s18, $0xb8;
	[tilespmem:$0x7670] =	vst v63  }
0x2d: {  	_ = 	snop  }
0x2e: {  	[spmem:s3] =	stream.indirect.scatter.add.f32 [tilespmem:s14], [sflag:$0x2], $0x8, s19, s18, $0xb8;
	[tilespmem:$0x7670] =	vst v63  }
0x2f: {  	_ = 	snop  }
0x30: {  	[spmem:s2] =	stream.indirect.scatter.add.f32 [tilespmem:s14], [sflag:$0x1], $0x8, s20, s18, $0xb8;
	[tilespmem:$0x7670] =	vst v63  }
0x31: {  	_ = 	snop  }
0x32: {  	[spmem:s3] =	stream.indirect.scatter.add.f32 [tilespmem:s14], [sflag:$0x2], $0x8, s21, s18, $0xb8;
	[tilespmem:$0x7670] =	vst v63  }
0x33: {  	_ = 	snop  }
0x34: {  	[spmem:s2] =	stream.indirect.scatter.add.f32 [tilespmem:s14], [sflag:$0x1], $0x8, s22, s18, $0xb8;
	[tilespmem:$0x7670] =	vst v63  }
0x35: {  	_ = 	snop  }
0x36: {  	[spmem:s3] =	stream.indirect.scatter.add.f32 [tilespmem:s14], [sflag:$0x2], $0x8, s23, s18, $0xb8;
	[tilespmem:$0x7670] =	vst v63  }
0x37: {  	_ =	swait.ge [sflag:s24], $0x140  }
0x38: {  	[sflag:s24] =	ssyncset.done $0x0  }
0x39: {  	[sflag:s24] =	ssyncadd.s32 $0xFFFFFEC0  }
0x3a: {  	_ =	swait.ge [sflag:s25], $0x140  }
0x3b: {  	[sflag:s25] =	ssyncset.done $0x0  }
0x3c: {  	s28 =	simm.s32 $0xA0;
	[sflag:s25] =	ssyncadd.s32 $0xFFFFFEC0  }
0x3d: {  	[spmem:s2] =	stream.indirect.scatter.add.f32 [tilespmem:s14], [sflag:$0x1], $0x8, s28, s18, $0xb8;
	[tilespmem:$0x7670] =	vst v63  }
0x3e: {  	s29 =	simm.s32 $0x27B0;
	s28 =	simm.s32 $0x320  }
.LBB2_2:
0x3f: {  	[spmem:s3] =	stream.indirect.scatter.add.f32 [tilespmem:s14], [sflag:$0x2], $0x8, s29, s18, $0xb8;
	[tilespmem:$0x7670] =	vst v63  }
0x40: {  	s29 =	smov.u32 s28  }
0x41: {  	p0 =	sne.s32 s28, $0x9BA0;
	s28 =	sadd.s32 $0xA0, s28;
	_ =	swait.ge [sflag:s24], $0x140  }
0x42: {  	[sflag:s24] =	ssyncset.done $0x0  }
0x43: {  	[sflag:s24] =	ssyncadd.s32 $0xFFFFFEC0  }
.Ltmp0:
0x44: {  	_ =	swait.ge [sflag:s25], $0x140;
	(pc) =	sbr.rel @p0 .LBB2_2-.Ltmp0, $4  }
0x45: {  	[sflag:s25] =	ssyncset.done $0x0  }
0x46: {  	s29 =	sshra.s32 s29, $0x2;
	[sflag:s25] =	ssyncadd.s32 $0xFFFFFEC0  }
0x47: {  	[spmem:s2] =	stream.indirect.scatter.add.f32 [tilespmem:s14], [sflag:$0x1], $0x8, s29, s18, $0xb8;
	[tilespmem:$0x7670] =	vst v63  }
0x48: {  	s29 =	sadd.s32 $0x2710, s29  }
0x49: {  	[spmem:s3] =	stream.indirect.scatter.add.f32 [tilespmem:s14], [sflag:$0x2], $0x8, s29, s18, $0xb8;
	[tilespmem:$0x7670] =	vst v63  }
0x4a: {  	_ =	swait.ge [sflag:s24], $0x140  }
0x4b: {  	[sflag:s24] =	ssyncset.done $0x0  }
0x4c: {  	[sflag:s24] =	ssyncadd.s32 $0xFFFFFEC0  }
0x4d: {  	_ =	swait.ge [sflag:s25], $0x140  }
0x4e: {  	[sflag:s25] =	ssyncset.done $0x0  }
0x4f: {  	[sflag:s25] =	ssyncadd.s32 $0xFFFFFEC0  }
0x50: {  	_ =	swait.ge [sflag:s24], $0x140  }
0x51: {  	[sflag:s24] =	ssyncset.done $0x0  }
0x52: {  	[sflag:s24] =	ssyncadd.s32 $0xFFFFFEC0  }
0x53: {  	_ =	swait.ge [sflag:s25], $0x140  }
0x54: {  	[sflag:s25] =	ssyncset.done $0x0  }
0x55: {  	[sflag:s25] =	ssyncadd.s32 $0xFFFFFEC0  }
0x56: {  	_ =	swait.ge [sflag:s24], $0x140  }
0x57: {  	[sflag:s24] =	ssyncset.done $0x0  }
0x58: {  	[sflag:s24] =	ssyncadd.s32 $0xFFFFFEC0  }
0x59: {  	_ =	swait.ge [sflag:s25], $0x140  }
0x5a: {  	[sflag:s25] =	ssyncset.done $0x0  }
0x5b: {  	[sflag:s25] =	ssyncadd.s32 $0xFFFFFEC0  }
0x5c: {  	_ =	swait.ge [sflag:s24], $0x140  }
0x5d: {  	[sflag:s24] =	ssyncset.done $0x0  }
0x5e: {  	[sflag:s24] =	ssyncadd.s32 $0xFFFFFEC0  }
0x5f: {  	_ =	swait.ge [sflag:s25], $0x140  }
0x60: {  	[sflag:s25] =	ssyncset.done $0x0  }
0x61: {  	[sflag:s25] =	ssyncadd.s32 $0xFFFFFEC0  }
0x62: {  	[bflag:$0x0] =	sbarrier.arrive $0xFFFF  }
0x63: {  	[hbm:s9], [sflag:s15] =	dma.local [spmem:s16], $0x271  }
0x64: {  	s26 =	sadd.s32 $0x1, s26;
	_ =	swait.ge [sflag:s12], $0x271  }
0x65: {  	p0 =	sne.s32 s26, s11;
	[sflag:s12] =	ssyncset.done $0x0  }
.Ltmp1:
0x66: {  	[sflag:s12] =	ssyncadd.s32 $0xFFFFFD8F;
	(pc) =	sbr.rel @p0 .LBB2_1-.Ltmp1, $4  }
0x67: {  	[hbm:s10], [sflag:s15] =	dma.local [spmem:s17], $0x271  }
0x68: {  	_ =	swait.ge [sflag:s12], $0x271  }
0x69: {  	[sflag:s12] =	ssyncset.done $0x0  }
0x6a: {  	[sflag:s12] =	ssyncadd.s32 $0xFFFFFD8F  }
0x6b: {  	_ =	sfence.sel $0x180000  }
0x6c: {  	[bflag:$0x0] =	sbarrier.arrive $0xFFFF  }
0x6d: {  	p0 =	sne.s32 s1, $0x0;
	_ =	strace $0x90000047  }
0x6e: {  	s0 =	sadd.s32 @!p0 $0x100000, s0;
	[bflag:$0x2] =	sbarrier.arrive $0xFFFF  }
0x6f: {  	[sflag:s0] =	ssyncadd.tile.s32 @!p0 $0x1;
	_ =	shalt  }
.Lfunc_end2:
_tile_overlayer_lowered:
.L_overlay_start_2:
0x70: {  	(tag) =	ssettag $0x2  }
0x71: {  	s0 =	rddreg [dreg:$0x0];
	s2 =	stileid.u32  }
0x72: {  	s1 =	rddreg [dreg:$0x1];
	p0 =	sne.s32 s2, $0x0  }
0x73: {  	s3 =	rddreg [dreg:$0x2];
	[bflag:$0x3] =	sbarrier.arrive $0xFFFF;
	s2 =	simm.s32 @!p0 $0x1C03  }
0x74: {  	[timem:s3], [sflag:s2] =	dma.local @!p0 [hbm:s0], s1  }
0x75: {  	s0 =	simm.s32 @!p0 $0x3  }
0x76: {  	_ =	swait.ge @!p0 [sflag:s0], s1  }
0x77: {  	s1 =	ssub.s32 @!p0 $0x0, s1;
	[sflag:s0] =	ssyncset.done @!p0 $0x0  }
0x78: {  	[sflag:s0] =	ssyncadd.s32 @!p0 s1  }
0x79: {  	[bflag:$0x3] =	sbarrier.arrive $0xFFFF  }
0x7a: {  	_ =	shalt  }

</sc_bundles>
